<compile_context>
chip_gen: v7x
topology: tpu7x:2x2x1
jax: 0.10.2.dev20260603
libtpu: 0.0.44.dev20260713+nightly
codegen_flags: <defaults>
</compile_context>

<pallas_src>
import jax
import jax.numpy as jnp
from jax import lax
from jax.experimental import pallas as pl
from jax.experimental.pallas import tpu as pltpu
from jax.experimental.pallas import tpu_sc as plsc

_B, _T = 16, 4096
_L = 16
_NBLK = _T // _L
_CH = 128
_NCH = _T // _CH
_TPW = 4


def _body(pred_hbm, out_hbm, len_hbm, stage_in, stage_out, len_sh,
          in_v, out_v, len_v, diag_v, sem_in, sem_row, sem_out):
    w = lax.axis_index("s")

    loads = []
    for j in range(_TPW):
        t = w * _TPW + j
        br = t // _NCH
        kk = t % _NCH
        loads.append(pltpu.async_copy(
            pred_hbm.at[
                pl.ds(pl.multiple_of(br * 8, 8), 8),
                pl.ds(pl.multiple_of(kk * _CH, _CH), _CH),
            ],
            stage_in.at[br, kk],
            sem_in,
        ))
    in_v[pl.ds(0, _L)] = jnp.zeros((_L,), jnp.int32)

    for cp in loads:
        cp.wait()
    plsc.subcore_barrier()

    rbr = w // 8
    rr = w % 8
    rows = [
        pltpu.async_copy(
            stage_in.at[rbr, k, rr],
            in_v.at[pl.ds(_L + k * _CH, _CH)],
            sem_row,
        )
        for k in range(_NCH)
    ]
    for cp in rows:
        cp.wait()

    iota = lax.iota(jnp.int32, _L)
    iota1 = iota + jnp.ones((_L,), jnp.int32)
    zero_v = jnp.zeros((_L,), jnp.int32)
    one_v = jnp.ones((_L,), jnp.int32)

    def step(i, cnt_vec):
        x = in_v[pl.ds(_L + i * _L, _L)]
        xp = in_v[pl.ds(_L - 1 + i * _L, _L)]
        m = (x != xp) & (x != zero_v)
        mi = jnp.where(m, one_v, zero_v)
        cum = plsc.cumsum(mi)
        pc = plsc.all_reduce_population_count(m)
        kept_dest = cnt_vec + cum - one_v
        top = jnp.full((_L,), _T - i * _L, jnp.int32)
        drop_dest = top + cnt_vec - iota1 + cum
        dest = jnp.where(m, kept_dest, drop_dest)
        val = jnp.where(m, x, zero_v)
        plsc.store_scatter(out_v, [dest], val)
        return cnt_vec + pc

    cnt_vec = lax.fori_loop(0, _NBLK, step, jnp.zeros((_L,), jnp.int32))

    rows_out = [
        pltpu.async_copy(
            out_v.at[pl.ds(k * _CH, _CH)],
            stage_out.at[rbr, k, rr],
            sem_row,
        )
        for k in range(_NCH)
    ]
    len_v[...] = cnt_vec
    pltpu.sync_copy(len_v, len_sh.at[w])
    for cp in rows_out:
        cp.wait()
    plsc.subcore_barrier()

    stores = []
    for j in range(_TPW):
        t = w * _TPW + j
        br = t // _NCH
        kk = t % _NCH
        stores.append(pltpu.async_copy(
            stage_out.at[br, kk],
            out_hbm.at[
                pl.ds(pl.multiple_of(br * 8, 8), 8),
                pl.ds(pl.multiple_of(kk * _CH, _CH), _CH),
            ],
            sem_out,
        ))

    @pl.when(w == 0)
    def _():
        pltpu.sync_copy(len_sh, diag_v)
        lens = plsc.load_gather(diag_v, [iota, iota])
        len_v[...] = lens
        pltpu.sync_copy(len_v, len_hbm)

    for cp in stores:
        cp.wait()


@jax.jit
def _run(predictions):
    mesh = plsc.VectorSubcoreMesh(
        core_axis_name="c", subcore_axis_name="s", num_cores=1, num_subcores=16
    )
    k = pl.kernel(
        _body,
        out_type=[
            jax.ShapeDtypeStruct((_B, _T), jnp.int32),
            jax.ShapeDtypeStruct((_B,), jnp.int32),
        ],
        mesh=mesh,
        scratch_types=[
            pltpu.VMEM_SHARED((2, _NCH, 8, _CH), jnp.int32),
            pltpu.VMEM_SHARED((2, _NCH, 8, _CH), jnp.int32),
            pltpu.VMEM_SHARED((_B, _L), jnp.int32),
            pltpu.VMEM((_L + _T,), jnp.int32),
            pltpu.VMEM((_T,), jnp.int32),
            pltpu.VMEM((_L,), jnp.int32),
            pltpu.VMEM((_B, _L), jnp.int32),
            pltpu.SemaphoreType.DMA,
            pltpu.SemaphoreType.DMA,
            pltpu.SemaphoreType.DMA,
        ],
        compiler_params=pltpu.CompilerParams(
            needs_layout_passes=False,
            use_tc_tiling_on_sc=True,
            disable_bounds_checks=True,
            disable_semaphore_checks=True,
            skip_device_barrier=True,
        ),
    )
    compact, lens = k(predictions)
    return compact, lens


def kernel(predictions):
    return _run(predictions)

# --- scband reference (transcript-rebuilt; emitter-appended) ---
"""Pipeline reference for scband-batch-text-transformer-15015205667082 (READ-ONLY COPY).

The authoritative reference and input builder live on the scoring server;
editing this copy changes nothing except your own understanding.
"""

import jax, jax.numpy as jnp
import numpy as np

B, T, V = 16, 4096, 29
BLANK_IDX = 0  # blank token index in vocabulary
PAD_IDX = 0    # padding value for collapsed output


def setup_inputs(seed: int = 0) -> dict:
    key = jax.random.key(seed)
    predictions = jax.random.randint(key, (B, T), 0, V, dtype=jnp.int32)
    return {"predictions": predictions}


def reference(predictions):
    # Numeric core of BatchTextTransformer.decode_prediction:
    # per-row torch.unique_consecutive (remove repeated ids) followed by
    # blank-token removal (vocab.decode_into_text / remove_special_tokens drop blanks),
    # producing a left-packed padded id tensor plus per-row lengths.
    prev = jnp.concatenate(
        [jnp.full((B, 1), -1, dtype=predictions.dtype), predictions[:, :-1]], axis=1
    )
    keep = (predictions != prev) & (predictions != BLANK_IDX)
    # stable argsort on ~keep moves kept elements to the front, preserving order
    order = jnp.argsort(jnp.logical_not(keep).astype(jnp.int32), axis=1, stable=True)
    compact = jnp.take_along_axis(predictions, order, axis=1)
    lengths = keep.sum(axis=1).astype(jnp.int32)
    pos = jnp.arange(T, dtype=jnp.int32)[None, :]
    compact = jnp.where(pos < lengths[:, None], compact, PAD_IDX)
    return compact, lengths

if __name__ == "__main__":
    import jax
    _d = setup_inputs()
    print(jax.jit(kernel)(*tuple(_d.values())))

</pallas_src>

<mosaic_0001>
#map = affine_map<(d0, d1) -> (0, 0)>
#map1 = affine_map<(d0, d1) -> (0)>
module attributes {stable_mosaic.version = 14 : i64} {
  func.func @_body(%arg0: i32, %arg1: i32, %arg2: memref<16x4096xi32, #tpu.memory_space<hbm>>, %arg3: memref<16x4096xi32, #tpu.memory_space<hbm>>, %arg4: memref<16xi32, #tpu.memory_space<hbm>>, %arg5: memref<2x32x8x128xi32, #tpu.memory_space<vmem_shared>>, %arg6: memref<2x32x8x128xi32, #tpu.memory_space<vmem_shared>>, %arg7: memref<16x16xi32, #tpu.memory_space<vmem_shared>>, %arg8: memref<4112xi32, #tpu.memory_space<vmem>>, %arg9: memref<4096xi32, #tpu.memory_space<vmem>>, %arg10: memref<16xi32, #tpu.memory_space<vmem>>, %arg11: memref<16x16xi32, #tpu.memory_space<vmem>>, %arg12: memref<!tpu.dma_semaphore, #tpu.memory_space<semaphore_mem>>, %arg13: memref<!tpu.dma_semaphore, #tpu.memory_space<semaphore_mem>>, %arg14: memref<!tpu.dma_semaphore, #tpu.memory_space<semaphore_mem>>) attributes {dimension_semantics = [#tpu.dimension_semantics<core_parallel>, #tpu.dimension_semantics<subcore_parallel>], iteration_bounds = array<i64: 1, 16>, scalar_prefetch = 0 : i64, scratch_operands = 10 : i64, tpu.core_type = #tpu.core_type<sc_vector_subcore>, window_params = [{transform_indices = #map}, {transform_indices = #map}, {transform_indices = #map1}]} {
    %mul3A = arith.constant 4 : i32
    %mul3A_0 = arith.muli %arg1, %mul3A : i32
    %add3A = arith.constant 0 : i32
    %add3A_1 = arith.addi %mul3A_0, %add3A : i32
    %jit3A = arith.constant 32 : i32
    %div3A = arith.divsi %add3A_1, %jit3A : i32
    %sign3A = arith.constant 0 : i32
    %sign3A_2 = arith.cmpi sgt, %add3A_1, %sign3A : i32
    %sign3A_3 = arith.extui %sign3A_2 : i1 to i32
    %sign3A_4 = arith.constant 0 : i32
    %sign3A_5 = arith.cmpi slt, %add3A_1, %sign3A_4 : i32
    %sign3A_6 = arith.extui %sign3A_5 : i1 to i32
    %sign3A_7 = arith.subi %sign3A_3, %sign3A_6 : i32
    %sign3A_8 = arith.constant 0 : i32
    %sign3A_9 = arith.cmpi sgt, %jit3A, %sign3A_8 : i32
    %sign3A_10 = arith.extui %sign3A_9 : i1 to i32
    %sign3A_11 = arith.constant 0 : i32
    %sign3A_12 = arith.cmpi slt, %jit3A, %sign3A_11 : i32
    %sign3A_13 = arith.extui %sign3A_12 : i1 to i32
    %sign3A_14 = arith.subi %sign3A_10, %sign3A_13 : i32
    %ne3A = arith.cmpi ne, %sign3A_7, %sign3A_14 : i32
    %rem3A = arith.remsi %add3A_1, %jit3A : i32
    %ne3A_15 = arith.constant 0 : i32
    %ne3A_16 = arith.cmpi ne, %rem3A, %ne3A_15 : i32
    %and3A = arith.andi %ne3A, %ne3A_16 : i1
    %sub3A = arith.constant 1 : i32
    %sub3A_17 = arith.subi %div3A, %sub3A : i32
    %select_n3A = arith.select %and3A, %sub3A_17, %div3A : i32
    %jit3A_18 = arith.constant 32 : i32
    %eq3A = arith.constant 0 : i32
    %eq3A_19 = arith.cmpi eq, %jit3A_18, %eq3A : i32
    %jit3A_20 = arith.constant 1 : i32
    %select_n3A_21 = arith.select %eq3A_19, %jit3A_20, %jit3A_18 : i32
    %rem3A_22 = arith.remsi %add3A_1, %select_n3A_21 : i32
    %ne3A_23 = arith.constant 0 : i32
    %ne3A_24 = arith.cmpi ne, %rem3A_22, %ne3A_23 : i32
    %lt3A = arith.constant 0 : i32
    %lt3A_25 = arith.cmpi slt, %rem3A_22, %lt3A : i32
    %lt3A_26 = arith.constant 0 : i32
    %lt3A_27 = arith.cmpi slt, %select_n3A_21, %lt3A_26 : i32
    %ne3A_28 = arith.xori %lt3A_25, %lt3A_27 : i1
    %and3A_29 = arith.andi %ne3A_28, %ne3A_24 : i1
    %add3A_30 = arith.addi %rem3A_22, %select_n3A_21 : i32
    %select_n3A_31 = arith.select %and3A_29, %add3A_30, %rem3A_22 : i32
    %mul3A_32 = arith.constant 8 : i32
    %mul3A_33 = arith.muli %select_n3A, %mul3A_32 : i32
    %multiple_of3A = tpu.assume_multiple %mul3A_33, 8 : i32
    %mul3A_34 = arith.constant 128 : i32
    %mul3A_35 = arith.muli %select_n3A_31, %mul3A_34 : i32
    %multiple_of3A_36 = tpu.assume_multiple %mul3A_35, 128 : i32
    %dma_start3A = arith.constant 0 : i32
    %dma_start3A_37 = arith.constant 0 : i32
    %dma_start3A_38 = tpu.memref_slice %arg5[%select_n3A, %select_n3A_31, %dma_start3A, %dma_start3A_37] : memref<2x32x8x128xi32, #tpu.memory_space<vmem_shared>> -> memref<1x1x8x128xi32, #tpu.memory_space<vmem_shared>>
    %dma_start3A_39 = tpu.memref_squeeze %dma_start3A_38 : memref<1x1x8x128xi32, #tpu.memory_space<vmem_shared>> -> memref<8x128xi32, #tpu.memory_space<vmem_shared>>
    %dma_start3A_40 = tpu.memref_slice %arg2[%multiple_of3A, %multiple_of3A_36] : memref<16x4096xi32, #tpu.memory_space<hbm>> -> memref<8x128xi32, #tpu.memory_space<hbm>>
    tpu.enqueue_dma source(%dma_start3A_40 : memref<8x128xi32, #tpu.memory_space<hbm>>) target(%dma_start3A_39 : memref<8x128xi32, #tpu.memory_space<vmem_shared>>) target_semaphore(%arg12 : memref<!tpu.dma_semaphore, #tpu.memory_space<semaphore_mem>>)
    %mul3A_41 = arith.constant 4 : i32
    %mul3A_42 = arith.muli %arg1, %mul3A_41 : i32
    %add3A_43 = arith.constant 1 : i32
    %add3A_44 = arith.addi %mul3A_42, %add3A_43 : i32
    %jit3A_45 = arith.constant 32 : i32
    %div3A_46 = arith.divsi %add3A_44, %jit3A_45 : i32
    %sign3A_47 = arith.constant 0 : i32
    %sign3A_48 = arith.cmpi sgt, %add3A_44, %sign3A_47 : i32
    %sign3A_49 = arith.extui %sign3A_48 : i1 to i32
    %sign3A_50 = arith.constant 0 : i32
    %sign3A_51 = arith.cmpi slt, %add3A_44, %sign3A_50 : i32
    %sign3A_52 = arith.extui %sign3A_51 : i1 to i32
    %sign3A_53 = arith.subi %sign3A_49, %sign3A_52 : i32
    %sign3A_54 = arith.constant 0 : i32
    %sign3A_55 = arith.cmpi sgt, %jit3A_45, %sign3A_54 : i32
    %sign3A_56 = arith.extui %sign3A_55 : i1 to i32
    %sign3A_57 = arith.constant 0 : i32
    %sign3A_58 = arith.cmpi slt, %jit3A_45, %sign3A_57 : i32
    %sign3A_59 = arith.extui %sign3A_58 : i1 to i32
    %sign3A_60 = arith.subi %sign3A_56, %sign3A_59 : i32
    %ne3A_61 = arith.cmpi ne, %sign3A_53, %sign3A_60 : i32
    %rem3A_62 = arith.remsi %add3A_44, %jit3A_45 : i32
    %ne3A_63 = arith.constant 0 : i32
    %ne3A_64 = arith.cmpi ne, %rem3A_62, %ne3A_63 : i32
    %and3A_65 = arith.andi %ne3A_61, %ne3A_64 : i1
    %sub3A_66 = arith.constant 1 : i32
    %sub3A_67 = arith.subi %div3A_46, %sub3A_66 : i32
    %select_n3A_68 = arith.select %and3A_65, %sub3A_67, %div3A_46 : i32
    %jit3A_69 = arith.constant 32 : i32
    %eq3A_70 = arith.constant 0 : i32
    %eq3A_71 = arith.cmpi eq, %jit3A_69, %eq3A_70 : i32
    %jit3A_72 = arith.constant 1 : i32
    %select_n3A_73 = arith.select %eq3A_71, %jit3A_72, %jit3A_69 : i32
    %rem3A_74 = arith.remsi %add3A_44, %select_n3A_73 : i32
    %ne3A_75 = arith.constant 0 : i32
    %ne3A_76 = arith.cmpi ne, %rem3A_74, %ne3A_75 : i32
    %lt3A_77 = arith.constant 0 : i32
    %lt3A_78 = arith.cmpi slt, %rem3A_74, %lt3A_77 : i32
    %lt3A_79 = arith.constant 0 : i32
    %lt3A_80 = arith.cmpi slt, %select_n3A_73, %lt3A_79 : i32
    %ne3A_81 = arith.xori %lt3A_78, %lt3A_80 : i1
    %and3A_82 = arith.andi %ne3A_81, %ne3A_76 : i1
    %add3A_83 = arith.addi %rem3A_74, %select_n3A_73 : i32
    %select_n3A_84 = arith.select %and3A_82, %add3A_83, %rem3A_74 : i32
    %mul3A_85 = arith.constant 8 : i32
    %mul3A_86 = arith.muli %select_n3A_68, %mul3A_85 : i32
    %multiple_of3A_87 = tpu.assume_multiple %mul3A_86, 8 : i32
    %mul3A_88 = arith.constant 128 : i32
    %mul3A_89 = arith.muli %select_n3A_84, %mul3A_88 : i32
    %multiple_of3A_90 = tpu.assume_multiple %mul3A_89, 128 : i32
    %dma_start3A_91 = arith.constant 0 : i32
    %dma_start3A_92 = arith.constant 0 : i32
    %dma_start3A_93 = tpu.memref_slice %arg5[%select_n3A_68, %select_n3A_84, %dma_start3A_91, %dma_start3A_92] : memref<2x32x8x128xi32, #tpu.memory_space<vmem_shared>> -> memref<1x1x8x128xi32, #tpu.memory_space<vmem_shared>>
    %dma_start3A_94 = tpu.memref_squeeze %dma_start3A_93 : memref<1x1x8x128xi32, #tpu.memory_space<vmem_shared>> -> memref<8x128xi32, #tpu.memory_space<vmem_shared>>
    %dma_start3A_95 = tpu.memref_slice %arg2[%multiple_of3A_87, %multiple_of3A_90] : memref<16x4096xi32, #tpu.memory_space<hbm>> -> memref<8x128xi32, #tpu.memory_space<hbm>>
    tpu.enqueue_dma source(%dma_start3A_95 : memref<8x128xi32, #tpu.memory_space<hbm>>) target(%dma_start3A_94 : memref<8x128xi32, #tpu.memory_space<vmem_shared>>) target_semaphore(%arg12 : memref<!tpu.dma_semaphore, #tpu.memory_space<semaphore_mem>>)
    %mul3A_96 = arith.constant 4 : i32
    %mul3A_97 = arith.muli %arg1, %mul3A_96 : i32
    %add3A_98 = arith.constant 2 : i32
    %add3A_99 = arith.addi %mul3A_97, %add3A_98 : i32
    %jit3A_100 = arith.constant 32 : i32
    %div3A_101 = arith.divsi %add3A_99, %jit3A_100 : i32
    %sign3A_102 = arith.constant 0 : i32
    %sign3A_103 = arith.cmpi sgt, %add3A_99, %sign3A_102 : i32
    %sign3A_104 = arith.extui %sign3A_103 : i1 to i32
    %sign3A_105 = arith.constant 0 : i32
    %sign3A_106 = arith.cmpi slt, %add3A_99, %sign3A_105 : i32
    %sign3A_107 = arith.extui %sign3A_106 : i1 to i32
    %sign3A_108 = arith.subi %sign3A_104, %sign3A_107 : i32
    %sign3A_109 = arith.constant 0 : i32
    %sign3A_110 = arith.cmpi sgt, %jit3A_100, %sign3A_109 : i32
    %sign3A_111 = arith.extui %sign3A_110 : i1 to i32
    %sign3A_112 = arith.constant 0 : i32
    %sign3A_113 = arith.cmpi slt, %jit3A_100, %sign3A_112 : i32
    %sign3A_114 = arith.extui %sign3A_113 : i1 to i32
    %sign3A_115 = arith.subi %sign3A_111, %sign3A_114 : i32
    %ne3A_116 = arith.cmpi ne, %sign3A_108, %sign3A_115 : i32
    %rem3A_117 = arith.remsi %add3A_99, %jit3A_100 : i32
    %ne3A_118 = arith.constant 0 : i32
    %ne3A_119 = arith.cmpi ne, %rem3A_117, %ne3A_118 : i32
    %and3A_120 = arith.andi %ne3A_116, %ne3A_119 : i1
    %sub3A_121 = arith.constant 1 : i32
    %sub3A_122 = arith.subi %div3A_101, %sub3A_121 : i32
    %select_n3A_123 = arith.select %and3A_120, %sub3A_122, %div3A_101 : i32
    %jit3A_124 = arith.constant 32 : i32
    %eq3A_125 = arith.constant 0 : i32
    %eq3A_126 = arith.cmpi eq, %jit3A_124, %eq3A_125 : i32
    %jit3A_127 = arith.constant 1 : i32
    %select_n3A_128 = arith.select %eq3A_126, %jit3A_127, %jit3A_124 : i32
    %rem3A_129 = arith.remsi %add3A_99, %select_n3A_128 : i32
    %ne3A_130 = arith.constant 0 : i32
    %ne3A_131 = arith.cmpi ne, %rem3A_129, %ne3A_130 : i32
    %lt3A_132 = arith.constant 0 : i32
    %lt3A_133 = arith.cmpi slt, %rem3A_129, %lt3A_132 : i32
    %lt3A_134 = arith.constant 0 : i32
    %lt3A_135 = arith.cmpi slt, %select_n3A_128, %lt3A_134 : i32
    %ne3A_136 = arith.xori %lt3A_133, %lt3A_135 : i1
    %and3A_137 = arith.andi %ne3A_136, %ne3A_131 : i1
    %add3A_138 = arith.addi %rem3A_129, %select_n3A_128 : i32
    %select_n3A_139 = arith.select %and3A_137, %add3A_138, %rem3A_129 : i32
    %mul3A_140 = arith.constant 8 : i32
    %mul3A_141 = arith.muli %select_n3A_123, %mul3A_140 : i32
    %multiple_of3A_142 = tpu.assume_multiple %mul3A_141, 8 : i32
    %mul3A_143 = arith.constant 128 : i32
    %mul3A_144 = arith.muli %select_n3A_139, %mul3A_143 : i32
    %multiple_of3A_145 = tpu.assume_multiple %mul3A_144, 128 : i32
    %dma_start3A_146 = arith.constant 0 : i32
    %dma_start3A_147 = arith.constant 0 : i32
    %dma_start3A_148 = tpu.memref_slice %arg5[%select_n3A_123, %select_n3A_139, %dma_start3A_146, %dma_start3A_147] : memref<2x32x8x128xi32, #tpu.memory_space<vmem_shared>> -> memref<1x1x8x128xi32, #tpu.memory_space<vmem_shared>>
    %dma_start3A_149 = tpu.memref_squeeze %dma_start3A_148 : memref<1x1x8x128xi32, #tpu.memory_space<vmem_shared>> -> memref<8x128xi32, #tpu.memory_space<vmem_shared>>
    %dma_start3A_150 = tpu.memref_slice %arg2[%multiple_of3A_142, %multiple_of3A_145] : memref<16x4096xi32, #tpu.memory_space<hbm>> -> memref<8x128xi32, #tpu.memory_space<hbm>>
    tpu.enqueue_dma source(%dma_start3A_150 : memref<8x128xi32, #tpu.memory_space<hbm>>) target(%dma_start3A_149 : memref<8x128xi32, #tpu.memory_space<vmem_shared>>) target_semaphore(%arg12 : memref<!tpu.dma_semaphore, #tpu.memory_space<semaphore_mem>>)
    %mul3A_151 = arith.constant 4 : i32
    %mul3A_152 = arith.muli %arg1, %mul3A_151 : i32
    %add3A_153 = arith.constant 3 : i32
    %add3A_154 = arith.addi %mul3A_152, %add3A_153 : i32
    %jit3A_155 = arith.constant 32 : i32
    %div3A_156 = arith.divsi %add3A_154, %jit3A_155 : i32
    %sign3A_157 = arith.constant 0 : i32
    %sign3A_158 = arith.cmpi sgt, %add3A_154, %sign3A_157 : i32
    %sign3A_159 = arith.extui %sign3A_158 : i1 to i32
    %sign3A_160 = arith.constant 0 : i32
    %sign3A_161 = arith.cmpi slt, %add3A_154, %sign3A_160 : i32
    %sign3A_162 = arith.extui %sign3A_161 : i1 to i32
    %sign3A_163 = arith.subi %sign3A_159, %sign3A_162 : i32
    %sign3A_164 = arith.constant 0 : i32
    %sign3A_165 = arith.cmpi sgt, %jit3A_155, %sign3A_164 : i32
    %sign3A_166 = arith.extui %sign3A_165 : i1 to i32
    %sign3A_167 = arith.constant 0 : i32
    %sign3A_168 = arith.cmpi slt, %jit3A_155, %sign3A_167 : i32
    %sign3A_169 = arith.extui %sign3A_168 : i1 to i32
    %sign3A_170 = arith.subi %sign3A_166, %sign3A_169 : i32
    %ne3A_171 = arith.cmpi ne, %sign3A_163, %sign3A_170 : i32
    %rem3A_172 = arith.remsi %add3A_154, %jit3A_155 : i32
    %ne3A_173 = arith.constant 0 : i32
    %ne3A_174 = arith.cmpi ne, %rem3A_172, %ne3A_173 : i32
    %and3A_175 = arith.andi %ne3A_171, %ne3A_174 : i1
    %sub3A_176 = arith.constant 1 : i32
    %sub3A_177 = arith.subi %div3A_156, %sub3A_176 : i32
    %select_n3A_178 = arith.select %and3A_175, %sub3A_177, %div3A_156 : i32
    %jit3A_179 = arith.constant 32 : i32
    %eq3A_180 = arith.constant 0 : i32
    %eq3A_181 = arith.cmpi eq, %jit3A_179, %eq3A_180 : i32
    %jit3A_182 = arith.constant 1 : i32
    %select_n3A_183 = arith.select %eq3A_181, %jit3A_182, %jit3A_179 : i32
    %rem3A_184 = arith.remsi %add3A_154, %select_n3A_183 : i32
    %ne3A_185 = arith.constant 0 : i32
    %ne3A_186 = arith.cmpi ne, %rem3A_184, %ne3A_185 : i32
    %lt3A_187 = arith.constant 0 : i32
    %lt3A_188 = arith.cmpi slt, %rem3A_184, %lt3A_187 : i32
    %lt3A_189 = arith.constant 0 : i32
    %lt3A_190 = arith.cmpi slt, %select_n3A_183, %lt3A_189 : i32
    %ne3A_191 = arith.xori %lt3A_188, %lt3A_190 : i1
    %and3A_192 = arith.andi %ne3A_191, %ne3A_186 : i1
    %add3A_193 = arith.addi %rem3A_184, %select_n3A_183 : i32
    %select_n3A_194 = arith.select %and3A_192, %add3A_193, %rem3A_184 : i32
    %mul3A_195 = arith.constant 8 : i32
    %mul3A_196 = arith.muli %select_n3A_178, %mul3A_195 : i32
    %multiple_of3A_197 = tpu.assume_multiple %mul3A_196, 8 : i32
    %mul3A_198 = arith.constant 128 : i32
    %mul3A_199 = arith.muli %select_n3A_194, %mul3A_198 : i32
    %multiple_of3A_200 = tpu.assume_multiple %mul3A_199, 128 : i32
    %dma_start3A_201 = arith.constant 0 : i32
    %dma_start3A_202 = arith.constant 0 : i32
    %dma_start3A_203 = tpu.memref_slice %arg5[%select_n3A_178, %select_n3A_194, %dma_start3A_201, %dma_start3A_202] : memref<2x32x8x128xi32, #tpu.memory_space<vmem_shared>> -> memref<1x1x8x128xi32, #tpu.memory_space<vmem_shared>>
    %dma_start3A_204 = tpu.memref_squeeze %dma_start3A_203 : memref<1x1x8x128xi32, #tpu.memory_space<vmem_shared>> -> memref<8x128xi32, #tpu.memory_space<vmem_shared>>
    %dma_start3A_205 = tpu.memref_slice %arg2[%multiple_of3A_197, %multiple_of3A_200] : memref<16x4096xi32, #tpu.memory_space<hbm>> -> memref<8x128xi32, #tpu.memory_space<hbm>>
    tpu.enqueue_dma source(%dma_start3A_205 : memref<8x128xi32, #tpu.memory_space<hbm>>) target(%dma_start3A_204 : memref<8x128xi32, #tpu.memory_space<vmem_shared>>) target_semaphore(%arg12 : memref<!tpu.dma_semaphore, #tpu.memory_space<semaphore_mem>>)
    %broadcast_in_dim3A = arith.constant 0 : i32
    %broadcast_in_dim3A_206 = vector.broadcast %broadcast_in_dim3A : i32 to vector<16xi32>
    %swap3A = arith.constant 0 : index
    %swap3A_207 = tpu.vector_load %arg8[%swap3A] {strides = array<i32>} : memref<4112xi32, #tpu.memory_space<vmem>>, vector<16xi32>,
    tpu.vector_store %arg8[%swap3A], %broadcast_in_dim3A_206 {strides = array<i32>} : memref<4112xi32, #tpu.memory_space<vmem>>, vector<16xi32>,
    %dma_wait3A = arith.constant 0 : i32
    %dma_wait3A_208 = arith.constant 0 : i32
    %dma_wait3A_209 = tpu.memref_slice %arg5[%select_n3A, %select_n3A_31, %dma_wait3A, %dma_wait3A_208] : memref<2x32x8x128xi32, #tpu.memory_space<vmem_shared>> -> memref<1x1x8x128xi32, #tpu.memory_space<vmem_shared>>
    %dma_wait3A_210 = tpu.memref_squeeze %dma_wait3A_209 : memref<1x1x8x128xi32, #tpu.memory_space<vmem_shared>> -> memref<8x128xi32, #tpu.memory_space<vmem_shared>>
    %dma_wait3A_211 = tpu.memref_slice %arg2[%multiple_of3A, %multiple_of3A_36] : memref<16x4096xi32, #tpu.memory_space<hbm>> -> memref<8x128xi32, #tpu.memory_space<hbm>>
    tpu.wait_dma2 semaphore(%arg12 : memref<!tpu.dma_semaphore, #tpu.memory_space<semaphore_mem>>) src(%dma_wait3A_211 : memref<8x128xi32, #tpu.memory_space<hbm>>) dst(%dma_wait3A_210 : memref<8x128xi32, #tpu.memory_space<vmem_shared>>)
    %dma_wait3A_212 = arith.constant 0 : i32
    %dma_wait3A_213 = arith.constant 0 : i32
    %dma_wait3A_214 = tpu.memref_slice %arg5[%select_n3A_68, %select_n3A_84, %dma_wait3A_212, %dma_wait3A_213] : memref<2x32x8x128xi32, #tpu.memory_space<vmem_shared>> -> memref<1x1x8x128xi32, #tpu.memory_space<vmem_shared>>
    %dma_wait3A_215 = tpu.memref_squeeze %dma_wait3A_214 : memref<1x1x8x128xi32, #tpu.memory_space<vmem_shared>> -> memref<8x128xi32, #tpu.memory_space<vmem_shared>>
    %dma_wait3A_216 = tpu.memref_slice %arg2[%multiple_of3A_87, %multiple_of3A_90] : memref<16x4096xi32, #tpu.memory_space<hbm>> -> memref<8x128xi32, #tpu.memory_space<hbm>>
    tpu.wait_dma2 semaphore(%arg12 : memref<!tpu.dma_semaphore, #tpu.memory_space<semaphore_mem>>) src(%dma_wait3A_216 : memref<8x128xi32, #tpu.memory_space<hbm>>) dst(%dma_wait3A_215 : memref<8x128xi32, #tpu.memory_space<vmem_shared>>)
    %dma_wait3A_217 = arith.constant 0 : i32
    %dma_wait3A_218 = arith.constant 0 : i32
    %dma_wait3A_219 = tpu.memref_slice %arg5[%select_n3A_123, %select_n3A_139, %dma_wait3A_217, %dma_wait3A_218] : memref<2x32x8x128xi32, #tpu.memory_space<vmem_shared>> -> memref<1x1x8x128xi32, #tpu.memory_space<vmem_shared>>
    %dma_wait3A_220 = tpu.memref_squeeze %dma_wait3A_219 : memref<1x1x8x128xi32, #tpu.memory_space<vmem_shared>> -> memref<8x128xi32, #tpu.memory_space<vmem_shared>>
    %dma_wait3A_221 = tpu.memref_slice %arg2[%multiple_of3A_142, %multiple_of3A_145] : memref<16x4096xi32, #tpu.memory_space<hbm>> -> memref<8x128xi32, #tpu.memory_space<hbm>>
    tpu.wait_dma2 semaphore(%arg12 : memref<!tpu.dma_semaphore, #tpu.memory_space<semaphore_mem>>) src(%dma_wait3A_221 : memref<8x128xi32, #tpu.memory_space<hbm>>) dst(%dma_wait3A_220 : memref<8x128xi32, #tpu.memory_space<vmem_shared>>)
    %dma_wait3A_222 = arith.constant 0 : i32
    %dma_wait3A_223 = arith.constant 0 : i32
    %dma_wait3A_224 = tpu.memref_slice %arg5[%select_n3A_178, %select_n3A_194, %dma_wait3A_222, %dma_wait3A_223] : memref<2x32x8x128xi32, #tpu.memory_space<vmem_shared>> -> memref<1x1x8x128xi32, #tpu.memory_space<vmem_shared>>
    %dma_wait3A_225 = tpu.memref_squeeze %dma_wait3A_224 : memref<1x1x8x128xi32, #tpu.memory_space<vmem_shared>> -> memref<8x128xi32, #tpu.memory_space<vmem_shared>>
    %dma_wait3A_226 = tpu.memref_slice %arg2[%multiple_of3A_197, %multiple_of3A_200] : memref<16x4096xi32, #tpu.memory_space<hbm>> -> memref<8x128xi32, #tpu.memory_space<hbm>>
    tpu.wait_dma2 semaphore(%arg12 : memref<!tpu.dma_semaphore, #tpu.memory_space<semaphore_mem>>) src(%dma_wait3A_226 : memref<8x128xi32, #tpu.memory_space<hbm>>) dst(%dma_wait3A_225 : memref<8x128xi32, #tpu.memory_space<vmem_shared>>)
    %barrier3A = arith.constant 0 : index
    tpu.barrier barrier_id(%barrier3A)
    %jit3A_227 = arith.constant 8 : i32
    %div3A_228 = arith.divsi %arg1, %jit3A_227 : i32
    %sign3A_229 = arith.constant 0 : i32
    %sign3A_230 = arith.cmpi sgt, %arg1, %sign3A_229 : i32
    %sign3A_231 = arith.extui %sign3A_230 : i1 to i32
    %sign3A_232 = arith.constant 0 : i32
    %sign3A_233 = arith.cmpi slt, %arg1, %sign3A_232 : i32
    %sign3A_234 = arith.extui %sign3A_233 : i1 to i32
    %sign3A_235 = arith.subi %sign3A_231, %sign3A_234 : i32
    %sign3A_236 = arith.constant 0 : i32
    %sign3A_237 = arith.cmpi sgt, %jit3A_227, %sign3A_236 : i32
    %sign3A_238 = arith.extui %sign3A_237 : i1 to i32
    %sign3A_239 = arith.constant 0 : i32
    %sign3A_240 = arith.cmpi slt, %jit3A_227, %sign3A_239 : i32
    %sign3A_241 = arith.extui %sign3A_240 : i1 to i32
    %sign3A_242 = arith.subi %sign3A_238, %sign3A_241 : i32
    %ne3A_243 = arith.cmpi ne, %sign3A_235, %sign3A_242 : i32
    %rem3A_244 = arith.remsi %arg1, %jit3A_227 : i32
    %ne3A_245 = arith.constant 0 : i32
    %ne3A_246 = arith.cmpi ne, %rem3A_244, %ne3A_245 : i32
    %and3A_247 = arith.andi %ne3A_243, %ne3A_246 : i1
    %sub3A_248 = arith.constant 1 : i32
    %sub3A_249 = arith.subi %div3A_228, %sub3A_248 : i32
    %select_n3A_250 = arith.select %and3A_247, %sub3A_249, %div3A_228 : i32
    %jit3A_251 = arith.constant 8 : i32
    %eq3A_252 = arith.constant 0 : i32
    %eq3A_253 = arith.cmpi eq, %jit3A_251, %eq3A_252 : i32
    %jit3A_254 = arith.constant 1 : i32
    %select_n3A_255 = arith.select %eq3A_253, %jit3A_254, %jit3A_251 : i32
    %rem3A_256 = arith.remsi %arg1, %select_n3A_255 : i32
    %ne3A_257 = arith.constant 0 : i32
    %ne3A_258 = arith.cmpi ne, %rem3A_256, %ne3A_257 : i32
    %lt3A_259 = arith.constant 0 : i32
    %lt3A_260 = arith.cmpi slt, %rem3A_256, %lt3A_259 : i32
    %lt3A_261 = arith.constant 0 : i32
    %lt3A_262 = arith.cmpi slt, %select_n3A_255, %lt3A_261 : i32
    %ne3A_263 = arith.xori %lt3A_260, %lt3A_262 : i1
    %and3A_264 = arith.andi %ne3A_263, %ne3A_258 : i1
    %add3A_265 = arith.addi %rem3A_256, %select_n3A_255 : i32
    %select_n3A_266 = arith.select %and3A_264, %add3A_265, %rem3A_256 : i32
    %dma_start3A_267 = arith.constant 0 : i32
    %dma_start3A_268 = arith.constant 16 : i32
    %dma_start3A_269 = tpu.memref_slice %arg8[%dma_start3A_268] : memref<4112xi32, #tpu.memory_space<vmem>> -> memref<128xi32, #tpu.memory_space<vmem>>
    %dma_start3A_270 = arith.constant 0 : i32
    %dma_start3A_271 = tpu.memref_slice %arg5[%select_n3A_250, %dma_start3A_267, %select_n3A_266, %dma_start3A_270] : memref<2x32x8x128xi32, #tpu.memory_space<vmem_shared>> -> memref<1x1x1x128xi32, #tpu.memory_space<vmem_shared>>
    %dma_start3A_272 = tpu.memref_squeeze %dma_start3A_271 : memref<1x1x1x128xi32, #tpu.memory_space<vmem_shared>> -> memref<128xi32, #tpu.memory_space<vmem_shared>>
    %dma_start3A_273 = arith.constant 16 : i32
    %dma_start3A_274 = tpu.memref_slice %arg8[%dma_start3A_273] : memref<4112xi32, #tpu.memory_space<vmem>> -> memref<128xi32, #tpu.memory_space<vmem>>
    %dma_start3A_275 = arith.constant 0 : i32
    %dma_start3A_276 = tpu.memref_slice %arg5[%select_n3A_250, %dma_start3A_267, %select_n3A_266, %dma_start3A_275] : memref<2x32x8x128xi32, #tpu.memory_space<vmem_shared>> -> memref<1x1x1x128xi32, #tpu.memory_space<vmem_shared>>
    %dma_start3A_277 = tpu.memref_squeeze %dma_start3A_276 : memref<1x1x1x128xi32, #tpu.memory_space<vmem_shared>> -> memref<128xi32, #tpu.memory_space<vmem_shared>>
    tpu.enqueue_dma source(%dma_start3A_277 : memref<128xi32, #tpu.memory_space<vmem_shared>>) target(%dma_start3A_274 : memref<128xi32, #tpu.memory_space<vmem>>) target_semaphore(%arg13 : memref<!tpu.dma_semaphore, #tpu.memory_space<semaphore_mem>>)
    %dma_start3A_278 = arith.constant 1 : i32
    %dma_start3A_279 = arith.constant 144 : i32
    %dma_start3A_280 = tpu.memref_slice %arg8[%dma_start3A_279] : memref<4112xi32, #tpu.memory_space<vmem>> -> memref<128xi32, #tpu.memory_space<vmem>>
    %dma_start3A_281 = arith.constant 0 : i32
    %dma_start3A_282 = tpu.memref_slice %arg5[%select_n3A_250, %dma_start3A_278, %select_n3A_266, %dma_start3A_281] : memref<2x32x8x128xi32, #tpu.memory_space<vmem_shared>> -> memref<1x1x1x128xi32, #tpu.memory_space<vmem_shared>>
    %dma_start3A_283 = tpu.memref_squeeze %dma_start3A_282 : memref<1x1x1x128xi32, #tpu.memory_space<vmem_shared>> -> memref<128xi32, #tpu.memory_space<vmem_shared>>
    %dma_start3A_284 = arith.constant 144 : i32
    %dma_start3A_285 = tpu.memref_slice %arg8[%dma_start3A_284] : memref<4112xi32, #tpu.memory_space<vmem>> -> memref<128xi32, #tpu.memory_space<vmem>>
    %dma_start3A_286 = arith.constant 0 : i32
    %dma_start3A_287 = tpu.memref_slice %arg5[%select_n3A_250, %dma_start3A_278, %select_n3A_266, %dma_start3A_286] : memref<2x32x8x128xi32, #tpu.memory_space<vmem_shared>> -> memref<1x1x1x128xi32, #tpu.memory_space<vmem_shared>>
    %dma_start3A_288 = tpu.memref_squeeze %dma_start3A_287 : memref<1x1x1x128xi32, #tpu.memory_space<vmem_shared>> -> memref<128xi32, #tpu.memory_space<vmem_shared>>
    tpu.enqueue_dma source(%dma_start3A_288 : memref<128xi32, #tpu.memory_space<vmem_shared>>) target(%dma_start3A_285 : memref<128xi32, #tpu.memory_space<vmem>>) target_semaphore(%arg13 : memref<!tpu.dma_semaphore, #tpu.memory_space<semaphore_mem>>)
    %dma_start3A_289 = arith.constant 2 : i32
    %dma_start3A_290 = arith.constant 272 : i32
    %dma_start3A_291 = tpu.memref_slice %arg8[%dma_start3A_290] : memref<4112xi32, #tpu.memory_space<vmem>> -> memref<128xi32, #tpu.memory_space<vmem>>
    %dma_start3A_292 = arith.constant 0 : i32
    %dma_start3A_293 = tpu.memref_slice %arg5[%select_n3A_250, %dma_start3A_289, %select_n3A_266, %dma_start3A_292] : memref<2x32x8x128xi32, #tpu.memory_space<vmem_shared>> -> memref<1x1x1x128xi32, #tpu.memory_space<vmem_shared>>
    %dma_start3A_294 = tpu.memref_squeeze %dma_start3A_293 : memref<1x1x1x128xi32, #tpu.memory_space<vmem_shared>> -> memref<128xi32, #tpu.memory_space<vmem_shared>>
    %dma_start3A_295 = arith.constant 272 : i32
    %dma_start3A_296 = tpu.memref_slice %arg8[%dma_start3A_295] : memref<4112xi32, #tpu.memory_space<vmem>> -> memref<128xi32, #tpu.memory_space<vmem>>
    %dma_start3A_297 = arith.constant 0 : i32
    %dma_start3A_298 = tpu.memref_slice %arg5[%select_n3A_250, %dma_start3A_289, %select_n3A_266, %dma_start3A_297] : memref<2x32x8x128xi32, #tpu.memory_space<vmem_shared>> -> memref<1x1x1x128xi32, #tpu.memory_space<vmem_shared>>
    %dma_start3A_299 = tpu.memref_squeeze %dma_start3A_298 : memref<1x1x1x128xi32, #tpu.memory_space<vmem_shared>> -> memref<128xi32, #tpu.memory_space<vmem_shared>>
    tpu.enqueue_dma source(%dma_start3A_299 : memref<128xi32, #tpu.memory_space<vmem_shared>>) target(%dma_start3A_296 : memref<128xi32, #tpu.memory_space<vmem>>) target_semaphore(%arg13 : memref<!tpu.dma_semaphore, #tpu.memory_space<semaphore_mem>>)
    %dma_start3A_300 = arith.constant 3 : i32
    %dma_start3A_301 = arith.constant 400 : i32
    %dma_start3A_302 = tpu.memref_slice %arg8[%dma_start3A_301] : memref<4112xi32, #tpu.memory_space<vmem>> -> memref<128xi32, #tpu.memory_space<vmem>>
    %dma_start3A_303 = arith.constant 0 : i32
    %dma_start3A_304 = tpu.memref_slice %arg5[%select_n3A_250, %dma_start3A_300, %select_n3A_266, %dma_start3A_303] : memref<2x32x8x128xi32, #tpu.memory_space<vmem_shared>> -> memref<1x1x1x128xi32, #tpu.memory_space<vmem_shared>>
    %dma_start3A_305 = tpu.memref_squeeze %dma_start3A_304 : memref<1x1x1x128xi32, #tpu.memory_space<vmem_shared>> -> memref<128xi32, #tpu.memory_space<vmem_shared>>
    %dma_start3A_306 = arith.constant 400 : i32
    %dma_start3A_307 = tpu.memref_slice %arg8[%dma_start3A_306] : memref<4112xi32, #tpu.memory_space<vmem>> -> memref<128xi32, #tpu.memory_space<vmem>>
    %dma_start3A_308 = arith.constant 0 : i32
    %dma_start3A_309 = tpu.memref_slice %arg5[%select_n3A_250, %dma_start3A_300, %select_n3A_266, %dma_start3A_308] : memref<2x32x8x128xi32, #tpu.memory_space<vmem_shared>> -> memref<1x1x1x128xi32, #tpu.memory_space<vmem_shared>>
    %dma_start3A_310 = tpu.memref_squeeze %dma_start3A_309 : memref<1x1x1x128xi32, #tpu.memory_space<vmem_shared>> -> memref<128xi32, #tpu.memory_space<vmem_shared>>
    tpu.enqueue_dma source(%dma_start3A_310 : memref<128xi32, #tpu.memory_space<vmem_shared>>) target(%dma_start3A_307 : memref<128xi32, #tpu.memory_space<vmem>>) target_semaphore(%arg13 : memref<!tpu.dma_semaphore, #tpu.memory_space<semaphore_mem>>)
    %dma_start3A_311 = arith.constant 4 : i32
    %dma_start3A_312 = arith.constant 528 : i32
    %dma_start3A_313 = tpu.memref_slice %arg8[%dma_start3A_312] : memref<4112xi32, #tpu.memory_space<vmem>> -> memref<128xi32, #tpu.memory_space<vmem>>
    %dma_start3A_314 = arith.constant 0 : i32
    %dma_start3A_315 = tpu.memref_slice %arg5[%select_n3A_250, %dma_start3A_311, %select_n3A_266, %dma_start3A_314] : memref<2x32x8x128xi32, #tpu.memory_space<vmem_shared>> -> memref<1x1x1x128xi32, #tpu.memory_space<vmem_shared>>
    %dma_start3A_316 = tpu.memref_squeeze %dma_start3A_315 : memref<1x1x1x128xi32, #tpu.memory_space<vmem_shared>> -> memref<128xi32, #tpu.memory_space<vmem_shared>>
    %dma_start3A_317 = arith.constant 528 : i32
    %dma_start3A_318 = tpu.memref_slice %arg8[%dma_start3A_317] : memref<4112xi32, #tpu.memory_space<vmem>> -> memref<128xi32, #tpu.memory_space<vmem>>
    %dma_start3A_319 = arith.constant 0 : i32
    %dma_start3A_320 = tpu.memref_slice %arg5[%select_n3A_250, %dma_start3A_311, %select_n3A_266, %dma_start3A_319] : memref<2x32x8x128xi32, #tpu.memory_space<vmem_shared>> -> memref<1x1x1x128xi32, #tpu.memory_space<vmem_shared>>
    %dma_start3A_321 = tpu.memref_squeeze %dma_start3A_320 : memref<1x1x1x128xi32, #tpu.memory_space<vmem_shared>> -> memref<128xi32, #tpu.memory_space<vmem_shared>>
    tpu.enqueue_dma source(%dma_start3A_321 : memref<128xi32, #tpu.memory_space<vmem_shared>>) target(%dma_start3A_318 : memref<128xi32, #tpu.memory_space<vmem>>) target_semaphore(%arg13 : memref<!tpu.dma_semaphore, #tpu.memory_space<semaphore_mem>>)
    %dma_start3A_322 = arith.constant 5 : i32
    %dma_start3A_323 = arith.constant 656 : i32
    %dma_start3A_324 = tpu.memref_slice %arg8[%dma_start3A_323] : memref<4112xi32, #tpu.memory_space<vmem>> -> memref<128xi32, #tpu.memory_space<vmem>>
    %dma_start3A_325 = arith.constant 0 : i32
    %dma_start3A_326 = tpu.memref_slice %arg5[%select_n3A_250, %dma_start3A_322, %select_n3A_266, %dma_start3A_325] : memref<2x32x8x128xi32, #tpu.memory_space<vmem_shared>> -> memref<1x1x1x128xi32, #tpu.memory_space<vmem_shared>>
    %dma_start3A_327 = tpu.memref_squeeze %dma_start3A_326 : memref<1x1x1x128xi32, #tpu.memory_space<vmem_shared>> -> memref<128xi32, #tpu.memory_space<vmem_shared>>
    %dma_start3A_328 = arith.constant 656 : i32
    %dma_start3A_329 = tpu.memref_slice %arg8[%dma_start3A_328] : memref<4112xi32, #tpu.memory_space<vmem>> -> memref<128xi32, #tpu.memory_space<vmem>>
    %dma_start3A_330 = arith.constant 0 : i32
    %dma_start3A_331 = tpu.memref_slice %arg5[%select_n3A_250, %dma_start3A_322, %select_n3A_266, %dma_start3A_330] : memref<2x32x8x128xi32, #tpu.memory_space<vmem_shared>> -> memref<1x1x1x128xi32, #tpu.memory_space<vmem_shared>>
    %dma_start3A_332 = tpu.memref_squeeze %dma_start3A_331 : memref<1x1x1x128xi32, #tpu.memory_space<vmem_shared>> -> memref<128xi32, #tpu.memory_space<vmem_shared>>
    tpu.enqueue_dma source(%dma_start3A_332 : memref<128xi32, #tpu.memory_space<vmem_shared>>) target(%dma_start3A_329 : memref<128xi32, #tpu.memory_space<vmem>>) target_semaphore(%arg13 : memref<!tpu.dma_semaphore, #tpu.memory_space<semaphore_mem>>)
    %dma_start3A_333 = arith.constant 6 : i32
    %dma_start3A_334 = arith.constant 784 : i32
    %dma_start3A_335 = tpu.memref_slice %arg8[%dma_start3A_334] : memref<4112xi32, #tpu.memory_space<vmem>> -> memref<128xi32, #tpu.memory_space<vmem>>
    %dma_start3A_336 = arith.constant 0 : i32
    %dma_start3A_337 = tpu.memref_slice %arg5[%select_n3A_250, %dma_start3A_333, %select_n3A_266, %dma_start3A_336] : memref<2x32x8x128xi32, #tpu.memory_space<vmem_shared>> -> memref<1x1x1x128xi32, #tpu.memory_space<vmem_shared>>
    %dma_start3A_338 = tpu.memref_squeeze %dma_start3A_337 : memref<1x1x1x128xi32, #tpu.memory_space<vmem_shared>> -> memref<128xi32, #tpu.memory_space<vmem_shared>>
    %dma_start3A_339 = arith.constant 784 : i32
    %dma_start3A_340 = tpu.memref_slice %arg8[%dma_start3A_339] : memref<4112xi32, #tpu.memory_space<vmem>> -> memref<128xi32, #tpu.memory_space<vmem>>
    %dma_start3A_341 = arith.constant 0 : i32
    %dma_start3A_342 = tpu.memref_slice %arg5[%select_n3A_250, %dma_start3A_333, %select_n3A_266, %dma_start3A_341] : memref<2x32x8x128xi32, #tpu.memory_space<vmem_shared>> -> memref<1x1x1x128xi32, #tpu.memory_space<vmem_shared>>
    %dma_start3A_343 = tpu.memref_squeeze %dma_start3A_342 : memref<1x1x1x128xi32, #tpu.memory_space<vmem_shared>> -> memref<128xi32, #tpu.memory_space<vmem_shared>>
    tpu.enqueue_dma source(%dma_start3A_343 : memref<128xi32, #tpu.memory_space<vmem_shared>>) target(%dma_start3A_340 : memref<128xi32, #tpu.memory_space<vmem>>) target_semaphore(%arg13 : memref<!tpu.dma_semaphore, #tpu.memory_space<semaphore_mem>>)
    %dma_start3A_344 = arith.constant 7 : i32
    %dma_start3A_345 = arith.constant 912 : i32
    %dma_start3A_346 = tpu.memref_slice %arg8[%dma_start3A_345] : memref<4112xi32, #tpu.memory_space<vmem>> -> memref<128xi32, #tpu.memory_space<vmem>>
    %dma_start3A_347 = arith.constant 0 : i32
    %dma_start3A_348 = tpu.memref_slice %arg5[%select_n3A_250, %dma_start3A_344, %select_n3A_266, %dma_start3A_347] : memref<2x32x8x128xi32, #tpu.memory_space<vmem_shared>> -> memref<1x1x1x128xi32, #tpu.memory_space<vmem_shared>>
    %dma_start3A_349 = tpu.memref_squeeze %dma_start3A_348 : memref<1x1x1x128xi32, #tpu.memory_space<vmem_shared>> -> memref<128xi32, #tpu.memory_space<vmem_shared>>
    %dma_start3A_350 = arith.constant 912 : i32
    %dma_start3A_351 = tpu.memref_slice %arg8[%dma_start3A_350] : memref<4112xi32, #tpu.memory_space<vmem>> -> memref<128xi32, #tpu.memory_space<vmem>>
    %dma_start3A_352 = arith.constant 0 : i32
    %dma_start3A_353 = tpu.memref_slice %arg5[%select_n3A_250, %dma_start3A_344, %select_n3A_266, %dma_start3A_352] : memref<2x32x8x128xi32, #tpu.memory_space<vmem_shared>> -> memref<1x1x1x128xi32, #tpu.memory_space<vmem_shared>>
    %dma_start3A_354 = tpu.memref_squeeze %dma_start3A_353 : memref<1x1x1x128xi32, #tpu.memory_space<vmem_shared>> -> memref<128xi32, #tpu.memory_space<vmem_shared>>
    tpu.enqueue_dma source(%dma_start3A_354 : memref<128xi32, #tpu.memory_space<vmem_shared>>) target(%dma_start3A_351 : memref<128xi32, #tpu.memory_space<vmem>>) target_semaphore(%arg13 : memref<!tpu.dma_semaphore, #tpu.memory_space<semaphore_mem>>)
    %dma_start3A_355 = arith.constant 8 : i32
    %dma_start3A_356 = arith.constant 1040 : i32
    %dma_start3A_357 = tpu.memref_slice %arg8[%dma_start3A_356] : memref<4112xi32, #tpu.memory_space<vmem>> -> memref<128xi32, #tpu.memory_space<vmem>>
    %dma_start3A_358 = arith.constant 0 : i32
    %dma_start3A_359 = tpu.memref_slice %arg5[%select_n3A_250, %dma_start3A_355, %select_n3A_266, %dma_start3A_358] : memref<2x32x8x128xi32, #tpu.memory_space<vmem_shared>> -> memref<1x1x1x128xi32, #tpu.memory_space<vmem_shared>>
    %dma_start3A_360 = tpu.memref_squeeze %dma_start3A_359 : memref<1x1x1x128xi32, #tpu.memory_space<vmem_shared>> -> memref<128xi32, #tpu.memory_space<vmem_shared>>
    %dma_start3A_361 = arith.constant 1040 : i32
    %dma_start3A_362 = tpu.memref_slice %arg8[%dma_start3A_361] : memref<4112xi32, #tpu.memory_space<vmem>> -> memref<128xi32, #tpu.memory_space<vmem>>
    %dma_start3A_363 = arith.constant 0 : i32
    %dma_start3A_364 = tpu.memref_slice %arg5[%select_n3A_250, %dma_start3A_355, %select_n3A_266, %dma_start3A_363] : memref<2x32x8x128xi32, #tpu.memory_space<vmem_shared>> -> memref<1x1x1x128xi32, #tpu.memory_space<vmem_shared>>
    %dma_start3A_365 = tpu.memref_squeeze %dma_start3A_364 : memref<1x1x1x128xi32, #tpu.memory_space<vmem_shared>> -> memref<128xi32, #tpu.memory_space<vmem_shared>>
    tpu.enqueue_dma source(%dma_start3A_365 : memref<128xi32, #tpu.memory_space<vmem_shared>>) target(%dma_start3A_362 : memref<128xi32, #tpu.memory_space<vmem>>) target_semaphore(%arg13 : memref<!tpu.dma_semaphore, #tpu.memory_space<semaphore_mem>>)
    %dma_start3A_366 = arith.constant 9 : i32
    %dma_start3A_367 = arith.constant 1168 : i32
    %dma_start3A_368 = tpu.memref_slice %arg8[%dma_start3A_367] : memref<4112xi32, #tpu.memory_space<vmem>> -> memref<128xi32, #tpu.memory_space<vmem>>
    %dma_start3A_369 = arith.constant 0 : i32
    %dma_start3A_370 = tpu.memref_slice %arg5[%select_n3A_250, %dma_start3A_366, %select_n3A_266, %dma_start3A_369] : memref<2x32x8x128xi32, #tpu.memory_space<vmem_shared>> -> memref<1x1x1x128xi32, #tpu.memory_space<vmem_shared>>
    %dma_start3A_371 = tpu.memref_squeeze %dma_start3A_370 : memref<1x1x1x128xi32, #tpu.memory_space<vmem_shared>> -> memref<128xi32, #tpu.memory_space<vmem_shared>>
    %dma_start3A_372 = arith.constant 1168 : i32
    %dma_start3A_373 = tpu.memref_slice %arg8[%dma_start3A_372] : memref<4112xi32, #tpu.memory_space<vmem>> -> memref<128xi32, #tpu.memory_space<vmem>>
    %dma_start3A_374 = arith.constant 0 : i32
    %dma_start3A_375 = tpu.memref_slice %arg5[%select_n3A_250, %dma_start3A_366, %select_n3A_266, %dma_start3A_374] : memref<2x32x8x128xi32, #tpu.memory_space<vmem_shared>> -> memref<1x1x1x128xi32, #tpu.memory_space<vmem_shared>>
    %dma_start3A_376 = tpu.memref_squeeze %dma_start3A_375 : memref<1x1x1x128xi32, #tpu.memory_space<vmem_shared>> -> memref<128xi32, #tpu.memory_space<vmem_shared>>
    tpu.enqueue_dma source(%dma_start3A_376 : memref<128xi32, #tpu.memory_space<vmem_shared>>) target(%dma_start3A_373 : memref<128xi32, #tpu.memory_space<vmem>>) target_semaphore(%arg13 : memref<!tpu.dma_semaphore, #tpu.memory_space<semaphore_mem>>)
    %dma_start3A_377 = arith.constant 10 : i32
    %dma_start3A_378 = arith.constant 1296 : i32
    %dma_start3A_379 = tpu.memref_slice %arg8[%dma_start3A_378] : memref<4112xi32, #tpu.memory_space<vmem>> -> memref<128xi32, #tpu.memory_space<vmem>>
    %dma_start3A_380 = arith.constant 0 : i32
    %dma_start3A_381 = tpu.memref_slice %arg5[%select_n3A_250, %dma_start3A_377, %select_n3A_266, %dma_start3A_380] : memref<2x32x8x128xi32, #tpu.memory_space<vmem_shared>> -> memref<1x1x1x128xi32, #tpu.memory_space<vmem_shared>>
    %dma_start3A_382 = tpu.memref_squeeze %dma_start3A_381 : memref<1x1x1x128xi32, #tpu.memory_space<vmem_shared>> -> memref<128xi32, #tpu.memory_space<vmem_shared>>
    %dma_start3A_383 = arith.constant 1296 : i32
    %dma_start3A_384 = tpu.memref_slice %arg8[%dma_start3A_383] : memref<4112xi32, #tpu.memory_space<vmem>> -> memref<128xi32, #tpu.memory_space<vmem>>
    %dma_start3A_385 = arith.constant 0 : i32
    %dma_start3A_386 = tpu.memref_slice %arg5[%select_n3A_250, %dma_start3A_377, %select_n3A_266, %dma_start3A_385] : memref<2x32x8x128xi32, #tpu.memory_space<vmem_shared>> -> memref<1x1x1x128xi32, #tpu.memory_space<vmem_shared>>
    %dma_start3A_387 = tpu.memref_squeeze %dma_start3A_386 : memref<1x1x1x128xi32, #tpu.memory_space<vmem_shared>> -> memref<128xi32, #tpu.memory_space<vmem_shared>>
    tpu.enqueue_dma source(%dma_start3A_387 : memref<128xi32, #tpu.memory_space<vmem_shared>>) target(%dma_start3A_384 : memref<128xi32, #tpu.memory_space<vmem>>) target_semaphore(%arg13 : memref<!tpu.dma_semaphore, #tpu.memory_space<semaphore_mem>>)
    %dma_start3A_388 = arith.constant 11 : i32
    %dma_start3A_389 = arith.constant 1424 : i32
    %dma_start3A_390 = tpu.memref_slice %arg8[%dma_start3A_389] : memref<4112xi32, #tpu.memory_space<vmem>> -> memref<128xi32, #tpu.memory_space<vmem>>
    %dma_start3A_391 = arith.constant 0 : i32
    %dma_start3A_392 = tpu.memref_slice %arg5[%select_n3A_250, %dma_start3A_388, %select_n3A_266, %dma_start3A_391] : memref<2x32x8x128xi32, #tpu.memory_space<vmem_shared>> -> memref<1x1x1x128xi32, #tpu.memory_space<vmem_shared>>
    %dma_start3A_393 = tpu.memref_squeeze %dma_start3A_392 : memref<1x1x1x128xi32, #tpu.memory_space<vmem_shared>> -> memref<128xi32, #tpu.memory_space<vmem_shared>>
    %dma_start3A_394 = arith.constant 1424 : i32
    %dma_start3A_395 = tpu.memref_slice %arg8[%dma_start3A_394] : memref<4112xi32, #tpu.memory_space<vmem>> -> memref<128xi32, #tpu.memory_space<vmem>>
    %dma_start3A_396 = arith.constant 0 : i32
    %dma_start3A_397 = tpu.memref_slice %arg5[%select_n3A_250, %dma_start3A_388, %select_n3A_266, %dma_start3A_396] : memref<2x32x8x128xi32, #tpu.memory_space<vmem_shared>> -> memref<1x1x1x128xi32, #tpu.memory_space<vmem_shared>>
    %dma_start3A_398 = tpu.memref_squeeze %dma_start3A_397 : memref<1x1x1x128xi32, #tpu.memory_space<vmem_shared>> -> memref<128xi32, #tpu.memory_space<vmem_shared>>
    tpu.enqueue_dma source(%dma_start3A_398 : memref<128xi32, #tpu.memory_space<vmem_shared>>) target(%dma_start3A_395 : memref<128xi32, #tpu.memory_space<vmem>>) target_semaphore(%arg13 : memref<!tpu.dma_semaphore, #tpu.memory_space<semaphore_mem>>)
    %dma_start3A_399 = arith.constant 12 : i32
    %dma_start3A_400 = arith.constant 1552 : i32
    %dma_start3A_401 = tpu.memref_slice %arg8[%dma_start3A_400] : memref<4112xi32, #tpu.memory_space<vmem>> -> memref<128xi32, #tpu.memory_space<vmem>>
    %dma_start3A_402 = arith.constant 0 : i32
    %dma_start3A_403 = tpu.memref_slice %arg5[%select_n3A_250, %dma_start3A_399, %select_n3A_266, %dma_start3A_402] : memref<2x32x8x128xi32, #tpu.memory_space<vmem_shared>> -> memref<1x1x1x128xi32, #tpu.memory_space<vmem_shared>>
    %dma_start3A_404 = tpu.memref_squeeze %dma_start3A_403 : memref<1x1x1x128xi32, #tpu.memory_space<vmem_shared>> -> memref<128xi32, #tpu.memory_space<vmem_shared>>
    %dma_start3A_405 = arith.constant 1552 : i32
    %dma_start3A_406 = tpu.memref_slice %arg8[%dma_start3A_405] : memref<4112xi32, #tpu.memory_space<vmem>> -> memref<128xi32, #tpu.memory_space<vmem>>
    %dma_start3A_407 = arith.constant 0 : i32
    %dma_start3A_408 = tpu.memref_slice %arg5[%select_n3A_250, %dma_start3A_399, %select_n3A_266, %dma_start3A_407] : memref<2x32x8x128xi32, #tpu.memory_space<vmem_shared>> -> memref<1x1x1x128xi32, #tpu.memory_space<vmem_shared>>
    %dma_start3A_409 = tpu.memref_squeeze %dma_start3A_408 : memref<1x1x1x128xi32, #tpu.memory_space<vmem_shared>> -> memref<128xi32, #tpu.memory_space<vmem_shared>>
    tpu.enqueue_dma source(%dma_start3A_409 : memref<128xi32, #tpu.memory_space<vmem_shared>>) target(%dma_start3A_406 : memref<128xi32, #tpu.memory_space<vmem>>) target_semaphore(%arg13 : memref<!tpu.dma_semaphore, #tpu.memory_space<semaphore_mem>>)
    %dma_start3A_410 = arith.constant 13 : i32
    %dma_start3A_411 = arith.constant 1680 : i32
    %dma_start3A_412 = tpu.memref_slice %arg8[%dma_start3A_411] : memref<4112xi32, #tpu.memory_space<vmem>> -> memref<128xi32, #tpu.memory_space<vmem>>
    %dma_start3A_413 = arith.constant 0 : i32
    %dma_start3A_414 = tpu.memref_slice %arg5[%select_n3A_250, %dma_start3A_410, %select_n3A_266, %dma_start3A_413] : memref<2x32x8x128xi32, #tpu.memory_space<vmem_shared>> -> memref<1x1x1x128xi32, #tpu.memory_space<vmem_shared>>
    %dma_start3A_415 = tpu.memref_squeeze %dma_start3A_414 : memref<1x1x1x128xi32, #tpu.memory_space<vmem_shared>> -> memref<128xi32, #tpu.memory_space<vmem_shared>>
    %dma_start3A_416 = arith.constant 1680 : i32
    %dma_start3A_417 = tpu.memref_slice %arg8[%dma_start3A_416] : memref<4112xi32, #tpu.memory_space<vmem>> -> memref<128xi32, #tpu.memory_space<vmem>>
    %dma_start3A_418 = arith.constant 0 : i32
    %dma_start3A_419 = tpu.memref_slice %arg5[%select_n3A_250, %dma_start3A_410, %select_n3A_266, %dma_start3A_418] : memref<2x32x8x128xi32, #tpu.memory_space<vmem_shared>> -> memref<1x1x1x128xi32, #tpu.memory_space<vmem_shared>>
    %dma_start3A_420 = tpu.memref_squeeze %dma_start3A_419 : memref<1x1x1x128xi32, #tpu.memory_space<vmem_shared>> -> memref<128xi32, #tpu.memory_space<vmem_shared>>
    tpu.enqueue_dma source(%dma_start3A_420 : memref<128xi32, #tpu.memory_space<vmem_shared>>) target(%dma_start3A_417 : memref<128xi32, #tpu.memory_space<vmem>>) target_semaphore(%arg13 : memref<!tpu.dma_semaphore, #tpu.memory_space<semaphore_mem>>)
    %dma_start3A_421 = arith.constant 14 : i32
    %dma_start3A_422 = arith.constant 1808 : i32
    %dma_start3A_423 = tpu.memref_slice %arg8[%dma_start3A_422] : memref<4112xi32, #tpu.memory_space<vmem>> -> memref<128xi32, #tpu.memory_space<vmem>>
    %dma_start3A_424 = arith.constant 0 : i32
    %dma_start3A_425 = tpu.memref_slice %arg5[%select_n3A_250, %dma_start3A_421, %select_n3A_266, %dma_start3A_424] : memref<2x32x8x128xi32, #tpu.memory_space<vmem_shared>> -> memref<1x1x1x128xi32, #tpu.memory_space<vmem_shared>>
    %dma_start3A_426 = tpu.memref_squeeze %dma_start3A_425 : memref<1x1x1x128xi32, #tpu.memory_space<vmem_shared>> -> memref<128xi32, #tpu.memory_space<vmem_shared>>
    %dma_start3A_427 = arith.constant 1808 : i32
    %dma_start3A_428 = tpu.memref_slice %arg8[%dma_start3A_427] : memref<4112xi32, #tpu.memory_space<vmem>> -> memref<128xi32, #tpu.memory_space<vmem>>
    %dma_start3A_429 = arith.constant 0 : i32
    %dma_start3A_430 = tpu.memref_slice %arg5[%select_n3A_250, %dma_start3A_421, %select_n3A_266, %dma_start3A_429] : memref<2x32x8x128xi32, #tpu.memory_space<vmem_shared>> -> memref<1x1x1x128xi32, #tpu.memory_space<vmem_shared>>
    %dma_start3A_431 = tpu.memref_squeeze %dma_start3A_430 : memref<1x1x1x128xi32, #tpu.memory_space<vmem_shared>> -> memref<128xi32, #tpu.memory_space<vmem_shared>>
    tpu.enqueue_dma source(%dma_start3A_431 : memref<128xi32, #tpu.memory_space<vmem_shared>>) target(%dma_start3A_428 : memref<128xi32, #tpu.memory_space<vmem>>) target_semaphore(%arg13 : memref<!tpu.dma_semaphore, #tpu.memory_space<semaphore_mem>>)
    %dma_start3A_432 = arith.constant 15 : i32
    %dma_start3A_433 = arith.constant 1936 : i32
    %dma_start3A_434 = tpu.memref_slice %arg8[%dma_start3A_433] : memref<4112xi32, #tpu.memory_space<vmem>> -> memref<128xi32, #tpu.memory_space<vmem>>
    %dma_start3A_435 = arith.constant 0 : i32
    %dma_start3A_436 = tpu.memref_slice %arg5[%select_n3A_250, %dma_start3A_432, %select_n3A_266, %dma_start3A_435] : memref<2x32x8x128xi32, #tpu.memory_space<vmem_shared>> -> memref<1x1x1x128xi32, #tpu.memory_space<vmem_shared>>
    %dma_start3A_437 = tpu.memref_squeeze %dma_start3A_436 : memref<1x1x1x128xi32, #tpu.memory_space<vmem_shared>> -> memref<128xi32, #tpu.memory_space<vmem_shared>>
    %dma_start3A_438 = arith.constant 1936 : i32
    %dma_start3A_439 = tpu.memref_slice %arg8[%dma_start3A_438] : memref<4112xi32, #tpu.memory_space<vmem>> -> memref<128xi32, #tpu.memory_space<vmem>>
    %dma_start3A_440 = arith.constant 0 : i32
    %dma_start3A_441 = tpu.memref_slice %arg5[%select_n3A_250, %dma_start3A_432, %select_n3A_266, %dma_start3A_440] : memref<2x32x8x128xi32, #tpu.memory_space<vmem_shared>> -> memref<1x1x1x128xi32, #tpu.memory_space<vmem_shared>>
    %dma_start3A_442 = tpu.memref_squeeze %dma_start3A_441 : memref<1x1x1x128xi32, #tpu.memory_space<vmem_shared>> -> memref<128xi32, #tpu.memory_space<vmem_shared>>
    tpu.enqueue_dma source(%dma_start3A_442 : memref<128xi32, #tpu.memory_space<vmem_shared>>) target(%dma_start3A_439 : memref<128xi32, #tpu.memory_space<vmem>>) target_semaphore(%arg13 : memref<!tpu.dma_semaphore, #tpu.memory_space<semaphore_mem>>)
    %dma_start3A_443 = arith.constant 16 : i32
    %dma_start3A_444 = arith.constant 2064 : i32
    %dma_start3A_445 = tpu.memref_slice %arg8[%dma_start3A_444] : memref<4112xi32, #tpu.memory_space<vmem>> -> memref<128xi32, #tpu.memory_space<vmem>>
    %dma_start3A_446 = arith.constant 0 : i32
    %dma_start3A_447 = tpu.memref_slice %arg5[%select_n3A_250, %dma_start3A_443, %select_n3A_266, %dma_start3A_446] : memref<2x32x8x128xi32, #tpu.memory_space<vmem_shared>> -> memref<1x1x1x128xi32, #tpu.memory_space<vmem_shared>>
    %dma_start3A_448 = tpu.memref_squeeze %dma_start3A_447 : memref<1x1x1x128xi32, #tpu.memory_space<vmem_shared>> -> memref<128xi32, #tpu.memory_space<vmem_shared>>
    %dma_start3A_449 = arith.constant 2064 : i32
    %dma_start3A_450 = tpu.memref_slice %arg8[%dma_start3A_449] : memref<4112xi32, #tpu.memory_space<vmem>> -> memref<128xi32, #tpu.memory_space<vmem>>
    %dma_start3A_451 = arith.constant 0 : i32
    %dma_start3A_452 = tpu.memref_slice %arg5[%select_n3A_250, %dma_start3A_443, %select_n3A_266, %dma_start3A_451] : memref<2x32x8x128xi32, #tpu.memory_space<vmem_shared>> -> memref<1x1x1x128xi32, #tpu.memory_space<vmem_shared>>
    %dma_start3A_453 = tpu.memref_squeeze %dma_start3A_452 : memref<1x1x1x128xi32, #tpu.memory_space<vmem_shared>> -> memref<128xi32, #tpu.memory_space<vmem_shared>>
    tpu.enqueue_dma source(%dma_start3A_453 : memref<128xi32, #tpu.memory_space<vmem_shared>>) target(%dma_start3A_450 : memref<128xi32, #tpu.memory_space<vmem>>) target_semaphore(%arg13 : memref<!tpu.dma_semaphore, #tpu.memory_space<semaphore_mem>>)
    %dma_start3A_454 = arith.constant 17 : i32
    %dma_start3A_455 = arith.constant 2192 : i32
    %dma_start3A_456 = tpu.memref_slice %arg8[%dma_start3A_455] : memref<4112xi32, #tpu.memory_space<vmem>> -> memref<128xi32, #tpu.memory_space<vmem>>
    %dma_start3A_457 = arith.constant 0 : i32
    %dma_start3A_458 = tpu.memref_slice %arg5[%select_n3A_250, %dma_start3A_454, %select_n3A_266, %dma_start3A_457] : memref<2x32x8x128xi32, #tpu.memory_space<vmem_shared>> -> memref<1x1x1x128xi32, #tpu.memory_space<vmem_shared>>
    %dma_start3A_459 = tpu.memref_squeeze %dma_start3A_458 : memref<1x1x1x128xi32, #tpu.memory_space<vmem_shared>> -> memref<128xi32, #tpu.memory_space<vmem_shared>>
    %dma_start3A_460 = arith.constant 2192 : i32
    %dma_start3A_461 = tpu.memref_slice %arg8[%dma_start3A_460] : memref<4112xi32, #tpu.memory_space<vmem>> -> memref<128xi32, #tpu.memory_space<vmem>>
    %dma_start3A_462 = arith.constant 0 : i32
    %dma_start3A_463 = tpu.memref_slice %arg5[%select_n3A_250, %dma_start3A_454, %select_n3A_266, %dma_start3A_462] : memref<2x32x8x128xi32, #tpu.memory_space<vmem_shared>> -> memref<1x1x1x128xi32, #tpu.memory_space<vmem_shared>>
    %dma_start3A_464 = tpu.memref_squeeze %dma_start3A_463 : memref<1x1x1x128xi32, #tpu.memory_space<vmem_shared>> -> memref<128xi32, #tpu.memory_space<vmem_shared>>
    tpu.enqueue_dma source(%dma_start3A_464 : memref<128xi32, #tpu.memory_space<vmem_shared>>) target(%dma_start3A_461 : memref<128xi32, #tpu.memory_space<vmem>>) target_semaphore(%arg13 : memref<!tpu.dma_semaphore, #tpu.memory_space<semaphore_mem>>)
    %dma_start3A_465 = arith.constant 18 : i32
    %dma_start3A_466 = arith.constant 2320 : i32
    %dma_start3A_467 = tpu.memref_slice %arg8[%dma_start3A_466] : memref<4112xi32, #tpu.memory_space<vmem>> -> memref<128xi32, #tpu.memory_space<vmem>>
    %dma_start3A_468 = arith.constant 0 : i32
    %dma_start3A_469 = tpu.memref_slice %arg5[%select_n3A_250, %dma_start3A_465, %select_n3A_266, %dma_start3A_468] : memref<2x32x8x128xi32, #tpu.memory_space<vmem_shared>> -> memref<1x1x1x128xi32, #tpu.memory_space<vmem_shared>>
    %dma_start3A_470 = tpu.memref_squeeze %dma_start3A_469 : memref<1x1x1x128xi32, #tpu.memory_space<vmem_shared>> -> memref<128xi32, #tpu.memory_space<vmem_shared>>
    %dma_start3A_471 = arith.constant 2320 : i32
    %dma_start3A_472 = tpu.memref_slice %arg8[%dma_start3A_471] : memref<4112xi32, #tpu.memory_space<vmem>> -> memref<128xi32, #tpu.memory_space<vmem>>
    %dma_start3A_473 = arith.constant 0 : i32
    %dma_start3A_474 = tpu.memref_slice %arg5[%select_n3A_250, %dma_start3A_465, %select_n3A_266, %dma_start3A_473] : memref<2x32x8x128xi32, #tpu.memory_space<vmem_shared>> -> memref<1x1x1x128xi32, #tpu.memory_space<vmem_shared>>
    %dma_start3A_475 = tpu.memref_squeeze %dma_start3A_474 : memref<1x1x1x128xi32, #tpu.memory_space<vmem_shared>> -> memref<128xi32, #tpu.memory_space<vmem_shared>>
    tpu.enqueue_dma source(%dma_start3A_475 : memref<128xi32, #tpu.memory_space<vmem_shared>>) target(%dma_start3A_472 : memref<128xi32, #tpu.memory_space<vmem>>) target_semaphore(%arg13 : memref<!tpu.dma_semaphore, #tpu.memory_space<semaphore_mem>>)
    %dma_start3A_476 = arith.constant 19 : i32
    %dma_start3A_477 = arith.constant 2448 : i32
    %dma_start3A_478 = tpu.memref_slice %arg8[%dma_start3A_477] : memref<4112xi32, #tpu.memory_space<vmem>> -> memref<128xi32, #tpu.memory_space<vmem>>
    %dma_start3A_479 = arith.constant 0 : i32
    %dma_start3A_480 = tpu.memref_slice %arg5[%select_n3A_250, %dma_start3A_476, %select_n3A_266, %dma_start3A_479] : memref<2x32x8x128xi32, #tpu.memory_space<vmem_shared>> -> memref<1x1x1x128xi32, #tpu.memory_space<vmem_shared>>
    %dma_start3A_481 = tpu.memref_squeeze %dma_start3A_480 : memref<1x1x1x128xi32, #tpu.memory_space<vmem_shared>> -> memref<128xi32, #tpu.memory_space<vmem_shared>>
    %dma_start3A_482 = arith.constant 2448 : i32
    %dma_start3A_483 = tpu.memref_slice %arg8[%dma_start3A_482] : memref<4112xi32, #tpu.memory_space<vmem>> -> memref<128xi32, #tpu.memory_space<vmem>>
    %dma_start3A_484 = arith.constant 0 : i32
    %dma_start3A_485 = tpu.memref_slice %arg5[%select_n3A_250, %dma_start3A_476, %select_n3A_266, %dma_start3A_484] : memref<2x32x8x128xi32, #tpu.memory_space<vmem_shared>> -> memref<1x1x1x128xi32, #tpu.memory_space<vmem_shared>>
    %dma_start3A_486 = tpu.memref_squeeze %dma_start3A_485 : memref<1x1x1x128xi32, #tpu.memory_space<vmem_shared>> -> memref<128xi32, #tpu.memory_space<vmem_shared>>
    tpu.enqueue_dma source(%dma_start3A_486 : memref<128xi32, #tpu.memory_space<vmem_shared>>) target(%dma_start3A_483 : memref<128xi32, #tpu.memory_space<vmem>>) target_semaphore(%arg13 : memref<!tpu.dma_semaphore, #tpu.memory_space<semaphore_mem>>)
    %dma_start3A_487 = arith.constant 20 : i32
    %dma_start3A_488 = arith.constant 2576 : i32
    %dma_start3A_489 = tpu.memref_slice %arg8[%dma_start3A_488] : memref<4112xi32, #tpu.memory_space<vmem>> -> memref<128xi32, #tpu.memory_space<vmem>>
    %dma_start3A_490 = arith.constant 0 : i32
    %dma_start3A_491 = tpu.memref_slice %arg5[%select_n3A_250, %dma_start3A_487, %select_n3A_266, %dma_start3A_490] : memref<2x32x8x128xi32, #tpu.memory_space<vmem_shared>> -> memref<1x1x1x128xi32, #tpu.memory_space<vmem_shared>>
    %dma_start3A_492 = tpu.memref_squeeze %dma_start3A_491 : memref<1x1x1x128xi32, #tpu.memory_space<vmem_shared>> -> memref<128xi32, #tpu.memory_space<vmem_shared>>
    %dma_start3A_493 = arith.constant 2576 : i32
    %dma_start3A_494 = tpu.memref_slice %arg8[%dma_start3A_493] : memref<4112xi32, #tpu.memory_space<vmem>> -> memref<128xi32, #tpu.memory_space<vmem>>
    %dma_start3A_495 = arith.constant 0 : i32
    %dma_start3A_496 = tpu.memref_slice %arg5[%select_n3A_250, %dma_start3A_487, %select_n3A_266, %dma_start3A_495] : memref<2x32x8x128xi32, #tpu.memory_space<vmem_shared>> -> memref<1x1x1x128xi32, #tpu.memory_space<vmem_shared>>
    %dma_start3A_497 = tpu.memref_squeeze %dma_start3A_496 : memref<1x1x1x128xi32, #tpu.memory_space<vmem_shared>> -> memref<128xi32, #tpu.memory_space<vmem_shared>>
    tpu.enqueue_dma source(%dma_start3A_497 : memref<128xi32, #tpu.memory_space<vmem_shared>>) target(%dma_start3A_494 : memref<128xi32, #tpu.memory_space<vmem>>) target_semaphore(%arg13 : memref<!tpu.dma_semaphore, #tpu.memory_space<semaphore_mem>>)
    %dma_start3A_498 = arith.constant 21 : i32
    %dma_start3A_499 = arith.constant 2704 : i32
    %dma_start3A_500 = tpu.memref_slice %arg8[%dma_start3A_499] : memref<4112xi32, #tpu.memory_space<vmem>> -> memref<128xi32, #tpu.memory_space<vmem>>
    %dma_start3A_501 = arith.constant 0 : i32
    %dma_start3A_502 = tpu.memref_slice %arg5[%select_n3A_250, %dma_start3A_498, %select_n3A_266, %dma_start3A_501] : memref<2x32x8x128xi32, #tpu.memory_space<vmem_shared>> -> memref<1x1x1x128xi32, #tpu.memory_space<vmem_shared>>
    %dma_start3A_503 = tpu.memref_squeeze %dma_start3A_502 : memref<1x1x1x128xi32, #tpu.memory_space<vmem_shared>> -> memref<128xi32, #tpu.memory_space<vmem_shared>>
    %dma_start3A_504 = arith.constant 2704 : i32
    %dma_start3A_505 = tpu.memref_slice %arg8[%dma_start3A_504] : memref<4112xi32, #tpu.memory_space<vmem>> -> memref<128xi32, #tpu.memory_space<vmem>>
    %dma_start3A_506 = arith.constant 0 : i32
    %dma_start3A_507 = tpu.memref_slice %arg5[%select_n3A_250, %dma_start3A_498, %select_n3A_266, %dma_start3A_506] : memref<2x32x8x128xi32, #tpu.memory_space<vmem_shared>> -> memref<1x1x1x128xi32, #tpu.memory_space<vmem_shared>>
    %dma_start3A_508 = tpu.memref_squeeze %dma_start3A_507 : memref<1x1x1x128xi32, #tpu.memory_space<vmem_shared>> -> memref<128xi32, #tpu.memory_space<vmem_shared>>
    tpu.enqueue_dma source(%dma_start3A_508 : memref<128xi32, #tpu.memory_space<vmem_shared>>) target(%dma_start3A_505 : memref<128xi32, #tpu.memory_space<vmem>>) target_semaphore(%arg13 : memref<!tpu.dma_semaphore, #tpu.memory_space<semaphore_mem>>)
    %dma_start3A_509 = arith.constant 22 : i32
    %dma_start3A_510 = arith.constant 2832 : i32
    %dma_start3A_511 = tpu.memref_slice %arg8[%dma_start3A_510] : memref<4112xi32, #tpu.memory_space<vmem>> -> memref<128xi32, #tpu.memory_space<vmem>>
    %dma_start3A_512 = arith.constant 0 : i32
    %dma_start3A_513 = tpu.memref_slice %arg5[%select_n3A_250, %dma_start3A_509, %select_n3A_266, %dma_start3A_512] : memref<2x32x8x128xi32, #tpu.memory_space<vmem_shared>> -> memref<1x1x1x128xi32, #tpu.memory_space<vmem_shared>>
    %dma_start3A_514 = tpu.memref_squeeze %dma_start3A_513 : memref<1x1x1x128xi32, #tpu.memory_space<vmem_shared>> -> memref<128xi32, #tpu.memory_space<vmem_shared>>
    %dma_start3A_515 = arith.constant 2832 : i32
    %dma_start3A_516 = tpu.memref_slice %arg8[%dma_start3A_515] : memref<4112xi32, #tpu.memory_space<vmem>> -> memref<128xi32, #tpu.memory_space<vmem>>
    %dma_start3A_517 = arith.constant 0 : i32
    %dma_start3A_518 = tpu.memref_slice %arg5[%select_n3A_250, %dma_start3A_509, %select_n3A_266, %dma_start3A_517] : memref<2x32x8x128xi32, #tpu.memory_space<vmem_shared>> -> memref<1x1x1x128xi32, #tpu.memory_space<vmem_shared>>
    %dma_start3A_519 = tpu.memref_squeeze %dma_start3A_518 : memref<1x1x1x128xi32, #tpu.memory_space<vmem_shared>> -> memref<128xi32, #tpu.memory_space<vmem_shared>>
    tpu.enqueue_dma source(%dma_start3A_519 : memref<128xi32, #tpu.memory_space<vmem_shared>>) target(%dma_start3A_516 : memref<128xi32, #tpu.memory_space<vmem>>) target_semaphore(%arg13 : memref<!tpu.dma_semaphore, #tpu.memory_space<semaphore_mem>>)
    %dma_start3A_520 = arith.constant 23 : i32
    %dma_start3A_521 = arith.constant 2960 : i32
    %dma_start3A_522 = tpu.memref_slice %arg8[%dma_start3A_521] : memref<4112xi32, #tpu.memory_space<vmem>> -> memref<128xi32, #tpu.memory_space<vmem>>
    %dma_start3A_523 = arith.constant 0 : i32
    %dma_start3A_524 = tpu.memref_slice %arg5[%select_n3A_250, %dma_start3A_520, %select_n3A_266, %dma_start3A_523] : memref<2x32x8x128xi32, #tpu.memory_space<vmem_shared>> -> memref<1x1x1x128xi32, #tpu.memory_space<vmem_shared>>
    %dma_start3A_525 = tpu.memref_squeeze %dma_start3A_524 : memref<1x1x1x128xi32, #tpu.memory_space<vmem_shared>> -> memref<128xi32, #tpu.memory_space<vmem_shared>>
    %dma_start3A_526 = arith.constant 2960 : i32
    %dma_start3A_527 = tpu.memref_slice %arg8[%dma_start3A_526] : memref<4112xi32, #tpu.memory_space<vmem>> -> memref<128xi32, #tpu.memory_space<vmem>>
    %dma_start3A_528 = arith.constant 0 : i32
    %dma_start3A_529 = tpu.memref_slice %arg5[%select_n3A_250, %dma_start3A_520, %select_n3A_266, %dma_start3A_528] : memref<2x32x8x128xi32, #tpu.memory_space<vmem_shared>> -> memref<1x1x1x128xi32, #tpu.memory_space<vmem_shared>>
    %dma_start3A_530 = tpu.memref_squeeze %dma_start3A_529 : memref<1x1x1x128xi32, #tpu.memory_space<vmem_shared>> -> memref<128xi32, #tpu.memory_space<vmem_shared>>
    tpu.enqueue_dma source(%dma_start3A_530 : memref<128xi32, #tpu.memory_space<vmem_shared>>) target(%dma_start3A_527 : memref<128xi32, #tpu.memory_space<vmem>>) target_semaphore(%arg13 : memref<!tpu.dma_semaphore, #tpu.memory_space<semaphore_mem>>)
    %dma_start3A_531 = arith.constant 24 : i32
    %dma_start3A_532 = arith.constant 3088 : i32
    %dma_start3A_533 = tpu.memref_slice %arg8[%dma_start3A_532] : memref<4112xi32, #tpu.memory_space<vmem>> -> memref<128xi32, #tpu.memory_space<vmem>>
    %dma_start3A_534 = arith.constant 0 : i32
    %dma_start3A_535 = tpu.memref_slice %arg5[%select_n3A_250, %dma_start3A_531, %select_n3A_266, %dma_start3A_534] : memref<2x32x8x128xi32, #tpu.memory_space<vmem_shared>> -> memref<1x1x1x128xi32, #tpu.memory_space<vmem_shared>>
    %dma_start3A_536 = tpu.memref_squeeze %dma_start3A_535 : memref<1x1x1x128xi32, #tpu.memory_space<vmem_shared>> -> memref<128xi32, #tpu.memory_space<vmem_shared>>
    %dma_start3A_537 = arith.constant 3088 : i32
    %dma_start3A_538 = tpu.memref_slice %arg8[%dma_start3A_537] : memref<4112xi32, #tpu.memory_space<vmem>> -> memref<128xi32, #tpu.memory_space<vmem>>
    %dma_start3A_539 = arith.constant 0 : i32
    %dma_start3A_540 = tpu.memref_slice %arg5[%select_n3A_250, %dma_start3A_531, %select_n3A_266, %dma_start3A_539] : memref<2x32x8x128xi32, #tpu.memory_space<vmem_shared>> -> memref<1x1x1x128xi32, #tpu.memory_space<vmem_shared>>
    %dma_start3A_541 = tpu.memref_squeeze %dma_start3A_540 : memref<1x1x1x128xi32, #tpu.memory_space<vmem_shared>> -> memref<128xi32, #tpu.memory_space<vmem_shared>>
    tpu.enqueue_dma source(%dma_start3A_541 : memref<128xi32, #tpu.memory_space<vmem_shared>>) target(%dma_start3A_538 : memref<128xi32, #tpu.memory_space<vmem>>) target_semaphore(%arg13 : memref<!tpu.dma_semaphore, #tpu.memory_space<semaphore_mem>>)
    %dma_start3A_542 = arith.constant 25 : i32
    %dma_start3A_543 = arith.constant 3216 : i32
    %dma_start3A_544 = tpu.memref_slice %arg8[%dma_start3A_543] : memref<4112xi32, #tpu.memory_space<vmem>> -> memref<128xi32, #tpu.memory_space<vmem>>
    %dma_start3A_545 = arith.constant 0 : i32
    %dma_start3A_546 = tpu.memref_slice %arg5[%select_n3A_250, %dma_start3A_542, %select_n3A_266, %dma_start3A_545] : memref<2x32x8x128xi32, #tpu.memory_space<vmem_shared>> -> memref<1x1x1x128xi32, #tpu.memory_space<vmem_shared>>
    %dma_start3A_547 = tpu.memref_squeeze %dma_start3A_546 : memref<1x1x1x128xi32, #tpu.memory_space<vmem_shared>> -> memref<128xi32, #tpu.memory_space<vmem_shared>>
    %dma_start3A_548 = arith.constant 3216 : i32
    %dma_start3A_549 = tpu.memref_slice %arg8[%dma_start3A_548] : memref<4112xi32, #tpu.memory_space<vmem>> -> memref<128xi32, #tpu.memory_space<vmem>>
    %dma_start3A_550 = arith.constant 0 : i32
    %dma_start3A_551 = tpu.memref_slice %arg5[%select_n3A_250, %dma_start3A_542, %select_n3A_266, %dma_start3A_550] : memref<2x32x8x128xi32, #tpu.memory_space<vmem_shared>> -> memref<1x1x1x128xi32, #tpu.memory_space<vmem_shared>>
    %dma_start3A_552 = tpu.memref_squeeze %dma_start3A_551 : memref<1x1x1x128xi32, #tpu.memory_space<vmem_shared>> -> memref<128xi32, #tpu.memory_space<vmem_shared>>
    tpu.enqueue_dma source(%dma_start3A_552 : memref<128xi32, #tpu.memory_space<vmem_shared>>) target(%dma_start3A_549 : memref<128xi32, #tpu.memory_space<vmem>>) target_semaphore(%arg13 : memref<!tpu.dma_semaphore, #tpu.memory_space<semaphore_mem>>)
    %dma_start3A_553 = arith.constant 26 : i32
    %dma_start3A_554 = arith.constant 3344 : i32
    %dma_start3A_555 = tpu.memref_slice %arg8[%dma_start3A_554] : memref<4112xi32, #tpu.memory_space<vmem>> -> memref<128xi32, #tpu.memory_space<vmem>>
    %dma_start3A_556 = arith.constant 0 : i32
    %dma_start3A_557 = tpu.memref_slice %arg5[%select_n3A_250, %dma_start3A_553, %select_n3A_266, %dma_start3A_556] : memref<2x32x8x128xi32, #tpu.memory_space<vmem_shared>> -> memref<1x1x1x128xi32, #tpu.memory_space<vmem_shared>>
    %dma_start3A_558 = tpu.memref_squeeze %dma_start3A_557 : memref<1x1x1x128xi32, #tpu.memory_space<vmem_shared>> -> memref<128xi32, #tpu.memory_space<vmem_shared>>
    %dma_start3A_559 = arith.constant 3344 : i32
    %dma_start3A_560 = tpu.memref_slice %arg8[%dma_start3A_559] : memref<4112xi32, #tpu.memory_space<vmem>> -> memref<128xi32, #tpu.memory_space<vmem>>
    %dma_start3A_561 = arith.constant 0 : i32
    %dma_start3A_562 = tpu.memref_slice %arg5[%select_n3A_250, %dma_start3A_553, %select_n3A_266, %dma_start3A_561] : memref<2x32x8x128xi32, #tpu.memory_space<vmem_shared>> -> memref<1x1x1x128xi32, #tpu.memory_space<vmem_shared>>
    %dma_start3A_563 = tpu.memref_squeeze %dma_start3A_562 : memref<1x1x1x128xi32, #tpu.memory_space<vmem_shared>> -> memref<128xi32, #tpu.memory_space<vmem_shared>>
    tpu.enqueue_dma source(%dma_start3A_563 : memref<128xi32, #tpu.memory_space<vmem_shared>>) target(%dma_start3A_560 : memref<128xi32, #tpu.memory_space<vmem>>) target_semaphore(%arg13 : memref<!tpu.dma_semaphore, #tpu.memory_space<semaphore_mem>>)
    %dma_start3A_564 = arith.constant 27 : i32
    %dma_start3A_565 = arith.constant 3472 : i32
    %dma_start3A_566 = tpu.memref_slice %arg8[%dma_start3A_565] : memref<4112xi32, #tpu.memory_space<vmem>> -> memref<128xi32, #tpu.memory_space<vmem>>
    %dma_start3A_567 = arith.constant 0 : i32
    %dma_start3A_568 = tpu.memref_slice %arg5[%select_n3A_250, %dma_start3A_564, %select_n3A_266, %dma_start3A_567] : memref<2x32x8x128xi32, #tpu.memory_space<vmem_shared>> -> memref<1x1x1x128xi32, #tpu.memory_space<vmem_shared>>
    %dma_start3A_569 = tpu.memref_squeeze %dma_start3A_568 : memref<1x1x1x128xi32, #tpu.memory_space<vmem_shared>> -> memref<128xi32, #tpu.memory_space<vmem_shared>>
    %dma_start3A_570 = arith.constant 3472 : i32
    %dma_start3A_571 = tpu.memref_slice %arg8[%dma_start3A_570] : memref<4112xi32, #tpu.memory_space<vmem>> -> memref<128xi32, #tpu.memory_space<vmem>>
    %dma_start3A_572 = arith.constant 0 : i32
    %dma_start3A_573 = tpu.memref_slice %arg5[%select_n3A_250, %dma_start3A_564, %select_n3A_266, %dma_start3A_572] : memref<2x32x8x128xi32, #tpu.memory_space<vmem_shared>> -> memref<1x1x1x128xi32, #tpu.memory_space<vmem_shared>>
    %dma_start3A_574 = tpu.memref_squeeze %dma_start3A_573 : memref<1x1x1x128xi32, #tpu.memory_space<vmem_shared>> -> memref<128xi32, #tpu.memory_space<vmem_shared>>
    tpu.enqueue_dma source(%dma_start3A_574 : memref<128xi32, #tpu.memory_space<vmem_shared>>) target(%dma_start3A_571 : memref<128xi32, #tpu.memory_space<vmem>>) target_semaphore(%arg13 : memref<!tpu.dma_semaphore, #tpu.memory_space<semaphore_mem>>)
    %dma_start3A_575 = arith.constant 28 : i32
    %dma_start3A_576 = arith.constant 3600 : i32
    %dma_start3A_577 = tpu.memref_slice %arg8[%dma_start3A_576] : memref<4112xi32, #tpu.memory_space<vmem>> -> memref<128xi32, #tpu.memory_space<vmem>>
    %dma_start3A_578 = arith.constant 0 : i32
    %dma_start3A_579 = tpu.memref_slice %arg5[%select_n3A_250, %dma_start3A_575, %select_n3A_266, %dma_start3A_578] : memref<2x32x8x128xi32, #tpu.memory_space<vmem_shared>> -> memref<1x1x1x128xi32, #tpu.memory_space<vmem_shared>>
    %dma_start3A_580 = tpu.memref_squeeze %dma_start3A_579 : memref<1x1x1x128xi32, #tpu.memory_space<vmem_shared>> -> memref<128xi32, #tpu.memory_space<vmem_shared>>
    %dma_start3A_581 = arith.constant 3600 : i32
    %dma_start3A_582 = tpu.memref_slice %arg8[%dma_start3A_581] : memref<4112xi32, #tpu.memory_space<vmem>> -> memref<128xi32, #tpu.memory_space<vmem>>
    %dma_start3A_583 = arith.constant 0 : i32
    %dma_start3A_584 = tpu.memref_slice %arg5[%select_n3A_250, %dma_start3A_575, %select_n3A_266, %dma_start3A_583] : memref<2x32x8x128xi32, #tpu.memory_space<vmem_shared>> -> memref<1x1x1x128xi32, #tpu.memory_space<vmem_shared>>
    %dma_start3A_585 = tpu.memref_squeeze %dma_start3A_584 : memref<1x1x1x128xi32, #tpu.memory_space<vmem_shared>> -> memref<128xi32, #tpu.memory_space<vmem_shared>>
    tpu.enqueue_dma source(%dma_start3A_585 : memref<128xi32, #tpu.memory_space<vmem_shared>>) target(%dma_start3A_582 : memref<128xi32, #tpu.memory_space<vmem>>) target_semaphore(%arg13 : memref<!tpu.dma_semaphore, #tpu.memory_space<semaphore_mem>>)
    %dma_start3A_586 = arith.constant 29 : i32
    %dma_start3A_587 = arith.constant 3728 : i32
    %dma_start3A_588 = tpu.memref_slice %arg8[%dma_start3A_587] : memref<4112xi32, #tpu.memory_space<vmem>> -> memref<128xi32, #tpu.memory_space<vmem>>
    %dma_start3A_589 = arith.constant 0 : i32
    %dma_start3A_590 = tpu.memref_slice %arg5[%select_n3A_250, %dma_start3A_586, %select_n3A_266, %dma_start3A_589] : memref<2x32x8x128xi32, #tpu.memory_space<vmem_shared>> -> memref<1x1x1x128xi32, #tpu.memory_space<vmem_shared>>
    %dma_start3A_591 = tpu.memref_squeeze %dma_start3A_590 : memref<1x1x1x128xi32, #tpu.memory_space<vmem_shared>> -> memref<128xi32, #tpu.memory_space<vmem_shared>>
    %dma_start3A_592 = arith.constant 3728 : i32
    %dma_start3A_593 = tpu.memref_slice %arg8[%dma_start3A_592] : memref<4112xi32, #tpu.memory_space<vmem>> -> memref<128xi32, #tpu.memory_space<vmem>>
    %dma_start3A_594 = arith.constant 0 : i32
    %dma_start3A_595 = tpu.memref_slice %arg5[%select_n3A_250, %dma_start3A_586, %select_n3A_266, %dma_start3A_594] : memref<2x32x8x128xi32, #tpu.memory_space<vmem_shared>> -> memref<1x1x1x128xi32, #tpu.memory_space<vmem_shared>>
    %dma_start3A_596 = tpu.memref_squeeze %dma_start3A_595 : memref<1x1x1x128xi32, #tpu.memory_space<vmem_shared>> -> memref<128xi32, #tpu.memory_space<vmem_shared>>
    tpu.enqueue_dma source(%dma_start3A_596 : memref<128xi32, #tpu.memory_space<vmem_shared>>) target(%dma_start3A_593 : memref<128xi32, #tpu.memory_space<vmem>>) target_semaphore(%arg13 : memref<!tpu.dma_semaphore, #tpu.memory_space<semaphore_mem>>)
    %dma_start3A_597 = arith.constant 30 : i32
    %dma_start3A_598 = arith.constant 3856 : i32
    %dma_start3A_599 = tpu.memref_slice %arg8[%dma_start3A_598] : memref<4112xi32, #tpu.memory_space<vmem>> -> memref<128xi32, #tpu.memory_space<vmem>>
    %dma_start3A_600 = arith.constant 0 : i32
    %dma_start3A_601 = tpu.memref_slice %arg5[%select_n3A_250, %dma_start3A_597, %select_n3A_266, %dma_start3A_600] : memref<2x32x8x128xi32, #tpu.memory_space<vmem_shared>> -> memref<1x1x1x128xi32, #tpu.memory_space<vmem_shared>>
    %dma_start3A_602 = tpu.memref_squeeze %dma_start3A_601 : memref<1x1x1x128xi32, #tpu.memory_space<vmem_shared>> -> memref<128xi32, #tpu.memory_space<vmem_shared>>
    %dma_start3A_603 = arith.constant 3856 : i32
    %dma_start3A_604 = tpu.memref_slice %arg8[%dma_start3A_603] : memref<4112xi32, #tpu.memory_space<vmem>> -> memref<128xi32, #tpu.memory_space<vmem>>
    %dma_start3A_605 = arith.constant 0 : i32
    %dma_start3A_606 = tpu.memref_slice %arg5[%select_n3A_250, %dma_start3A_597, %select_n3A_266, %dma_start3A_605] : memref<2x32x8x128xi32, #tpu.memory_space<vmem_shared>> -> memref<1x1x1x128xi32, #tpu.memory_space<vmem_shared>>
    %dma_start3A_607 = tpu.memref_squeeze %dma_start3A_606 : memref<1x1x1x128xi32, #tpu.memory_space<vmem_shared>> -> memref<128xi32, #tpu.memory_space<vmem_shared>>
    tpu.enqueue_dma source(%dma_start3A_607 : memref<128xi32, #tpu.memory_space<vmem_shared>>) target(%dma_start3A_604 : memref<128xi32, #tpu.memory_space<vmem>>) target_semaphore(%arg13 : memref<!tpu.dma_semaphore, #tpu.memory_space<semaphore_mem>>)
    %dma_start3A_608 = arith.constant 31 : i32
    %dma_start3A_609 = arith.constant 3984 : i32
    %dma_start3A_610 = tpu.memref_slice %arg8[%dma_start3A_609] : memref<4112xi32, #tpu.memory_space<vmem>> -> memref<128xi32, #tpu.memory_space<vmem>>
    %dma_start3A_611 = arith.constant 0 : i32
    %dma_start3A_612 = tpu.memref_slice %arg5[%select_n3A_250, %dma_start3A_608, %select_n3A_266, %dma_start3A_611] : memref<2x32x8x128xi32, #tpu.memory_space<vmem_shared>> -> memref<1x1x1x128xi32, #tpu.memory_space<vmem_shared>>
    %dma_start3A_613 = tpu.memref_squeeze %dma_start3A_612 : memref<1x1x1x128xi32, #tpu.memory_space<vmem_shared>> -> memref<128xi32, #tpu.memory_space<vmem_shared>>
    %dma_start3A_614 = arith.constant 3984 : i32
    %dma_start3A_615 = tpu.memref_slice %arg8[%dma_start3A_614] : memref<4112xi32, #tpu.memory_space<vmem>> -> memref<128xi32, #tpu.memory_space<vmem>>
    %dma_start3A_616 = arith.constant 0 : i32
    %dma_start3A_617 = tpu.memref_slice %arg5[%select_n3A_250, %dma_start3A_608, %select_n3A_266, %dma_start3A_616] : memref<2x32x8x128xi32, #tpu.memory_space<vmem_shared>> -> memref<1x1x1x128xi32, #tpu.memory_space<vmem_shared>>
    %dma_start3A_618 = tpu.memref_squeeze %dma_start3A_617 : memref<1x1x1x128xi32, #tpu.memory_space<vmem_shared>> -> memref<128xi32, #tpu.memory_space<vmem_shared>>
    tpu.enqueue_dma source(%dma_start3A_618 : memref<128xi32, #tpu.memory_space<vmem_shared>>) target(%dma_start3A_615 : memref<128xi32, #tpu.memory_space<vmem>>) target_semaphore(%arg13 : memref<!tpu.dma_semaphore, #tpu.memory_space<semaphore_mem>>)
    %dma_wait3A_619 = arith.constant 0 : i32
    %dma_wait3A_620 = arith.constant 16 : i32
    %dma_wait3A_621 = tpu.memref_slice %arg8[%dma_wait3A_620] : memref<4112xi32, #tpu.memory_space<vmem>> -> memref<128xi32, #tpu.memory_space<vmem>>
    %dma_wait3A_622 = arith.constant 0 : i32
    %dma_wait3A_623 = tpu.memref_slice %arg5[%select_n3A_250, %dma_wait3A_619, %select_n3A_266, %dma_wait3A_622] : memref<2x32x8x128xi32, #tpu.memory_space<vmem_shared>> -> memref<1x1x1x128xi32, #tpu.memory_space<vmem_shared>>
    %dma_wait3A_624 = tpu.memref_squeeze %dma_wait3A_623 : memref<1x1x1x128xi32, #tpu.memory_space<vmem_shared>> -> memref<128xi32, #tpu.memory_space<vmem_shared>>
    %dma_wait3A_625 = arith.constant 16 : i32
    %dma_wait3A_626 = tpu.memref_slice %arg8[%dma_wait3A_625] : memref<4112xi32, #tpu.memory_space<vmem>> -> memref<128xi32, #tpu.memory_space<vmem>>
    %dma_wait3A_627 = arith.constant 0 : i32
    %dma_wait3A_628 = tpu.memref_slice %arg5[%select_n3A_250, %dma_wait3A_619, %select_n3A_266, %dma_wait3A_627] : memref<2x32x8x128xi32, #tpu.memory_space<vmem_shared>> -> memref<1x1x1x128xi32, #tpu.memory_space<vmem_shared>>
    %dma_wait3A_629 = tpu.memref_squeeze %dma_wait3A_628 : memref<1x1x1x128xi32, #tpu.memory_space<vmem_shared>> -> memref<128xi32, #tpu.memory_space<vmem_shared>>
    tpu.wait_dma2 semaphore(%arg13 : memref<!tpu.dma_semaphore, #tpu.memory_space<semaphore_mem>>) src(%dma_wait3A_629 : memref<128xi32, #tpu.memory_space<vmem_shared>>) dst(%dma_wait3A_626 : memref<128xi32, #tpu.memory_space<vmem>>)
    %dma_wait3A_630 = arith.constant 1 : i32
    %dma_wait3A_631 = arith.constant 144 : i32
    %dma_wait3A_632 = tpu.memref_slice %arg8[%dma_wait3A_631] : memref<4112xi32, #tpu.memory_space<vmem>> -> memref<128xi32, #tpu.memory_space<vmem>>
    %dma_wait3A_633 = arith.constant 0 : i32
    %dma_wait3A_634 = tpu.memref_slice %arg5[%select_n3A_250, %dma_wait3A_630, %select_n3A_266, %dma_wait3A_633] : memref<2x32x8x128xi32, #tpu.memory_space<vmem_shared>> -> memref<1x1x1x128xi32, #tpu.memory_space<vmem_shared>>
    %dma_wait3A_635 = tpu.memref_squeeze %dma_wait3A_634 : memref<1x1x1x128xi32, #tpu.memory_space<vmem_shared>> -> memref<128xi32, #tpu.memory_space<vmem_shared>>
    %dma_wait3A_636 = arith.constant 144 : i32
    %dma_wait3A_637 = tpu.memref_slice %arg8[%dma_wait3A_636] : memref<4112xi32, #tpu.memory_space<vmem>> -> memref<128xi32, #tpu.memory_space<vmem>>
    %dma_wait3A_638 = arith.constant 0 : i32
    %dma_wait3A_639 = tpu.memref_slice %arg5[%select_n3A_250, %dma_wait3A_630, %select_n3A_266, %dma_wait3A_638] : memref<2x32x8x128xi32, #tpu.memory_space<vmem_shared>> -> memref<1x1x1x128xi32, #tpu.memory_space<vmem_shared>>
    %dma_wait3A_640 = tpu.memref_squeeze %dma_wait3A_639 : memref<1x1x1x128xi32, #tpu.memory_space<vmem_shared>> -> memref<128xi32, #tpu.memory_space<vmem_shared>>
    tpu.wait_dma2 semaphore(%arg13 : memref<!tpu.dma_semaphore, #tpu.memory_space<semaphore_mem>>) src(%dma_wait3A_640 : memref<128xi32, #tpu.memory_space<vmem_shared>>) dst(%dma_wait3A_637 : memref<128xi32, #tpu.memory_space<vmem>>)
    %dma_wait3A_641 = arith.constant 2 : i32
    %dma_wait3A_642 = arith.constant 272 : i32
    %dma_wait3A_643 = tpu.memref_slice %arg8[%dma_wait3A_642] : memref<4112xi32, #tpu.memory_space<vmem>> -> memref<128xi32, #tpu.memory_space<vmem>>
    %dma_wait3A_644 = arith.constant 0 : i32
    %dma_wait3A_645 = tpu.memref_slice %arg5[%select_n3A_250, %dma_wait3A_641, %select_n3A_266, %dma_wait3A_644] : memref<2x32x8x128xi32, #tpu.memory_space<vmem_shared>> -> memref<1x1x1x128xi32, #tpu.memory_space<vmem_shared>>
    %dma_wait3A_646 = tpu.memref_squeeze %dma_wait3A_645 : memref<1x1x1x128xi32, #tpu.memory_space<vmem_shared>> -> memref<128xi32, #tpu.memory_space<vmem_shared>>
    %dma_wait3A_647 = arith.constant 272 : i32
    %dma_wait3A_648 = tpu.memref_slice %arg8[%dma_wait3A_647] : memref<4112xi32, #tpu.memory_space<vmem>> -> memref<128xi32, #tpu.memory_space<vmem>>
    %dma_wait3A_649 = arith.constant 0 : i32
    %dma_wait3A_650 = tpu.memref_slice %arg5[%select_n3A_250, %dma_wait3A_641, %select_n3A_266, %dma_wait3A_649] : memref<2x32x8x128xi32, #tpu.memory_space<vmem_shared>> -> memref<1x1x1x128xi32, #tpu.memory_space<vmem_shared>>
    %dma_wait3A_651 = tpu.memref_squeeze %dma_wait3A_650 : memref<1x1x1x128xi32, #tpu.memory_space<vmem_shared>> -> memref<128xi32, #tpu.memory_space<vmem_shared>>
    tpu.wait_dma2 semaphore(%arg13 : memref<!tpu.dma_semaphore, #tpu.memory_space<semaphore_mem>>) src(%dma_wait3A_651 : memref<128xi32, #tpu.memory_space<vmem_shared>>) dst(%dma_wait3A_648 : memref<128xi32, #tpu.memory_space<vmem>>)
    %dma_wait3A_652 = arith.constant 3 : i32
    %dma_wait3A_653 = arith.constant 400 : i32
    %dma_wait3A_654 = tpu.memref_slice %arg8[%dma_wait3A_653] : memref<4112xi32, #tpu.memory_space<vmem>> -> memref<128xi32, #tpu.memory_space<vmem>>
    %dma_wait3A_655 = arith.constant 0 : i32
    %dma_wait3A_656 = tpu.memref_slice %arg5[%select_n3A_250, %dma_wait3A_652, %select_n3A_266, %dma_wait3A_655] : memref<2x32x8x128xi32, #tpu.memory_space<vmem_shared>> -> memref<1x1x1x128xi32, #tpu.memory_space<vmem_shared>>
    %dma_wait3A_657 = tpu.memref_squeeze %dma_wait3A_656 : memref<1x1x1x128xi32, #tpu.memory_space<vmem_shared>> -> memref<128xi32, #tpu.memory_space<vmem_shared>>
    %dma_wait3A_658 = arith.constant 400 : i32
    %dma_wait3A_659 = tpu.memref_slice %arg8[%dma_wait3A_658] : memref<4112xi32, #tpu.memory_space<vmem>> -> memref<128xi32, #tpu.memory_space<vmem>>
    %dma_wait3A_660 = arith.constant 0 : i32
    %dma_wait3A_661 = tpu.memref_slice %arg5[%select_n3A_250, %dma_wait3A_652, %select_n3A_266, %dma_wait3A_660] : memref<2x32x8x128xi32, #tpu.memory_space<vmem_shared>> -> memref<1x1x1x128xi32, #tpu.memory_space<vmem_shared>>
    %dma_wait3A_662 = tpu.memref_squeeze %dma_wait3A_661 : memref<1x1x1x128xi32, #tpu.memory_space<vmem_shared>> -> memref<128xi32, #tpu.memory_space<vmem_shared>>
    tpu.wait_dma2 semaphore(%arg13 : memref<!tpu.dma_semaphore, #tpu.memory_space<semaphore_mem>>) src(%dma_wait3A_662 : memref<128xi32, #tpu.memory_space<vmem_shared>>) dst(%dma_wait3A_659 : memref<128xi32, #tpu.memory_space<vmem>>)
    %dma_wait3A_663 = arith.constant 4 : i32
    %dma_wait3A_664 = arith.constant 528 : i32
    %dma_wait3A_665 = tpu.memref_slice %arg8[%dma_wait3A_664] : memref<4112xi32, #tpu.memory_space<vmem>> -> memref<128xi32, #tpu.memory_space<vmem>>
    %dma_wait3A_666 = arith.constant 0 : i32
    %dma_wait3A_667 = tpu.memref_slice %arg5[%select_n3A_250, %dma_wait3A_663, %select_n3A_266, %dma_wait3A_666] : memref<2x32x8x128xi32, #tpu.memory_space<vmem_shared>> -> memref<1x1x1x128xi32, #tpu.memory_space<vmem_shared>>
    %dma_wait3A_668 = tpu.memref_squeeze %dma_wait3A_667 : memref<1x1x1x128xi32, #tpu.memory_space<vmem_shared>> -> memref<128xi32, #tpu.memory_space<vmem_shared>>
    %dma_wait3A_669 = arith.constant 528 : i32
    %dma_wait3A_670 = tpu.memref_slice %arg8[%dma_wait3A_669] : memref<4112xi32, #tpu.memory_space<vmem>> -> memref<128xi32, #tpu.memory_space<vmem>>
    %dma_wait3A_671 = arith.constant 0 : i32
    %dma_wait3A_672 = tpu.memref_slice %arg5[%select_n3A_250, %dma_wait3A_663, %select_n3A_266, %dma_wait3A_671] : memref<2x32x8x128xi32, #tpu.memory_space<vmem_shared>> -> memref<1x1x1x128xi32, #tpu.memory_space<vmem_shared>>
    %dma_wait3A_673 = tpu.memref_squeeze %dma_wait3A_672 : memref<1x1x1x128xi32, #tpu.memory_space<vmem_shared>> -> memref<128xi32, #tpu.memory_space<vmem_shared>>
    tpu.wait_dma2 semaphore(%arg13 : memref<!tpu.dma_semaphore, #tpu.memory_space<semaphore_mem>>) src(%dma_wait3A_673 : memref<128xi32, #tpu.memory_space<vmem_shared>>) dst(%dma_wait3A_670 : memref<128xi32, #tpu.memory_space<vmem>>)
    %dma_wait3A_674 = arith.constant 5 : i32
    %dma_wait3A_675 = arith.constant 656 : i32
    %dma_wait3A_676 = tpu.memref_slice %arg8[%dma_wait3A_675] : memref<4112xi32, #tpu.memory_space<vmem>> -> memref<128xi32, #tpu.memory_space<vmem>>
    %dma_wait3A_677 = arith.constant 0 : i32
    %dma_wait3A_678 = tpu.memref_slice %arg5[%select_n3A_250, %dma_wait3A_674, %select_n3A_266, %dma_wait3A_677] : memref<2x32x8x128xi32, #tpu.memory_space<vmem_shared>> -> memref<1x1x1x128xi32, #tpu.memory_space<vmem_shared>>
    %dma_wait3A_679 = tpu.memref_squeeze %dma_wait3A_678 : memref<1x1x1x128xi32, #tpu.memory_space<vmem_shared>> -> memref<128xi32, #tpu.memory_space<vmem_shared>>
    %dma_wait3A_680 = arith.constant 656 : i32
    %dma_wait3A_681 = tpu.memref_slice %arg8[%dma_wait3A_680] : memref<4112xi32, #tpu.memory_space<vmem>> -> memref<128xi32, #tpu.memory_space<vmem>>
    %dma_wait3A_682 = arith.constant 0 : i32
    %dma_wait3A_683 = tpu.memref_slice %arg5[%select_n3A_250, %dma_wait3A_674, %select_n3A_266, %dma_wait3A_682] : memref<2x32x8x128xi32, #tpu.memory_space<vmem_shared>> -> memref<1x1x1x128xi32, #tpu.memory_space<vmem_shared>>
    %dma_wait3A_684 = tpu.memref_squeeze %dma_wait3A_683 : memref<1x1x1x128xi32, #tpu.memory_space<vmem_shared>> -> memref<128xi32, #tpu.memory_space<vmem_shared>>
    tpu.wait_dma2 semaphore(%arg13 : memref<!tpu.dma_semaphore, #tpu.memory_space<semaphore_mem>>) src(%dma_wait3A_684 : memref<128xi32, #tpu.memory_space<vmem_shared>>) dst(%dma_wait3A_681 : memref<128xi32, #tpu.memory_space<vmem>>)
    %dma_wait3A_685 = arith.constant 6 : i32
    %dma_wait3A_686 = arith.constant 784 : i32
    %dma_wait3A_687 = tpu.memref_slice %arg8[%dma_wait3A_686] : memref<4112xi32, #tpu.memory_space<vmem>> -> memref<128xi32, #tpu.memory_space<vmem>>
    %dma_wait3A_688 = arith.constant 0 : i32
    %dma_wait3A_689 = tpu.memref_slice %arg5[%select_n3A_250, %dma_wait3A_685, %select_n3A_266, %dma_wait3A_688] : memref<2x32x8x128xi32, #tpu.memory_space<vmem_shared>> -> memref<1x1x1x128xi32, #tpu.memory_space<vmem_shared>>
    %dma_wait3A_690 = tpu.memref_squeeze %dma_wait3A_689 : memref<1x1x1x128xi32, #tpu.memory_space<vmem_shared>> -> memref<128xi32, #tpu.memory_space<vmem_shared>>
    %dma_wait3A_691 = arith.constant 784 : i32
    %dma_wait3A_692 = tpu.memref_slice %arg8[%dma_wait3A_691] : memref<4112xi32, #tpu.memory_space<vmem>> -> memref<128xi32, #tpu.memory_space<vmem>>
    %dma_wait3A_693 = arith.constant 0 : i32
    %dma_wait3A_694 = tpu.memref_slice %arg5[%select_n3A_250, %dma_wait3A_685, %select_n3A_266, %dma_wait3A_693] : memref<2x32x8x128xi32, #tpu.memory_space<vmem_shared>> -> memref<1x1x1x128xi32, #tpu.memory_space<vmem_shared>>
    %dma_wait3A_695 = tpu.memref_squeeze %dma_wait3A_694 : memref<1x1x1x128xi32, #tpu.memory_space<vmem_shared>> -> memref<128xi32, #tpu.memory_space<vmem_shared>>
    tpu.wait_dma2 semaphore(%arg13 : memref<!tpu.dma_semaphore, #tpu.memory_space<semaphore_mem>>) src(%dma_wait3A_695 : memref<128xi32, #tpu.memory_space<vmem_shared>>) dst(%dma_wait3A_692 : memref<128xi32, #tpu.memory_space<vmem>>)
    %dma_wait3A_696 = arith.constant 7 : i32
    %dma_wait3A_697 = arith.constant 912 : i32
    %dma_wait3A_698 = tpu.memref_slice %arg8[%dma_wait3A_697] : memref<4112xi32, #tpu.memory_space<vmem>> -> memref<128xi32, #tpu.memory_space<vmem>>
    %dma_wait3A_699 = arith.constant 0 : i32
    %dma_wait3A_700 = tpu.memref_slice %arg5[%select_n3A_250, %dma_wait3A_696, %select_n3A_266, %dma_wait3A_699] : memref<2x32x8x128xi32, #tpu.memory_space<vmem_shared>> -> memref<1x1x1x128xi32, #tpu.memory_space<vmem_shared>>
    %dma_wait3A_701 = tpu.memref_squeeze %dma_wait3A_700 : memref<1x1x1x128xi32, #tpu.memory_space<vmem_shared>> -> memref<128xi32, #tpu.memory_space<vmem_shared>>
    %dma_wait3A_702 = arith.constant 912 : i32
    %dma_wait3A_703 = tpu.memref_slice %arg8[%dma_wait3A_702] : memref<4112xi32, #tpu.memory_space<vmem>> -> memref<128xi32, #tpu.memory_space<vmem>>
    %dma_wait3A_704 = arith.constant 0 : i32
    %dma_wait3A_705 = tpu.memref_slice %arg5[%select_n3A_250, %dma_wait3A_696, %select_n3A_266, %dma_wait3A_704] : memref<2x32x8x128xi32, #tpu.memory_space<vmem_shared>> -> memref<1x1x1x128xi32, #tpu.memory_space<vmem_shared>>
    %dma_wait3A_706 = tpu.memref_squeeze %dma_wait3A_705 : memref<1x1x1x128xi32, #tpu.memory_space<vmem_shared>> -> memref<128xi32, #tpu.memory_space<vmem_shared>>
    tpu.wait_dma2 semaphore(%arg13 : memref<!tpu.dma_semaphore, #tpu.memory_space<semaphore_mem>>) src(%dma_wait3A_706 : memref<128xi32, #tpu.memory_space<vmem_shared>>) dst(%dma_wait3A_703 : memref<128xi32, #tpu.memory_space<vmem>>)
    %dma_wait3A_707 = arith.constant 8 : i32
    %dma_wait3A_708 = arith.constant 1040 : i32
    %dma_wait3A_709 = tpu.memref_slice %arg8[%dma_wait3A_708] : memref<4112xi32, #tpu.memory_space<vmem>> -> memref<128xi32, #tpu.memory_space<vmem>>
    %dma_wait3A_710 = arith.constant 0 : i32
    %dma_wait3A_711 = tpu.memref_slice %arg5[%select_n3A_250, %dma_wait3A_707, %select_n3A_266, %dma_wait3A_710] : memref<2x32x8x128xi32, #tpu.memory_space<vmem_shared>> -> memref<1x1x1x128xi32, #tpu.memory_space<vmem_shared>>
    %dma_wait3A_712 = tpu.memref_squeeze %dma_wait3A_711 : memref<1x1x1x128xi32, #tpu.memory_space<vmem_shared>> -> memref<128xi32, #tpu.memory_space<vmem_shared>>
    %dma_wait3A_713 = arith.constant 1040 : i32
    %dma_wait3A_714 = tpu.memref_slice %arg8[%dma_wait3A_713] : memref<4112xi32, #tpu.memory_space<vmem>> -> memref<128xi32, #tpu.memory_space<vmem>>
    %dma_wait3A_715 = arith.constant 0 : i32
    %dma_wait3A_716 = tpu.memref_slice %arg5[%select_n3A_250, %dma_wait3A_707, %select_n3A_266, %dma_wait3A_715] : memref<2x32x8x128xi32, #tpu.memory_space<vmem_shared>> -> memref<1x1x1x128xi32, #tpu.memory_space<vmem_shared>>
    %dma_wait3A_717 = tpu.memref_squeeze %dma_wait3A_716 : memref<1x1x1x128xi32, #tpu.memory_space<vmem_shared>> -> memref<128xi32, #tpu.memory_space<vmem_shared>>
    tpu.wait_dma2 semaphore(%arg13 : memref<!tpu.dma_semaphore, #tpu.memory_space<semaphore_mem>>) src(%dma_wait3A_717 : memref<128xi32, #tpu.memory_space<vmem_shared>>) dst(%dma_wait3A_714 : memref<128xi32, #tpu.memory_space<vmem>>)
    %dma_wait3A_718 = arith.constant 9 : i32
    %dma_wait3A_719 = arith.constant 1168 : i32
    %dma_wait3A_720 = tpu.memref_slice %arg8[%dma_wait3A_719] : memref<4112xi32, #tpu.memory_space<vmem>> -> memref<128xi32, #tpu.memory_space<vmem>>
    %dma_wait3A_721 = arith.constant 0 : i32
    %dma_wait3A_722 = tpu.memref_slice %arg5[%select_n3A_250, %dma_wait3A_718, %select_n3A_266, %dma_wait3A_721] : memref<2x32x8x128xi32, #tpu.memory_space<vmem_shared>> -> memref<1x1x1x128xi32, #tpu.memory_space<vmem_shared>>
    %dma_wait3A_723 = tpu.memref_squeeze %dma_wait3A_722 : memref<1x1x1x128xi32, #tpu.memory_space<vmem_shared>> -> memref<128xi32, #tpu.memory_space<vmem_shared>>
    %dma_wait3A_724 = arith.constant 1168 : i32
    %dma_wait3A_725 = tpu.memref_slice %arg8[%dma_wait3A_724] : memref<4112xi32, #tpu.memory_space<vmem>> -> memref<128xi32, #tpu.memory_space<vmem>>
    %dma_wait3A_726 = arith.constant 0 : i32
    %dma_wait3A_727 = tpu.memref_slice %arg5[%select_n3A_250, %dma_wait3A_718, %select_n3A_266, %dma_wait3A_726] : memref<2x32x8x128xi32, #tpu.memory_space<vmem_shared>> -> memref<1x1x1x128xi32, #tpu.memory_space<vmem_shared>>
    %dma_wait3A_728 = tpu.memref_squeeze %dma_wait3A_727 : memref<1x1x1x128xi32, #tpu.memory_space<vmem_shared>> -> memref<128xi32, #tpu.memory_space<vmem_shared>>
    tpu.wait_dma2 semaphore(%arg13 : memref<!tpu.dma_semaphore, #tpu.memory_space<semaphore_mem>>) src(%dma_wait3A_728 : memref<128xi32, #tpu.memory_space<vmem_shared>>) dst(%dma_wait3A_725 : memref<128xi32, #tpu.memory_space<vmem>>)
    %dma_wait3A_729 = arith.constant 10 : i32
    %dma_wait3A_730 = arith.constant 1296 : i32
    %dma_wait3A_731 = tpu.memref_slice %arg8[%dma_wait3A_730] : memref<4112xi32, #tpu.memory_space<vmem>> -> memref<128xi32, #tpu.memory_space<vmem>>
    %dma_wait3A_732 = arith.constant 0 : i32
    %dma_wait3A_733 = tpu.memref_slice %arg5[%select_n3A_250, %dma_wait3A_729, %select_n3A_266, %dma_wait3A_732] : memref<2x32x8x128xi32, #tpu.memory_space<vmem_shared>> -> memref<1x1x1x128xi32, #tpu.memory_space<vmem_shared>>
    %dma_wait3A_734 = tpu.memref_squeeze %dma_wait3A_733 : memref<1x1x1x128xi32, #tpu.memory_space<vmem_shared>> -> memref<128xi32, #tpu.memory_space<vmem_shared>>
    %dma_wait3A_735 = arith.constant 1296 : i32
    %dma_wait3A_736 = tpu.memref_slice %arg8[%dma_wait3A_735] : memref<4112xi32, #tpu.memory_space<vmem>> -> memref<128xi32, #tpu.memory_space<vmem>>
    %dma_wait3A_737 = arith.constant 0 : i32
    %dma_wait3A_738 = tpu.memref_slice %arg5[%select_n3A_250, %dma_wait3A_729, %select_n3A_266, %dma_wait3A_737] : memref<2x32x8x128xi32, #tpu.memory_space<vmem_shared>> -> memref<1x1x1x128xi32, #tpu.memory_space<vmem_shared>>
    %dma_wait3A_739 = tpu.memref_squeeze %dma_wait3A_738 : memref<1x1x1x128xi32, #tpu.memory_space<vmem_shared>> -> memref<128xi32, #tpu.memory_space<vmem_shared>>
    tpu.wait_dma2 semaphore(%arg13 : memref<!tpu.dma_semaphore, #tpu.memory_space<semaphore_mem>>) src(%dma_wait3A_739 : memref<128xi32, #tpu.memory_space<vmem_shared>>) dst(%dma_wait3A_736 : memref<128xi32, #tpu.memory_space<vmem>>)
    %dma_wait3A_740 = arith.constant 11 : i32
    %dma_wait3A_741 = arith.constant 1424 : i32
    %dma_wait3A_742 = tpu.memref_slice %arg8[%dma_wait3A_741] : memref<4112xi32, #tpu.memory_space<vmem>> -> memref<128xi32, #tpu.memory_space<vmem>>
    %dma_wait3A_743 = arith.constant 0 : i32
    %dma_wait3A_744 = tpu.memref_slice %arg5[%select_n3A_250, %dma_wait3A_740, %select_n3A_266, %dma_wait3A_743] : memref<2x32x8x128xi32, #tpu.memory_space<vmem_shared>> -> memref<1x1x1x128xi32, #tpu.memory_space<vmem_shared>>
    %dma_wait3A_745 = tpu.memref_squeeze %dma_wait3A_744 : memref<1x1x1x128xi32, #tpu.memory_space<vmem_shared>> -> memref<128xi32, #tpu.memory_space<vmem_shared>>
    %dma_wait3A_746 = arith.constant 1424 : i32
    %dma_wait3A_747 = tpu.memref_slice %arg8[%dma_wait3A_746] : memref<4112xi32, #tpu.memory_space<vmem>> -> memref<128xi32, #tpu.memory_space<vmem>>
    %dma_wait3A_748 = arith.constant 0 : i32
    %dma_wait3A_749 = tpu.memref_slice %arg5[%select_n3A_250, %dma_wait3A_740, %select_n3A_266, %dma_wait3A_748] : memref<2x32x8x128xi32, #tpu.memory_space<vmem_shared>> -> memref<1x1x1x128xi32, #tpu.memory_space<vmem_shared>>
    %dma_wait3A_750 = tpu.memref_squeeze %dma_wait3A_749 : memref<1x1x1x128xi32, #tpu.memory_space<vmem_shared>> -> memref<128xi32, #tpu.memory_space<vmem_shared>>
    tpu.wait_dma2 semaphore(%arg13 : memref<!tpu.dma_semaphore, #tpu.memory_space<semaphore_mem>>) src(%dma_wait3A_750 : memref<128xi32, #tpu.memory_space<vmem_shared>>) dst(%dma_wait3A_747 : memref<128xi32, #tpu.memory_space<vmem>>)
    %dma_wait3A_751 = arith.constant 12 : i32
    %dma_wait3A_752 = arith.constant 1552 : i32
    %dma_wait3A_753 = tpu.memref_slice %arg8[%dma_wait3A_752] : memref<4112xi32, #tpu.memory_space<vmem>> -> memref<128xi32, #tpu.memory_space<vmem>>
    %dma_wait3A_754 = arith.constant 0 : i32
    %dma_wait3A_755 = tpu.memref_slice %arg5[%select_n3A_250, %dma_wait3A_751, %select_n3A_266, %dma_wait3A_754] : memref<2x32x8x128xi32, #tpu.memory_space<vmem_shared>> -> memref<1x1x1x128xi32, #tpu.memory_space<vmem_shared>>
    %dma_wait3A_756 = tpu.memref_squeeze %dma_wait3A_755 : memref<1x1x1x128xi32, #tpu.memory_space<vmem_shared>> -> memref<128xi32, #tpu.memory_space<vmem_shared>>
    %dma_wait3A_757 = arith.constant 1552 : i32
    %dma_wait3A_758 = tpu.memref_slice %arg8[%dma_wait3A_757] : memref<4112xi32, #tpu.memory_space<vmem>> -> memref<128xi32, #tpu.memory_space<vmem>>
    %dma_wait3A_759 = arith.constant 0 : i32
    %dma_wait3A_760 = tpu.memref_slice %arg5[%select_n3A_250, %dma_wait3A_751, %select_n3A_266, %dma_wait3A_759] : memref<2x32x8x128xi32, #tpu.memory_space<vmem_shared>> -> memref<1x1x1x128xi32, #tpu.memory_space<vmem_shared>>
    %dma_wait3A_761 = tpu.memref_squeeze %dma_wait3A_760 : memref<1x1x1x128xi32, #tpu.memory_space<vmem_shared>> -> memref<128xi32, #tpu.memory_space<vmem_shared>>
    tpu.wait_dma2 semaphore(%arg13 : memref<!tpu.dma_semaphore, #tpu.memory_space<semaphore_mem>>) src(%dma_wait3A_761 : memref<128xi32, #tpu.memory_space<vmem_shared>>) dst(%dma_wait3A_758 : memref<128xi32, #tpu.memory_space<vmem>>)
    %dma_wait3A_762 = arith.constant 13 : i32
    %dma_wait3A_763 = arith.constant 1680 : i32
    %dma_wait3A_764 = tpu.memref_slice %arg8[%dma_wait3A_763] : memref<4112xi32, #tpu.memory_space<vmem>> -> memref<128xi32, #tpu.memory_space<vmem>>
    %dma_wait3A_765 = arith.constant 0 : i32
    %dma_wait3A_766 = tpu.memref_slice %arg5[%select_n3A_250, %dma_wait3A_762, %select_n3A_266, %dma_wait3A_765] : memref<2x32x8x128xi32, #tpu.memory_space<vmem_shared>> -> memref<1x1x1x128xi32, #tpu.memory_space<vmem_shared>>
    %dma_wait3A_767 = tpu.memref_squeeze %dma_wait3A_766 : memref<1x1x1x128xi32, #tpu.memory_space<vmem_shared>> -> memref<128xi32, #tpu.memory_space<vmem_shared>>
    %dma_wait3A_768 = arith.constant 1680 : i32
    %dma_wait3A_769 = tpu.memref_slice %arg8[%dma_wait3A_768] : memref<4112xi32, #tpu.memory_space<vmem>> -> memref<128xi32, #tpu.memory_space<vmem>>
    %dma_wait3A_770 = arith.constant 0 : i32
    %dma_wait3A_771 = tpu.memref_slice %arg5[%select_n3A_250, %dma_wait3A_762, %select_n3A_266, %dma_wait3A_770] : memref<2x32x8x128xi32, #tpu.memory_space<vmem_shared>> -> memref<1x1x1x128xi32, #tpu.memory_space<vmem_shared>>
    %dma_wait3A_772 = tpu.memref_squeeze %dma_wait3A_771 : memref<1x1x1x128xi32, #tpu.memory_space<vmem_shared>> -> memref<128xi32, #tpu.memory_space<vmem_shared>>
    tpu.wait_dma2 semaphore(%arg13 : memref<!tpu.dma_semaphore, #tpu.memory_space<semaphore_mem>>) src(%dma_wait3A_772 : memref<128xi32, #tpu.memory_space<vmem_shared>>) dst(%dma_wait3A_769 : memref<128xi32, #tpu.memory_space<vmem>>)
    %dma_wait3A_773 = arith.constant 14 : i32
    %dma_wait3A_774 = arith.constant 1808 : i32
    %dma_wait3A_775 = tpu.memref_slice %arg8[%dma_wait3A_774] : memref<4112xi32, #tpu.memory_space<vmem>> -> memref<128xi32, #tpu.memory_space<vmem>>
    %dma_wait3A_776 = arith.constant 0 : i32
    %dma_wait3A_777 = tpu.memref_slice %arg5[%select_n3A_250, %dma_wait3A_773, %select_n3A_266, %dma_wait3A_776] : memref<2x32x8x128xi32, #tpu.memory_space<vmem_shared>> -> memref<1x1x1x128xi32, #tpu.memory_space<vmem_shared>>
    %dma_wait3A_778 = tpu.memref_squeeze %dma_wait3A_777 : memref<1x1x1x128xi32, #tpu.memory_space<vmem_shared>> -> memref<128xi32, #tpu.memory_space<vmem_shared>>
    %dma_wait3A_779 = arith.constant 1808 : i32
    %dma_wait3A_780 = tpu.memref_slice %arg8[%dma_wait3A_779] : memref<4112xi32, #tpu.memory_space<vmem>> -> memref<128xi32, #tpu.memory_space<vmem>>
    %dma_wait3A_781 = arith.constant 0 : i32
    %dma_wait3A_782 = tpu.memref_slice %arg5[%select_n3A_250, %dma_wait3A_773, %select_n3A_266, %dma_wait3A_781] : memref<2x32x8x128xi32, #tpu.memory_space<vmem_shared>> -> memref<1x1x1x128xi32, #tpu.memory_space<vmem_shared>>
    %dma_wait3A_783 = tpu.memref_squeeze %dma_wait3A_782 : memref<1x1x1x128xi32, #tpu.memory_space<vmem_shared>> -> memref<128xi32, #tpu.memory_space<vmem_shared>>
    tpu.wait_dma2 semaphore(%arg13 : memref<!tpu.dma_semaphore, #tpu.memory_space<semaphore_mem>>) src(%dma_wait3A_783 : memref<128xi32, #tpu.memory_space<vmem_shared>>) dst(%dma_wait3A_780 : memref<128xi32, #tpu.memory_space<vmem>>)
    %dma_wait3A_784 = arith.constant 15 : i32
    %dma_wait3A_785 = arith.constant 1936 : i32
    %dma_wait3A_786 = tpu.memref_slice %arg8[%dma_wait3A_785] : memref<4112xi32, #tpu.memory_space<vmem>> -> memref<128xi32, #tpu.memory_space<vmem>>
    %dma_wait3A_787 = arith.constant 0 : i32
    %dma_wait3A_788 = tpu.memref_slice %arg5[%select_n3A_250, %dma_wait3A_784, %select_n3A_266, %dma_wait3A_787] : memref<2x32x8x128xi32, #tpu.memory_space<vmem_shared>> -> memref<1x1x1x128xi32, #tpu.memory_space<vmem_shared>>
    %dma_wait3A_789 = tpu.memref_squeeze %dma_wait3A_788 : memref<1x1x1x128xi32, #tpu.memory_space<vmem_shared>> -> memref<128xi32, #tpu.memory_space<vmem_shared>>
    %dma_wait3A_790 = arith.constant 1936 : i32
    %dma_wait3A_791 = tpu.memref_slice %arg8[%dma_wait3A_790] : memref<4112xi32, #tpu.memory_space<vmem>> -> memref<128xi32, #tpu.memory_space<vmem>>
    %dma_wait3A_792 = arith.constant 0 : i32
    %dma_wait3A_793 = tpu.memref_slice %arg5[%select_n3A_250, %dma_wait3A_784, %select_n3A_266, %dma_wait3A_792] : memref<2x32x8x128xi32, #tpu.memory_space<vmem_shared>> -> memref<1x1x1x128xi32, #tpu.memory_space<vmem_shared>>
    %dma_wait3A_794 = tpu.memref_squeeze %dma_wait3A_793 : memref<1x1x1x128xi32, #tpu.memory_space<vmem_shared>> -> memref<128xi32, #tpu.memory_space<vmem_shared>>
    tpu.wait_dma2 semaphore(%arg13 : memref<!tpu.dma_semaphore, #tpu.memory_space<semaphore_mem>>) src(%dma_wait3A_794 : memref<128xi32, #tpu.memory_space<vmem_shared>>) dst(%dma_wait3A_791 : memref<128xi32, #tpu.memory_space<vmem>>)
    %dma_wait3A_795 = arith.constant 16 : i32
    %dma_wait3A_796 = arith.constant 2064 : i32
    %dma_wait3A_797 = tpu.memref_slice %arg8[%dma_wait3A_796] : memref<4112xi32, #tpu.memory_space<vmem>> -> memref<128xi32, #tpu.memory_space<vmem>>
    %dma_wait3A_798 = arith.constant 0 : i32
    %dma_wait3A_799 = tpu.memref_slice %arg5[%select_n3A_250, %dma_wait3A_795, %select_n3A_266, %dma_wait3A_798] : memref<2x32x8x128xi32, #tpu.memory_space<vmem_shared>> -> memref<1x1x1x128xi32, #tpu.memory_space<vmem_shared>>
    %dma_wait3A_800 = tpu.memref_squeeze %dma_wait3A_799 : memref<1x1x1x128xi32, #tpu.memory_space<vmem_shared>> -> memref<128xi32, #tpu.memory_space<vmem_shared>>
    %dma_wait3A_801 = arith.constant 2064 : i32
    %dma_wait3A_802 = tpu.memref_slice %arg8[%dma_wait3A_801] : memref<4112xi32, #tpu.memory_space<vmem>> -> memref<128xi32, #tpu.memory_space<vmem>>
    %dma_wait3A_803 = arith.constant 0 : i32
    %dma_wait3A_804 = tpu.memref_slice %arg5[%select_n3A_250, %dma_wait3A_795, %select_n3A_266, %dma_wait3A_803] : memref<2x32x8x128xi32, #tpu.memory_space<vmem_shared>> -> memref<1x1x1x128xi32, #tpu.memory_space<vmem_shared>>
    %dma_wait3A_805 = tpu.memref_squeeze %dma_wait3A_804 : memref<1x1x1x128xi32, #tpu.memory_space<vmem_shared>> -> memref<128xi32, #tpu.memory_space<vmem_shared>>
    tpu.wait_dma2 semaphore(%arg13 : memref<!tpu.dma_semaphore, #tpu.memory_space<semaphore_mem>>) src(%dma_wait3A_805 : memref<128xi32, #tpu.memory_space<vmem_shared>>) dst(%dma_wait3A_802 : memref<128xi32, #tpu.memory_space<vmem>>)
    %dma_wait3A_806 = arith.constant 17 : i32
    %dma_wait3A_807 = arith.constant 2192 : i32
    %dma_wait3A_808 = tpu.memref_slice %arg8[%dma_wait3A_807] : memref<4112xi32, #tpu.memory_space<vmem>> -> memref<128xi32, #tpu.memory_space<vmem>>
    %dma_wait3A_809 = arith.constant 0 : i32
    %dma_wait3A_810 = tpu.memref_slice %arg5[%select_n3A_250, %dma_wait3A_806, %select_n3A_266, %dma_wait3A_809] : memref<2x32x8x128xi32, #tpu.memory_space<vmem_shared>> -> memref<1x1x1x128xi32, #tpu.memory_space<vmem_shared>>
    %dma_wait3A_811 = tpu.memref_squeeze %dma_wait3A_810 : memref<1x1x1x128xi32, #tpu.memory_space<vmem_shared>> -> memref<128xi32, #tpu.memory_space<vmem_shared>>
    %dma_wait3A_812 = arith.constant 2192 : i32
    %dma_wait3A_813 = tpu.memref_slice %arg8[%dma_wait3A_812] : memref<4112xi32, #tpu.memory_space<vmem>> -> memref<128xi32, #tpu.memory_space<vmem>>
    %dma_wait3A_814 = arith.constant 0 : i32
    %dma_wait3A_815 = tpu.memref_slice %arg5[%select_n3A_250, %dma_wait3A_806, %select_n3A_266, %dma_wait3A_814] : memref<2x32x8x128xi32, #tpu.memory_space<vmem_shared>> -> memref<1x1x1x128xi32, #tpu.memory_space<vmem_shared>>
    %dma_wait3A_816 = tpu.memref_squeeze %dma_wait3A_815 : memref<1x1x1x128xi32, #tpu.memory_space<vmem_shared>> -> memref<128xi32, #tpu.memory_space<vmem_shared>>
    tpu.wait_dma2 semaphore(%arg13 : memref<!tpu.dma_semaphore, #tpu.memory_space<semaphore_mem>>) src(%dma_wait3A_816 : memref<128xi32, #tpu.memory_space<vmem_shared>>) dst(%dma_wait3A_813 : memref<128xi32, #tpu.memory_space<vmem>>)
    %dma_wait3A_817 = arith.constant 18 : i32
    %dma_wait3A_818 = arith.constant 2320 : i32
    %dma_wait3A_819 = tpu.memref_slice %arg8[%dma_wait3A_818] : memref<4112xi32, #tpu.memory_space<vmem>> -> memref<128xi32, #tpu.memory_space<vmem>>
    %dma_wait3A_820 = arith.constant 0 : i32
    %dma_wait3A_821 = tpu.memref_slice %arg5[%select_n3A_250, %dma_wait3A_817, %select_n3A_266, %dma_wait3A_820] : memref<2x32x8x128xi32, #tpu.memory_space<vmem_shared>> -> memref<1x1x1x128xi32, #tpu.memory_space<vmem_shared>>
    %dma_wait3A_822 = tpu.memref_squeeze %dma_wait3A_821 : memref<1x1x1x128xi32, #tpu.memory_space<vmem_shared>> -> memref<128xi32, #tpu.memory_space<vmem_shared>>
    %dma_wait3A_823 = arith.constant 2320 : i32
    %dma_wait3A_824 = tpu.memref_slice %arg8[%dma_wait3A_823] : memref<4112xi32, #tpu.memory_space<vmem>> -> memref<128xi32, #tpu.memory_space<vmem>>
    %dma_wait3A_825 = arith.constant 0 : i32
    %dma_wait3A_826 = tpu.memref_slice %arg5[%select_n3A_250, %dma_wait3A_817, %select_n3A_266, %dma_wait3A_825] : memref<2x32x8x128xi32, #tpu.memory_space<vmem_shared>> -> memref<1x1x1x128xi32, #tpu.memory_space<vmem_shared>>
    %dma_wait3A_827 = tpu.memref_squeeze %dma_wait3A_826 : memref<1x1x1x128xi32, #tpu.memory_space<vmem_shared>> -> memref<128xi32, #tpu.memory_space<vmem_shared>>
    tpu.wait_dma2 semaphore(%arg13 : memref<!tpu.dma_semaphore, #tpu.memory_space<semaphore_mem>>) src(%dma_wait3A_827 : memref<128xi32, #tpu.memory_space<vmem_shared>>) dst(%dma_wait3A_824 : memref<128xi32, #tpu.memory_space<vmem>>)
    %dma_wait3A_828 = arith.constant 19 : i32
    %dma_wait3A_829 = arith.constant 2448 : i32
    %dma_wait3A_830 = tpu.memref_slice %arg8[%dma_wait3A_829] : memref<4112xi32, #tpu.memory_space<vmem>> -> memref<128xi32, #tpu.memory_space<vmem>>
    %dma_wait3A_831 = arith.constant 0 : i32
    %dma_wait3A_832 = tpu.memref_slice %arg5[%select_n3A_250, %dma_wait3A_828, %select_n3A_266, %dma_wait3A_831] : memref<2x32x8x128xi32, #tpu.memory_space<vmem_shared>> -> memref<1x1x1x128xi32, #tpu.memory_space<vmem_shared>>
    %dma_wait3A_833 = tpu.memref_squeeze %dma_wait3A_832 : memref<1x1x1x128xi32, #tpu.memory_space<vmem_shared>> -> memref<128xi32, #tpu.memory_space<vmem_shared>>
    %dma_wait3A_834 = arith.constant 2448 : i32
    %dma_wait3A_835 = tpu.memref_slice %arg8[%dma_wait3A_834] : memref<4112xi32, #tpu.memory_space<vmem>> -> memref<128xi32, #tpu.memory_space<vmem>>
    %dma_wait3A_836 = arith.constant 0 : i32
    %dma_wait3A_837 = tpu.memref_slice %arg5[%select_n3A_250, %dma_wait3A_828, %select_n3A_266, %dma_wait3A_836] : memref<2x32x8x128xi32, #tpu.memory_space<vmem_shared>> -> memref<1x1x1x128xi32, #tpu.memory_space<vmem_shared>>
    %dma_wait3A_838 = tpu.memref_squeeze %dma_wait3A_837 : memref<1x1x1x128xi32, #tpu.memory_space<vmem_shared>> -> memref<128xi32, #tpu.memory_space<vmem_shared>>
    tpu.wait_dma2 semaphore(%arg13 : memref<!tpu.dma_semaphore, #tpu.memory_space<semaphore_mem>>) src(%dma_wait3A_838 : memref<128xi32, #tpu.memory_space<vmem_shared>>) dst(%dma_wait3A_835 : memref<128xi32, #tpu.memory_space<vmem>>)
    %dma_wait3A_839 = arith.constant 20 : i32
    %dma_wait3A_840 = arith.constant 2576 : i32
    %dma_wait3A_841 = tpu.memref_slice %arg8[%dma_wait3A_840] : memref<4112xi32, #tpu.memory_space<vmem>> -> memref<128xi32, #tpu.memory_space<vmem>>
    %dma_wait3A_842 = arith.constant 0 : i32
    %dma_wait3A_843 = tpu.memref_slice %arg5[%select_n3A_250, %dma_wait3A_839, %select_n3A_266, %dma_wait3A_842] : memref<2x32x8x128xi32, #tpu.memory_space<vmem_shared>> -> memref<1x1x1x128xi32, #tpu.memory_space<vmem_shared>>
    %dma_wait3A_844 = tpu.memref_squeeze %dma_wait3A_843 : memref<1x1x1x128xi32, #tpu.memory_space<vmem_shared>> -> memref<128xi32, #tpu.memory_space<vmem_shared>>
    %dma_wait3A_845 = arith.constant 2576 : i32
    %dma_wait3A_846 = tpu.memref_slice %arg8[%dma_wait3A_845] : memref<4112xi32, #tpu.memory_space<vmem>> -> memref<128xi32, #tpu.memory_space<vmem>>
    %dma_wait3A_847 = arith.constant 0 : i32
    %dma_wait3A_848 = tpu.memref_slice %arg5[%select_n3A_250, %dma_wait3A_839, %select_n3A_266, %dma_wait3A_847] : memref<2x32x8x128xi32, #tpu.memory_space<vmem_shared>> -> memref<1x1x1x128xi32, #tpu.memory_space<vmem_shared>>
    %dma_wait3A_849 = tpu.memref_squeeze %dma_wait3A_848 : memref<1x1x1x128xi32, #tpu.memory_space<vmem_shared>> -> memref<128xi32, #tpu.memory_space<vmem_shared>>
    tpu.wait_dma2 semaphore(%arg13 : memref<!tpu.dma_semaphore, #tpu.memory_space<semaphore_mem>>) src(%dma_wait3A_849 : memref<128xi32, #tpu.memory_space<vmem_shared>>) dst(%dma_wait3A_846 : memref<128xi32, #tpu.memory_space<vmem>>)
    %dma_wait3A_850 = arith.constant 21 : i32
    %dma_wait3A_851 = arith.constant 2704 : i32
    %dma_wait3A_852 = tpu.memref_slice %arg8[%dma_wait3A_851] : memref<4112xi32, #tpu.memory_space<vmem>> -> memref<128xi32, #tpu.memory_space<vmem>>
    %dma_wait3A_853 = arith.constant 0 : i32
    %dma_wait3A_854 = tpu.memref_slice %arg5[%select_n3A_250, %dma_wait3A_850, %select_n3A_266, %dma_wait3A_853] : memref<2x32x8x128xi32, #tpu.memory_space<vmem_shared>> -> memref<1x1x1x128xi32, #tpu.memory_space<vmem_shared>>
    %dma_wait3A_855 = tpu.memref_squeeze %dma_wait3A_854 : memref<1x1x1x128xi32, #tpu.memory_space<vmem_shared>> -> memref<128xi32, #tpu.memory_space<vmem_shared>>
    %dma_wait3A_856 = arith.constant 2704 : i32
    %dma_wait3A_857 = tpu.memref_slice %arg8[%dma_wait3A_856] : memref<4112xi32, #tpu.memory_space<vmem>> -> memref<128xi32, #tpu.memory_space<vmem>>
    %dma_wait3A_858 = arith.constant 0 : i32
    %dma_wait3A_859 = tpu.memref_slice %arg5[%select_n3A_250, %dma_wait3A_850, %select_n3A_266, %dma_wait3A_858] : memref<2x32x8x128xi32, #tpu.memory_space<vmem_shared>> -> memref<1x1x1x128xi32, #tpu.memory_space<vmem_shared>>
    %dma_wait3A_860 = tpu.memref_squeeze %dma_wait3A_859 : memref<1x1x1x128xi32, #tpu.memory_space<vmem_shared>> -> memref<128xi32, #tpu.memory_space<vmem_shared>>
    tpu.wait_dma2 semaphore(%arg13 : memref<!tpu.dma_semaphore, #tpu.memory_space<semaphore_mem>>) src(%dma_wait3A_860 : memref<128xi32, #tpu.memory_space<vmem_shared>>) dst(%dma_wait3A_857 : memref<128xi32, #tpu.memory_space<vmem>>)
    %dma_wait3A_861 = arith.constant 22 : i32
    %dma_wait3A_862 = arith.constant 2832 : i32
    %dma_wait3A_863 = tpu.memref_slice %arg8[%dma_wait3A_862] : memref<4112xi32, #tpu.memory_space<vmem>> -> memref<128xi32, #tpu.memory_space<vmem>>
    %dma_wait3A_864 = arith.constant 0 : i32
    %dma_wait3A_865 = tpu.memref_slice %arg5[%select_n3A_250, %dma_wait3A_861, %select_n3A_266, %dma_wait3A_864] : memref<2x32x8x128xi32, #tpu.memory_space<vmem_shared>> -> memref<1x1x1x128xi32, #tpu.memory_space<vmem_shared>>
    %dma_wait3A_866 = tpu.memref_squeeze %dma_wait3A_865 : memref<1x1x1x128xi32, #tpu.memory_space<vmem_shared>> -> memref<128xi32, #tpu.memory_space<vmem_shared>>
    %dma_wait3A_867 = arith.constant 2832 : i32
    %dma_wait3A_868 = tpu.memref_slice %arg8[%dma_wait3A_867] : memref<4112xi32, #tpu.memory_space<vmem>> -> memref<128xi32, #tpu.memory_space<vmem>>
    %dma_wait3A_869 = arith.constant 0 : i32
    %dma_wait3A_870 = tpu.memref_slice %arg5[%select_n3A_250, %dma_wait3A_861, %select_n3A_266, %dma_wait3A_869] : memref<2x32x8x128xi32, #tpu.memory_space<vmem_shared>> -> memref<1x1x1x128xi32, #tpu.memory_space<vmem_shared>>
    %dma_wait3A_871 = tpu.memref_squeeze %dma_wait3A_870 : memref<1x1x1x128xi32, #tpu.memory_space<vmem_shared>> -> memref<128xi32, #tpu.memory_space<vmem_shared>>
    tpu.wait_dma2 semaphore(%arg13 : memref<!tpu.dma_semaphore, #tpu.memory_space<semaphore_mem>>) src(%dma_wait3A_871 : memref<128xi32, #tpu.memory_space<vmem_shared>>) dst(%dma_wait3A_868 : memref<128xi32, #tpu.memory_space<vmem>>)
    %dma_wait3A_872 = arith.constant 23 : i32
    %dma_wait3A_873 = arith.constant 2960 : i32
    %dma_wait3A_874 = tpu.memref_slice %arg8[%dma_wait3A_873] : memref<4112xi32, #tpu.memory_space<vmem>> -> memref<128xi32, #tpu.memory_space<vmem>>
    %dma_wait3A_875 = arith.constant 0 : i32
    %dma_wait3A_876 = tpu.memref_slice %arg5[%select_n3A_250, %dma_wait3A_872, %select_n3A_266, %dma_wait3A_875] : memref<2x32x8x128xi32, #tpu.memory_space<vmem_shared>> -> memref<1x1x1x128xi32, #tpu.memory_space<vmem_shared>>
    %dma_wait3A_877 = tpu.memref_squeeze %dma_wait3A_876 : memref<1x1x1x128xi32, #tpu.memory_space<vmem_shared>> -> memref<128xi32, #tpu.memory_space<vmem_shared>>
    %dma_wait3A_878 = arith.constant 2960 : i32
    %dma_wait3A_879 = tpu.memref_slice %arg8[%dma_wait3A_878] : memref<4112xi32, #tpu.memory_space<vmem>> -> memref<128xi32, #tpu.memory_space<vmem>>
    %dma_wait3A_880 = arith.constant 0 : i32
    %dma_wait3A_881 = tpu.memref_slice %arg5[%select_n3A_250, %dma_wait3A_872, %select_n3A_266, %dma_wait3A_880] : memref<2x32x8x128xi32, #tpu.memory_space<vmem_shared>> -> memref<1x1x1x128xi32, #tpu.memory_space<vmem_shared>>
    %dma_wait3A_882 = tpu.memref_squeeze %dma_wait3A_881 : memref<1x1x1x128xi32, #tpu.memory_space<vmem_shared>> -> memref<128xi32, #tpu.memory_space<vmem_shared>>
    tpu.wait_dma2 semaphore(%arg13 : memref<!tpu.dma_semaphore, #tpu.memory_space<semaphore_mem>>) src(%dma_wait3A_882 : memref<128xi32, #tpu.memory_space<vmem_shared>>) dst(%dma_wait3A_879 : memref<128xi32, #tpu.memory_space<vmem>>)
    %dma_wait3A_883 = arith.constant 24 : i32
    %dma_wait3A_884 = arith.constant 3088 : i32
    %dma_wait3A_885 = tpu.memref_slice %arg8[%dma_wait3A_884] : memref<4112xi32, #tpu.memory_space<vmem>> -> memref<128xi32, #tpu.memory_space<vmem>>
    %dma_wait3A_886 = arith.constant 0 : i32
    %dma_wait3A_887 = tpu.memref_slice %arg5[%select_n3A_250, %dma_wait3A_883, %select_n3A_266, %dma_wait3A_886] : memref<2x32x8x128xi32, #tpu.memory_space<vmem_shared>> -> memref<1x1x1x128xi32, #tpu.memory_space<vmem_shared>>
    %dma_wait3A_888 = tpu.memref_squeeze %dma_wait3A_887 : memref<1x1x1x128xi32, #tpu.memory_space<vmem_shared>> -> memref<128xi32, #tpu.memory_space<vmem_shared>>
    %dma_wait3A_889 = arith.constant 3088 : i32
    %dma_wait3A_890 = tpu.memref_slice %arg8[%dma_wait3A_889] : memref<4112xi32, #tpu.memory_space<vmem>> -> memref<128xi32, #tpu.memory_space<vmem>>
    %dma_wait3A_891 = arith.constant 0 : i32
    %dma_wait3A_892 = tpu.memref_slice %arg5[%select_n3A_250, %dma_wait3A_883, %select_n3A_266, %dma_wait3A_891] : memref<2x32x8x128xi32, #tpu.memory_space<vmem_shared>> -> memref<1x1x1x128xi32, #tpu.memory_space<vmem_shared>>
    %dma_wait3A_893 = tpu.memref_squeeze %dma_wait3A_892 : memref<1x1x1x128xi32, #tpu.memory_space<vmem_shared>> -> memref<128xi32, #tpu.memory_space<vmem_shared>>
    tpu.wait_dma2 semaphore(%arg13 : memref<!tpu.dma_semaphore, #tpu.memory_space<semaphore_mem>>) src(%dma_wait3A_893 : memref<128xi32, #tpu.memory_space<vmem_shared>>) dst(%dma_wait3A_890 : memref<128xi32, #tpu.memory_space<vmem>>)
    %dma_wait3A_894 = arith.constant 25 : i32
    %dma_wait3A_895 = arith.constant 3216 : i32
    %dma_wait3A_896 = tpu.memref_slice %arg8[%dma_wait3A_895] : memref<4112xi32, #tpu.memory_space<vmem>> -> memref<128xi32, #tpu.memory_space<vmem>>
    %dma_wait3A_897 = arith.constant 0 : i32
    %dma_wait3A_898 = tpu.memref_slice %arg5[%select_n3A_250, %dma_wait3A_894, %select_n3A_266, %dma_wait3A_897] : memref<2x32x8x128xi32, #tpu.memory_space<vmem_shared>> -> memref<1x1x1x128xi32, #tpu.memory_space<vmem_shared>>
    %dma_wait3A_899 = tpu.memref_squeeze %dma_wait3A_898 : memref<1x1x1x128xi32, #tpu.memory_space<vmem_shared>> -> memref<128xi32, #tpu.memory_space<vmem_shared>>
    %dma_wait3A_900 = arith.constant 3216 : i32
    %dma_wait3A_901 = tpu.memref_slice %arg8[%dma_wait3A_900] : memref<4112xi32, #tpu.memory_space<vmem>> -> memref<128xi32, #tpu.memory_space<vmem>>
    %dma_wait3A_902 = arith.constant 0 : i32
    %dma_wait3A_903 = tpu.memref_slice %arg5[%select_n3A_250, %dma_wait3A_894, %select_n3A_266, %dma_wait3A_902] : memref<2x32x8x128xi32, #tpu.memory_space<vmem_shared>> -> memref<1x1x1x128xi32, #tpu.memory_space<vmem_shared>>
    %dma_wait3A_904 = tpu.memref_squeeze %dma_wait3A_903 : memref<1x1x1x128xi32, #tpu.memory_space<vmem_shared>> -> memref<128xi32, #tpu.memory_space<vmem_shared>>
    tpu.wait_dma2 semaphore(%arg13 : memref<!tpu.dma_semaphore, #tpu.memory_space<semaphore_mem>>) src(%dma_wait3A_904 : memref<128xi32, #tpu.memory_space<vmem_shared>>) dst(%dma_wait3A_901 : memref<128xi32, #tpu.memory_space<vmem>>)
    %dma_wait3A_905 = arith.constant 26 : i32
    %dma_wait3A_906 = arith.constant 3344 : i32
    %dma_wait3A_907 = tpu.memref_slice %arg8[%dma_wait3A_906] : memref<4112xi32, #tpu.memory_space<vmem>> -> memref<128xi32, #tpu.memory_space<vmem>>
    %dma_wait3A_908 = arith.constant 0 : i32
    %dma_wait3A_909 = tpu.memref_slice %arg5[%select_n3A_250, %dma_wait3A_905, %select_n3A_266, %dma_wait3A_908] : memref<2x32x8x128xi32, #tpu.memory_space<vmem_shared>> -> memref<1x1x1x128xi32, #tpu.memory_space<vmem_shared>>
    %dma_wait3A_910 = tpu.memref_squeeze %dma_wait3A_909 : memref<1x1x1x128xi32, #tpu.memory_space<vmem_shared>> -> memref<128xi32, #tpu.memory_space<vmem_shared>>
    %dma_wait3A_911 = arith.constant 3344 : i32
    %dma_wait3A_912 = tpu.memref_slice %arg8[%dma_wait3A_911] : memref<4112xi32, #tpu.memory_space<vmem>> -> memref<128xi32, #tpu.memory_space<vmem>>
    %dma_wait3A_913 = arith.constant 0 : i32
    %dma_wait3A_914 = tpu.memref_slice %arg5[%select_n3A_250, %dma_wait3A_905, %select_n3A_266, %dma_wait3A_913] : memref<2x32x8x128xi32, #tpu.memory_space<vmem_shared>> -> memref<1x1x1x128xi32, #tpu.memory_space<vmem_shared>>
    %dma_wait3A_915 = tpu.memref_squeeze %dma_wait3A_914 : memref<1x1x1x128xi32, #tpu.memory_space<vmem_shared>> -> memref<128xi32, #tpu.memory_space<vmem_shared>>
    tpu.wait_dma2 semaphore(%arg13 : memref<!tpu.dma_semaphore, #tpu.memory_space<semaphore_mem>>) src(%dma_wait3A_915 : memref<128xi32, #tpu.memory_space<vmem_shared>>) dst(%dma_wait3A_912 : memref<128xi32, #tpu.memory_space<vmem>>)
    %dma_wait3A_916 = arith.constant 27 : i32
    %dma_wait3A_917 = arith.constant 3472 : i32
    %dma_wait3A_918 = tpu.memref_slice %arg8[%dma_wait3A_917] : memref<4112xi32, #tpu.memory_space<vmem>> -> memref<128xi32, #tpu.memory_space<vmem>>
    %dma_wait3A_919 = arith.constant 0 : i32
    %dma_wait3A_920 = tpu.memref_slice %arg5[%select_n3A_250, %dma_wait3A_916, %select_n3A_266, %dma_wait3A_919] : memref<2x32x8x128xi32, #tpu.memory_space<vmem_shared>> -> memref<1x1x1x128xi32, #tpu.memory_space<vmem_shared>>
    %dma_wait3A_921 = tpu.memref_squeeze %dma_wait3A_920 : memref<1x1x1x128xi32, #tpu.memory_space<vmem_shared>> -> memref<128xi32, #tpu.memory_space<vmem_shared>>
    %dma_wait3A_922 = arith.constant 3472 : i32
    %dma_wait3A_923 = tpu.memref_slice %arg8[%dma_wait3A_922] : memref<4112xi32, #tpu.memory_space<vmem>> -> memref<128xi32, #tpu.memory_space<vmem>>
    %dma_wait3A_924 = arith.constant 0 : i32
    %dma_wait3A_925 = tpu.memref_slice %arg5[%select_n3A_250, %dma_wait3A_916, %select_n3A_266, %dma_wait3A_924] : memref<2x32x8x128xi32, #tpu.memory_space<vmem_shared>> -> memref<1x1x1x128xi32, #tpu.memory_space<vmem_shared>>
    %dma_wait3A_926 = tpu.memref_squeeze %dma_wait3A_925 : memref<1x1x1x128xi32, #tpu.memory_space<vmem_shared>> -> memref<128xi32, #tpu.memory_space<vmem_shared>>
    tpu.wait_dma2 semaphore(%arg13 : memref<!tpu.dma_semaphore, #tpu.memory_space<semaphore_mem>>) src(%dma_wait3A_926 : memref<128xi32, #tpu.memory_space<vmem_shared>>) dst(%dma_wait3A_923 : memref<128xi32, #tpu.memory_space<vmem>>)
    %dma_wait3A_927 = arith.constant 28 : i32
    %dma_wait3A_928 = arith.constant 3600 : i32
    %dma_wait3A_929 = tpu.memref_slice %arg8[%dma_wait3A_928] : memref<4112xi32, #tpu.memory_space<vmem>> -> memref<128xi32, #tpu.memory_space<vmem>>
    %dma_wait3A_930 = arith.constant 0 : i32
    %dma_wait3A_931 = tpu.memref_slice %arg5[%select_n3A_250, %dma_wait3A_927, %select_n3A_266, %dma_wait3A_930] : memref<2x32x8x128xi32, #tpu.memory_space<vmem_shared>> -> memref<1x1x1x128xi32, #tpu.memory_space<vmem_shared>>
    %dma_wait3A_932 = tpu.memref_squeeze %dma_wait3A_931 : memref<1x1x1x128xi32, #tpu.memory_space<vmem_shared>> -> memref<128xi32, #tpu.memory_space<vmem_shared>>
    %dma_wait3A_933 = arith.constant 3600 : i32
    %dma_wait3A_934 = tpu.memref_slice %arg8[%dma_wait3A_933] : memref<4112xi32, #tpu.memory_space<vmem>> -> memref<128xi32, #tpu.memory_space<vmem>>
    %dma_wait3A_935 = arith.constant 0 : i32
    %dma_wait3A_936 = tpu.memref_slice %arg5[%select_n3A_250, %dma_wait3A_927, %select_n3A_266, %dma_wait3A_935] : memref<2x32x8x128xi32, #tpu.memory_space<vmem_shared>> -> memref<1x1x1x128xi32, #tpu.memory_space<vmem_shared>>
    %dma_wait3A_937 = tpu.memref_squeeze %dma_wait3A_936 : memref<1x1x1x128xi32, #tpu.memory_space<vmem_shared>> -> memref<128xi32, #tpu.memory_space<vmem_shared>>
    tpu.wait_dma2 semaphore(%arg13 : memref<!tpu.dma_semaphore, #tpu.memory_space<semaphore_mem>>) src(%dma_wait3A_937 : memref<128xi32, #tpu.memory_space<vmem_shared>>) dst(%dma_wait3A_934 : memref<128xi32, #tpu.memory_space<vmem>>)
    %dma_wait3A_938 = arith.constant 29 : i32
    %dma_wait3A_939 = arith.constant 3728 : i32
    %dma_wait3A_940 = tpu.memref_slice %arg8[%dma_wait3A_939] : memref<4112xi32, #tpu.memory_space<vmem>> -> memref<128xi32, #tpu.memory_space<vmem>>
    %dma_wait3A_941 = arith.constant 0 : i32
    %dma_wait3A_942 = tpu.memref_slice %arg5[%select_n3A_250, %dma_wait3A_938, %select_n3A_266, %dma_wait3A_941] : memref<2x32x8x128xi32, #tpu.memory_space<vmem_shared>> -> memref<1x1x1x128xi32, #tpu.memory_space<vmem_shared>>
    %dma_wait3A_943 = tpu.memref_squeeze %dma_wait3A_942 : memref<1x1x1x128xi32, #tpu.memory_space<vmem_shared>> -> memref<128xi32, #tpu.memory_space<vmem_shared>>
    %dma_wait3A_944 = arith.constant 3728 : i32
    %dma_wait3A_945 = tpu.memref_slice %arg8[%dma_wait3A_944] : memref<4112xi32, #tpu.memory_space<vmem>> -> memref<128xi32, #tpu.memory_space<vmem>>
    %dma_wait3A_946 = arith.constant 0 : i32
    %dma_wait3A_947 = tpu.memref_slice %arg5[%select_n3A_250, %dma_wait3A_938, %select_n3A_266, %dma_wait3A_946] : memref<2x32x8x128xi32, #tpu.memory_space<vmem_shared>> -> memref<1x1x1x128xi32, #tpu.memory_space<vmem_shared>>
    %dma_wait3A_948 = tpu.memref_squeeze %dma_wait3A_947 : memref<1x1x1x128xi32, #tpu.memory_space<vmem_shared>> -> memref<128xi32, #tpu.memory_space<vmem_shared>>
    tpu.wait_dma2 semaphore(%arg13 : memref<!tpu.dma_semaphore, #tpu.memory_space<semaphore_mem>>) src(%dma_wait3A_948 : memref<128xi32, #tpu.memory_space<vmem_shared>>) dst(%dma_wait3A_945 : memref<128xi32, #tpu.memory_space<vmem>>)
    %dma_wait3A_949 = arith.constant 30 : i32
    %dma_wait3A_950 = arith.constant 3856 : i32
    %dma_wait3A_951 = tpu.memref_slice %arg8[%dma_wait3A_950] : memref<4112xi32, #tpu.memory_space<vmem>> -> memref<128xi32, #tpu.memory_space<vmem>>
    %dma_wait3A_952 = arith.constant 0 : i32
    %dma_wait3A_953 = tpu.memref_slice %arg5[%select_n3A_250, %dma_wait3A_949, %select_n3A_266, %dma_wait3A_952] : memref<2x32x8x128xi32, #tpu.memory_space<vmem_shared>> -> memref<1x1x1x128xi32, #tpu.memory_space<vmem_shared>>
    %dma_wait3A_954 = tpu.memref_squeeze %dma_wait3A_953 : memref<1x1x1x128xi32, #tpu.memory_space<vmem_shared>> -> memref<128xi32, #tpu.memory_space<vmem_shared>>
    %dma_wait3A_955 = arith.constant 3856 : i32
    %dma_wait3A_956 = tpu.memref_slice %arg8[%dma_wait3A_955] : memref<4112xi32, #tpu.memory_space<vmem>> -> memref<128xi32, #tpu.memory_space<vmem>>
    %dma_wait3A_957 = arith.constant 0 : i32
    %dma_wait3A_958 = tpu.memref_slice %arg5[%select_n3A_250, %dma_wait3A_949, %select_n3A_266, %dma_wait3A_957] : memref<2x32x8x128xi32, #tpu.memory_space<vmem_shared>> -> memref<1x1x1x128xi32, #tpu.memory_space<vmem_shared>>
    %dma_wait3A_959 = tpu.memref_squeeze %dma_wait3A_958 : memref<1x1x1x128xi32, #tpu.memory_space<vmem_shared>> -> memref<128xi32, #tpu.memory_space<vmem_shared>>
    tpu.wait_dma2 semaphore(%arg13 : memref<!tpu.dma_semaphore, #tpu.memory_space<semaphore_mem>>) src(%dma_wait3A_959 : memref<128xi32, #tpu.memory_space<vmem_shared>>) dst(%dma_wait3A_956 : memref<128xi32, #tpu.memory_space<vmem>>)
    %dma_wait3A_960 = arith.constant 31 : i32
    %dma_wait3A_961 = arith.constant 3984 : i32
    %dma_wait3A_962 = tpu.memref_slice %arg8[%dma_wait3A_961] : memref<4112xi32, #tpu.memory_space<vmem>> -> memref<128xi32, #tpu.memory_space<vmem>>
    %dma_wait3A_963 = arith.constant 0 : i32
    %dma_wait3A_964 = tpu.memref_slice %arg5[%select_n3A_250, %dma_wait3A_960, %select_n3A_266, %dma_wait3A_963] : memref<2x32x8x128xi32, #tpu.memory_space<vmem_shared>> -> memref<1x1x1x128xi32, #tpu.memory_space<vmem_shared>>
    %dma_wait3A_965 = tpu.memref_squeeze %dma_wait3A_964 : memref<1x1x1x128xi32, #tpu.memory_space<vmem_shared>> -> memref<128xi32, #tpu.memory_space<vmem_shared>>
    %dma_wait3A_966 = arith.constant 3984 : i32
    %dma_wait3A_967 = tpu.memref_slice %arg8[%dma_wait3A_966] : memref<4112xi32, #tpu.memory_space<vmem>> -> memref<128xi32, #tpu.memory_space<vmem>>
    %dma_wait3A_968 = arith.constant 0 : i32
    %dma_wait3A_969 = tpu.memref_slice %arg5[%select_n3A_250, %dma_wait3A_960, %select_n3A_266, %dma_wait3A_968] : memref<2x32x8x128xi32, #tpu.memory_space<vmem_shared>> -> memref<1x1x1x128xi32, #tpu.memory_space<vmem_shared>>
    %dma_wait3A_970 = tpu.memref_squeeze %dma_wait3A_969 : memref<1x1x1x128xi32, #tpu.memory_space<vmem_shared>> -> memref<128xi32, #tpu.memory_space<vmem_shared>>
    tpu.wait_dma2 semaphore(%arg13 : memref<!tpu.dma_semaphore, #tpu.memory_space<semaphore_mem>>) src(%dma_wait3A_970 : memref<128xi32, #tpu.memory_space<vmem_shared>>) dst(%dma_wait3A_967 : memref<128xi32, #tpu.memory_space<vmem>>)
    %iota3A = tpu.iota {dimensions = array<i32: 0>} : vector<16xi32>
    %broadcast_in_dim3A_971 = arith.constant 1 : i32
    %broadcast_in_dim3A_972 = vector.broadcast %broadcast_in_dim3A_971 : i32 to vector<16xi32>
    %add3A_973 = arith.addi %iota3A, %broadcast_in_dim3A_972 : vector<16xi32>
    %broadcast_in_dim3A_974 = arith.constant 0 : i32
    %broadcast_in_dim3A_975 = vector.broadcast %broadcast_in_dim3A_974 : i32 to vector<16xi32>
    %broadcast_in_dim3A_976 = arith.constant 1 : i32
    %broadcast_in_dim3A_977 = vector.broadcast %broadcast_in_dim3A_976 : i32 to vector<16xi32>
    %broadcast_in_dim3A_978 = arith.constant 0 : i32
    %broadcast_in_dim3A_979 = vector.broadcast %broadcast_in_dim3A_978 : i32 to vector<16xi32>
    %scan3A = arith.constant 0 : i32
    %scan3A_980 = arith.constant 256 : i32
    %scan3A_981 = arith.addi %scan3A, %scan3A_980 : i32
    %scan3A_982 = arith.constant 1 : i32
    %scan3A_983 = scf.for %scan3A_1935 = %scan3A to %scan3A_981 step %scan3A_982 iter_args(%scan3A_1936 = %broadcast_in_dim3A_979) -> (vector<16xi32>)  : i32 {
      %mul3A_1937 = arith.constant 16 : i32
      %mul3A_1938 = arith.muli %scan3A_1935, %mul3A_1937 : i32
      %add3A_1939 = arith.constant 16 : i32
      %add3A_1940 = arith.addi %add3A_1939, %mul3A_1938 : i32
      %get3A = arith.index_cast %add3A_1940 : i32 to index
      %get3A_1941 = tpu.vector_load %arg8[%get3A] {strides = array<i32>} : memref<4112xi32, #tpu.memory_space<vmem>>, vector<16xi32>,
      %mul3A_1942 = arith.constant 16 : i32
      %mul3A_1943 = arith.muli %scan3A_1935, %mul3A_1942 : i32
      %add3A_1944 = arith.constant 15 : i32
      %add3A_1945 = arith.addi %add3A_1944, %mul3A_1943 : i32
      %get3A_1946 = arith.index_cast %add3A_1945 : i32 to index
      %get3A_1947 = tpu.vector_load %arg8[%get3A_1946] {strides = array<i32>} : memref<4112xi32, #tpu.memory_space<vmem>>, vector<16xi32>,
      %ne3A_1948 = arith.cmpi ne, %get3A_1941, %get3A_1947 : vector<16xi32>
      %ne3A_1949 = arith.cmpi ne, %get3A_1941, %broadcast_in_dim3A_975 : vector<16xi32>
      %and3A_1950 = arith.andi %ne3A_1948, %ne3A_1949 : vector<16xi1>
      %select_n3A_1951 = arith.select %and3A_1950, %broadcast_in_dim3A_977, %broadcast_in_dim3A_975 : vector<16xi1>, vector<16xi32>
      %broadcast_in_dim3A_1952 = arith.constant true
      %broadcast_in_dim3A_1953 = vector.broadcast %broadcast_in_dim3A_1952 : i1 to vector<16xi1>
      %masked_cumsum3A = tpu.scan <sum>, %select_n3A_1951 masked %broadcast_in_dim3A_1953 : vector<16xi32>, vector<16xi1> -> vector<16xi32>
      %all_reduce_population_count3A = tpu.all_reduce %and3A_1950 {dim = 0 : i64, kind = #tpu.reduction_kind<sum>} : vector<16xi1> -> vector<16xi32>
      %add3A_1954 = arith.addi %scan3A_1936, %masked_cumsum3A : vector<16xi32>
      %sub3A_1955 = arith.subi %add3A_1954, %broadcast_in_dim3A_977 : vector<16xi32>
      %mul3A_1956 = arith.constant 16 : i32
      %mul3A_1957 = arith.muli %scan3A_1935, %mul3A_1956 : i32
      %sub3A_1958 = arith.constant 4096 : i32
      %sub3A_1959 = arith.subi %sub3A_1958, %mul3A_1957 : i32
      %broadcast_in_dim3A_1960 = vector.broadcast %sub3A_1959 : i32 to vector<16xi32>
      %add3A_1961 = arith.addi %broadcast_in_dim3A_1960, %scan3A_1936 : vector<16xi32>
      %sub3A_1962 = arith.subi %add3A_1961, %add3A_973 : vector<16xi32>
      %add3A_1963 = arith.addi %sub3A_1962, %masked_cumsum3A : vector<16xi32>
      %select_n3A_1964 = arith.select %and3A_1950, %sub3A_1955, %add3A_1963 : vector<16xi1>, vector<16xi32>
      %select_n3A_1965 = arith.select %and3A_1950, %get3A_1941, %broadcast_in_dim3A_975 : vector<16xi1>, vector<16xi32>
      tpu.vector_store_idx %arg9[%select_n3A_1964], %select_n3A_1965 : memref<4096xi32, #tpu.memory_space<vmem>>[vector<16xi32>], vector<16xi32>,
      %add3A_1966 = arith.addi %scan3A_1936, %all_reduce_population_count3A : vector<16xi32>
      scf.yield %add3A_1966 : vector<16xi32>
    }
    %scan3A_984 = arith.constant 256 : i32
    %dma_start3A_985 = arith.constant 0 : i32
    %dma_start3A_986 = arith.constant 0 : i32
    %dma_start3A_987 = tpu.memref_slice %arg9[%dma_start3A_986] : memref<4096xi32, #tpu.memory_space<vmem>> -> memref<128xi32, #tpu.memory_space<vmem>>
    %dma_start3A_988 = arith.constant 0 : i32
    %dma_start3A_989 = tpu.memref_slice %arg6[%select_n3A_250, %dma_start3A_985, %select_n3A_266, %dma_start3A_988] : memref<2x32x8x128xi32, #tpu.memory_space<vmem_shared>> -> memref<1x1x1x128xi32, #tpu.memory_space<vmem_shared>>
    %dma_start3A_990 = tpu.memref_squeeze %dma_start3A_989 : memref<1x1x1x128xi32, #tpu.memory_space<vmem_shared>> -> memref<128xi32, #tpu.memory_space<vmem_shared>>
    %dma_start3A_991 = arith.constant 0 : i32
    %dma_start3A_992 = tpu.memref_slice %arg6[%select_n3A_250, %dma_start3A_985, %select_n3A_266, %dma_start3A_991] : memref<2x32x8x128xi32, #tpu.memory_space<vmem_shared>> -> memref<1x1x1x128xi32, #tpu.memory_space<vmem_shared>>
    %dma_start3A_993 = tpu.memref_squeeze %dma_start3A_992 : memref<1x1x1x128xi32, #tpu.memory_space<vmem_shared>> -> memref<128xi32, #tpu.memory_space<vmem_shared>>
    %dma_start3A_994 = arith.constant 0 : i32
    %dma_start3A_995 = tpu.memref_slice %arg9[%dma_start3A_994] : memref<4096xi32, #tpu.memory_space<vmem>> -> memref<128xi32, #tpu.memory_space<vmem>>
    tpu.enqueue_dma source(%dma_start3A_995 : memref<128xi32, #tpu.memory_space<vmem>>) target(%dma_start3A_993 : memref<128xi32, #tpu.memory_space<vmem_shared>>) target_semaphore(%arg13 : memref<!tpu.dma_semaphore, #tpu.memory_space<semaphore_mem>>)
    %dma_start3A_996 = arith.constant 1 : i32
    %dma_start3A_997 = arith.constant 128 : i32
    %dma_start3A_998 = tpu.memref_slice %arg9[%dma_start3A_997] : memref<4096xi32, #tpu.memory_space<vmem>> -> memref<128xi32, #tpu.memory_space<vmem>>
    %dma_start3A_999 = arith.constant 0 : i32
    %dma_start3A_1000 = tpu.memref_slice %arg6[%select_n3A_250, %dma_start3A_996, %select_n3A_266, %dma_start3A_999] : memref<2x32x8x128xi32, #tpu.memory_space<vmem_shared>> -> memref<1x1x1x128xi32, #tpu.memory_space<vmem_shared>>
    %dma_start3A_1001 = tpu.memref_squeeze %dma_start3A_1000 : memref<1x1x1x128xi32, #tpu.memory_space<vmem_shared>> -> memref<128xi32, #tpu.memory_space<vmem_shared>>
    %dma_start3A_1002 = arith.constant 0 : i32
    %dma_start3A_1003 = tpu.memref_slice %arg6[%select_n3A_250, %dma_start3A_996, %select_n3A_266, %dma_start3A_1002] : memref<2x32x8x128xi32, #tpu.memory_space<vmem_shared>> -> memref<1x1x1x128xi32, #tpu.memory_space<vmem_shared>>
    %dma_start3A_1004 = tpu.memref_squeeze %dma_start3A_1003 : memref<1x1x1x128xi32, #tpu.memory_space<vmem_shared>> -> memref<128xi32, #tpu.memory_space<vmem_shared>>
    %dma_start3A_1005 = arith.constant 128 : i32
    %dma_start3A_1006 = tpu.memref_slice %arg9[%dma_start3A_1005] : memref<4096xi32, #tpu.memory_space<vmem>> -> memref<128xi32, #tpu.memory_space<vmem>>
    tpu.enqueue_dma source(%dma_start3A_1006 : memref<128xi32, #tpu.memory_space<vmem>>) target(%dma_start3A_1004 : memref<128xi32, #tpu.memory_space<vmem_shared>>) target_semaphore(%arg13 : memref<!tpu.dma_semaphore, #tpu.memory_space<semaphore_mem>>)
    %dma_start3A_1007 = arith.constant 2 : i32
    %dma_start3A_1008 = arith.constant 256 : i32
    %dma_start3A_1009 = tpu.memref_slice %arg9[%dma_start3A_1008] : memref<4096xi32, #tpu.memory_space<vmem>> -> memref<128xi32, #tpu.memory_space<vmem>>
    %dma_start3A_1010 = arith.constant 0 : i32
    %dma_start3A_1011 = tpu.memref_slice %arg6[%select_n3A_250, %dma_start3A_1007, %select_n3A_266, %dma_start3A_1010] : memref<2x32x8x128xi32, #tpu.memory_space<vmem_shared>> -> memref<1x1x1x128xi32, #tpu.memory_space<vmem_shared>>
    %dma_start3A_1012 = tpu.memref_squeeze %dma_start3A_1011 : memref<1x1x1x128xi32, #tpu.memory_space<vmem_shared>> -> memref<128xi32, #tpu.memory_space<vmem_shared>>
    %dma_start3A_1013 = arith.constant 0 : i32
    %dma_start3A_1014 = tpu.memref_slice %arg6[%select_n3A_250, %dma_start3A_1007, %select_n3A_266, %dma_start3A_1013] : memref<2x32x8x128xi32, #tpu.memory_space<vmem_shared>> -> memref<1x1x1x128xi32, #tpu.memory_space<vmem_shared>>
    %dma_start3A_1015 = tpu.memref_squeeze %dma_start3A_1014 : memref<1x1x1x128xi32, #tpu.memory_space<vmem_shared>> -> memref<128xi32, #tpu.memory_space<vmem_shared>>
    %dma_start3A_1016 = arith.constant 256 : i32
    %dma_start3A_1017 = tpu.memref_slice %arg9[%dma_start3A_1016] : memref<4096xi32, #tpu.memory_space<vmem>> -> memref<128xi32, #tpu.memory_space<vmem>>
    tpu.enqueue_dma source(%dma_start3A_1017 : memref<128xi32, #tpu.memory_space<vmem>>) target(%dma_start3A_1015 : memref<128xi32, #tpu.memory_space<vmem_shared>>) target_semaphore(%arg13 : memref<!tpu.dma_semaphore, #tpu.memory_space<semaphore_mem>>)
    %dma_start3A_1018 = arith.constant 3 : i32
    %dma_start3A_1019 = arith.constant 384 : i32
    %dma_start3A_1020 = tpu.memref_slice %arg9[%dma_start3A_1019] : memref<4096xi32, #tpu.memory_space<vmem>> -> memref<128xi32, #tpu.memory_space<vmem>>
    %dma_start3A_1021 = arith.constant 0 : i32
    %dma_start3A_1022 = tpu.memref_slice %arg6[%select_n3A_250, %dma_start3A_1018, %select_n3A_266, %dma_start3A_1021] : memref<2x32x8x128xi32, #tpu.memory_space<vmem_shared>> -> memref<1x1x1x128xi32, #tpu.memory_space<vmem_shared>>
    %dma_start3A_1023 = tpu.memref_squeeze %dma_start3A_1022 : memref<1x1x1x128xi32, #tpu.memory_space<vmem_shared>> -> memref<128xi32, #tpu.memory_space<vmem_shared>>
    %dma_start3A_1024 = arith.constant 0 : i32
    %dma_start3A_1025 = tpu.memref_slice %arg6[%select_n3A_250, %dma_start3A_1018, %select_n3A_266, %dma_start3A_1024] : memref<2x32x8x128xi32, #tpu.memory_space<vmem_shared>> -> memref<1x1x1x128xi32, #tpu.memory_space<vmem_shared>>
    %dma_start3A_1026 = tpu.memref_squeeze %dma_start3A_1025 : memref<1x1x1x128xi32, #tpu.memory_space<vmem_shared>> -> memref<128xi32, #tpu.memory_space<vmem_shared>>
    %dma_start3A_1027 = arith.constant 384 : i32
    %dma_start3A_1028 = tpu.memref_slice %arg9[%dma_start3A_1027] : memref<4096xi32, #tpu.memory_space<vmem>> -> memref<128xi32, #tpu.memory_space<vmem>>
    tpu.enqueue_dma source(%dma_start3A_1028 : memref<128xi32, #tpu.memory_space<vmem>>) target(%dma_start3A_1026 : memref<128xi32, #tpu.memory_space<vmem_shared>>) target_semaphore(%arg13 : memref<!tpu.dma_semaphore, #tpu.memory_space<semaphore_mem>>)
    %dma_start3A_1029 = arith.constant 4 : i32
    %dma_start3A_1030 = arith.constant 512 : i32
    %dma_start3A_1031 = tpu.memref_slice %arg9[%dma_start3A_1030] : memref<4096xi32, #tpu.memory_space<vmem>> -> memref<128xi32, #tpu.memory_space<vmem>>
    %dma_start3A_1032 = arith.constant 0 : i32
    %dma_start3A_1033 = tpu.memref_slice %arg6[%select_n3A_250, %dma_start3A_1029, %select_n3A_266, %dma_start3A_1032] : memref<2x32x8x128xi32, #tpu.memory_space<vmem_shared>> -> memref<1x1x1x128xi32, #tpu.memory_space<vmem_shared>>
    %dma_start3A_1034 = tpu.memref_squeeze %dma_start3A_1033 : memref<1x1x1x128xi32, #tpu.memory_space<vmem_shared>> -> memref<128xi32, #tpu.memory_space<vmem_shared>>
    %dma_start3A_1035 = arith.constant 0 : i32
    %dma_start3A_1036 = tpu.memref_slice %arg6[%select_n3A_250, %dma_start3A_1029, %select_n3A_266, %dma_start3A_1035] : memref<2x32x8x128xi32, #tpu.memory_space<vmem_shared>> -> memref<1x1x1x128xi32, #tpu.memory_space<vmem_shared>>
    %dma_start3A_1037 = tpu.memref_squeeze %dma_start3A_1036 : memref<1x1x1x128xi32, #tpu.memory_space<vmem_shared>> -> memref<128xi32, #tpu.memory_space<vmem_shared>>
    %dma_start3A_1038 = arith.constant 512 : i32
    %dma_start3A_1039 = tpu.memref_slice %arg9[%dma_start3A_1038] : memref<4096xi32, #tpu.memory_space<vmem>> -> memref<128xi32, #tpu.memory_space<vmem>>
    tpu.enqueue_dma source(%dma_start3A_1039 : memref<128xi32, #tpu.memory_space<vmem>>) target(%dma_start3A_1037 : memref<128xi32, #tpu.memory_space<vmem_shared>>) target_semaphore(%arg13 : memref<!tpu.dma_semaphore, #tpu.memory_space<semaphore_mem>>)
    %dma_start3A_1040 = arith.constant 5 : i32
    %dma_start3A_1041 = arith.constant 640 : i32
    %dma_start3A_1042 = tpu.memref_slice %arg9[%dma_start3A_1041] : memref<4096xi32, #tpu.memory_space<vmem>> -> memref<128xi32, #tpu.memory_space<vmem>>
    %dma_start3A_1043 = arith.constant 0 : i32
    %dma_start3A_1044 = tpu.memref_slice %arg6[%select_n3A_250, %dma_start3A_1040, %select_n3A_266, %dma_start3A_1043] : memref<2x32x8x128xi32, #tpu.memory_space<vmem_shared>> -> memref<1x1x1x128xi32, #tpu.memory_space<vmem_shared>>
    %dma_start3A_1045 = tpu.memref_squeeze %dma_start3A_1044 : memref<1x1x1x128xi32, #tpu.memory_space<vmem_shared>> -> memref<128xi32, #tpu.memory_space<vmem_shared>>
    %dma_start3A_1046 = arith.constant 0 : i32
    %dma_start3A_1047 = tpu.memref_slice %arg6[%select_n3A_250, %dma_start3A_1040, %select_n3A_266, %dma_start3A_1046] : memref<2x32x8x128xi32, #tpu.memory_space<vmem_shared>> -> memref<1x1x1x128xi32, #tpu.memory_space<vmem_shared>>
    %dma_start3A_1048 = tpu.memref_squeeze %dma_start3A_1047 : memref<1x1x1x128xi32, #tpu.memory_space<vmem_shared>> -> memref<128xi32, #tpu.memory_space<vmem_shared>>
    %dma_start3A_1049 = arith.constant 640 : i32
    %dma_start3A_1050 = tpu.memref_slice %arg9[%dma_start3A_1049] : memref<4096xi32, #tpu.memory_space<vmem>> -> memref<128xi32, #tpu.memory_space<vmem>>
    tpu.enqueue_dma source(%dma_start3A_1050 : memref<128xi32, #tpu.memory_space<vmem>>) target(%dma_start3A_1048 : memref<128xi32, #tpu.memory_space<vmem_shared>>) target_semaphore(%arg13 : memref<!tpu.dma_semaphore, #tpu.memory_space<semaphore_mem>>)
    %dma_start3A_1051 = arith.constant 6 : i32
    %dma_start3A_1052 = arith.constant 768 : i32
    %dma_start3A_1053 = tpu.memref_slice %arg9[%dma_start3A_1052] : memref<4096xi32, #tpu.memory_space<vmem>> -> memref<128xi32, #tpu.memory_space<vmem>>
    %dma_start3A_1054 = arith.constant 0 : i32
    %dma_start3A_1055 = tpu.memref_slice %arg6[%select_n3A_250, %dma_start3A_1051, %select_n3A_266, %dma_start3A_1054] : memref<2x32x8x128xi32, #tpu.memory_space<vmem_shared>> -> memref<1x1x1x128xi32, #tpu.memory_space<vmem_shared>>
    %dma_start3A_1056 = tpu.memref_squeeze %dma_start3A_1055 : memref<1x1x1x128xi32, #tpu.memory_space<vmem_shared>> -> memref<128xi32, #tpu.memory_space<vmem_shared>>
    %dma_start3A_1057 = arith.constant 0 : i32
    %dma_start3A_1058 = tpu.memref_slice %arg6[%select_n3A_250, %dma_start3A_1051, %select_n3A_266, %dma_start3A_1057] : memref<2x32x8x128xi32, #tpu.memory_space<vmem_shared>> -> memref<1x1x1x128xi32, #tpu.memory_space<vmem_shared>>
    %dma_start3A_1059 = tpu.memref_squeeze %dma_start3A_1058 : memref<1x1x1x128xi32, #tpu.memory_space<vmem_shared>> -> memref<128xi32, #tpu.memory_space<vmem_shared>>
    %dma_start3A_1060 = arith.constant 768 : i32
    %dma_start3A_1061 = tpu.memref_slice %arg9[%dma_start3A_1060] : memref<4096xi32, #tpu.memory_space<vmem>> -> memref<128xi32, #tpu.memory_space<vmem>>
    tpu.enqueue_dma source(%dma_start3A_1061 : memref<128xi32, #tpu.memory_space<vmem>>) target(%dma_start3A_1059 : memref<128xi32, #tpu.memory_space<vmem_shared>>) target_semaphore(%arg13 : memref<!tpu.dma_semaphore, #tpu.memory_space<semaphore_mem>>)
    %dma_start3A_1062 = arith.constant 7 : i32
    %dma_start3A_1063 = arith.constant 896 : i32
    %dma_start3A_1064 = tpu.memref_slice %arg9[%dma_start3A_1063] : memref<4096xi32, #tpu.memory_space<vmem>> -> memref<128xi32, #tpu.memory_space<vmem>>
    %dma_start3A_1065 = arith.constant 0 : i32
    %dma_start3A_1066 = tpu.memref_slice %arg6[%select_n3A_250, %dma_start3A_1062, %select_n3A_266, %dma_start3A_1065] : memref<2x32x8x128xi32, #tpu.memory_space<vmem_shared>> -> memref<1x1x1x128xi32, #tpu.memory_space<vmem_shared>>
    %dma_start3A_1067 = tpu.memref_squeeze %dma_start3A_1066 : memref<1x1x1x128xi32, #tpu.memory_space<vmem_shared>> -> memref<128xi32, #tpu.memory_space<vmem_shared>>
    %dma_start3A_1068 = arith.constant 0 : i32
    %dma_start3A_1069 = tpu.memref_slice %arg6[%select_n3A_250, %dma_start3A_1062, %select_n3A_266, %dma_start3A_1068] : memref<2x32x8x128xi32, #tpu.memory_space<vmem_shared>> -> memref<1x1x1x128xi32, #tpu.memory_space<vmem_shared>>
    %dma_start3A_1070 = tpu.memref_squeeze %dma_start3A_1069 : memref<1x1x1x128xi32, #tpu.memory_space<vmem_shared>> -> memref<128xi32, #tpu.memory_space<vmem_shared>>
    %dma_start3A_1071 = arith.constant 896 : i32
    %dma_start3A_1072 = tpu.memref_slice %arg9[%dma_start3A_1071] : memref<4096xi32, #tpu.memory_space<vmem>> -> memref<128xi32, #tpu.memory_space<vmem>>
    tpu.enqueue_dma source(%dma_start3A_1072 : memref<128xi32, #tpu.memory_space<vmem>>) target(%dma_start3A_1070 : memref<128xi32, #tpu.memory_space<vmem_shared>>) target_semaphore(%arg13 : memref<!tpu.dma_semaphore, #tpu.memory_space<semaphore_mem>>)
    %dma_start3A_1073 = arith.constant 8 : i32
    %dma_start3A_1074 = arith.constant 1024 : i32
    %dma_start3A_1075 = tpu.memref_slice %arg9[%dma_start3A_1074] : memref<4096xi32, #tpu.memory_space<vmem>> -> memref<128xi32, #tpu.memory_space<vmem>>
    %dma_start3A_1076 = arith.constant 0 : i32
    %dma_start3A_1077 = tpu.memref_slice %arg6[%select_n3A_250, %dma_start3A_1073, %select_n3A_266, %dma_start3A_1076] : memref<2x32x8x128xi32, #tpu.memory_space<vmem_shared>> -> memref<1x1x1x128xi32, #tpu.memory_space<vmem_shared>>
    %dma_start3A_1078 = tpu.memref_squeeze %dma_start3A_1077 : memref<1x1x1x128xi32, #tpu.memory_space<vmem_shared>> -> memref<128xi32, #tpu.memory_space<vmem_shared>>
    %dma_start3A_1079 = arith.constant 0 : i32
    %dma_start3A_1080 = tpu.memref_slice %arg6[%select_n3A_250, %dma_start3A_1073, %select_n3A_266, %dma_start3A_1079] : memref<2x32x8x128xi32, #tpu.memory_space<vmem_shared>> -> memref<1x1x1x128xi32, #tpu.memory_space<vmem_shared>>
    %dma_start3A_1081 = tpu.memref_squeeze %dma_start3A_1080 : memref<1x1x1x128xi32, #tpu.memory_space<vmem_shared>> -> memref<128xi32, #tpu.memory_space<vmem_shared>>
    %dma_start3A_1082 = arith.constant 1024 : i32
    %dma_start3A_1083 = tpu.memref_slice %arg9[%dma_start3A_1082] : memref<4096xi32, #tpu.memory_space<vmem>> -> memref<128xi32, #tpu.memory_space<vmem>>
    tpu.enqueue_dma source(%dma_start3A_1083 : memref<128xi32, #tpu.memory_space<vmem>>) target(%dma_start3A_1081 : memref<128xi32, #tpu.memory_space<vmem_shared>>) target_semaphore(%arg13 : memref<!tpu.dma_semaphore, #tpu.memory_space<semaphore_mem>>)
    %dma_start3A_1084 = arith.constant 9 : i32
    %dma_start3A_1085 = arith.constant 1152 : i32
    %dma_start3A_1086 = tpu.memref_slice %arg9[%dma_start3A_1085] : memref<4096xi32, #tpu.memory_space<vmem>> -> memref<128xi32, #tpu.memory_space<vmem>>
    %dma_start3A_1087 = arith.constant 0 : i32
    %dma_start3A_1088 = tpu.memref_slice %arg6[%select_n3A_250, %dma_start3A_1084, %select_n3A_266, %dma_start3A_1087] : memref<2x32x8x128xi32, #tpu.memory_space<vmem_shared>> -> memref<1x1x1x128xi32, #tpu.memory_space<vmem_shared>>
    %dma_start3A_1089 = tpu.memref_squeeze %dma_start3A_1088 : memref<1x1x1x128xi32, #tpu.memory_space<vmem_shared>> -> memref<128xi32, #tpu.memory_space<vmem_shared>>
    %dma_start3A_1090 = arith.constant 0 : i32
    %dma_start3A_1091 = tpu.memref_slice %arg6[%select_n3A_250, %dma_start3A_1084, %select_n3A_266, %dma_start3A_1090] : memref<2x32x8x128xi32, #tpu.memory_space<vmem_shared>> -> memref<1x1x1x128xi32, #tpu.memory_space<vmem_shared>>
    %dma_start3A_1092 = tpu.memref_squeeze %dma_start3A_1091 : memref<1x1x1x128xi32, #tpu.memory_space<vmem_shared>> -> memref<128xi32, #tpu.memory_space<vmem_shared>>
    %dma_start3A_1093 = arith.constant 1152 : i32
    %dma_start3A_1094 = tpu.memref_slice %arg9[%dma_start3A_1093] : memref<4096xi32, #tpu.memory_space<vmem>> -> memref<128xi32, #tpu.memory_space<vmem>>
    tpu.enqueue_dma source(%dma_start3A_1094 : memref<128xi32, #tpu.memory_space<vmem>>) target(%dma_start3A_1092 : memref<128xi32, #tpu.memory_space<vmem_shared>>) target_semaphore(%arg13 : memref<!tpu.dma_semaphore, #tpu.memory_space<semaphore_mem>>)
    %dma_start3A_1095 = arith.constant 10 : i32
    %dma_start3A_1096 = arith.constant 1280 : i32
    %dma_start3A_1097 = tpu.memref_slice %arg9[%dma_start3A_1096] : memref<4096xi32, #tpu.memory_space<vmem>> -> memref<128xi32, #tpu.memory_space<vmem>>
    %dma_start3A_1098 = arith.constant 0 : i32
    %dma_start3A_1099 = tpu.memref_slice %arg6[%select_n3A_250, %dma_start3A_1095, %select_n3A_266, %dma_start3A_1098] : memref<2x32x8x128xi32, #tpu.memory_space<vmem_shared>> -> memref<1x1x1x128xi32, #tpu.memory_space<vmem_shared>>
    %dma_start3A_1100 = tpu.memref_squeeze %dma_start3A_1099 : memref<1x1x1x128xi32, #tpu.memory_space<vmem_shared>> -> memref<128xi32, #tpu.memory_space<vmem_shared>>
    %dma_start3A_1101 = arith.constant 0 : i32
    %dma_start3A_1102 = tpu.memref_slice %arg6[%select_n3A_250, %dma_start3A_1095, %select_n3A_266, %dma_start3A_1101] : memref<2x32x8x128xi32, #tpu.memory_space<vmem_shared>> -> memref<1x1x1x128xi32, #tpu.memory_space<vmem_shared>>
    %dma_start3A_1103 = tpu.memref_squeeze %dma_start3A_1102 : memref<1x1x1x128xi32, #tpu.memory_space<vmem_shared>> -> memref<128xi32, #tpu.memory_space<vmem_shared>>
    %dma_start3A_1104 = arith.constant 1280 : i32
    %dma_start3A_1105 = tpu.memref_slice %arg9[%dma_start3A_1104] : memref<4096xi32, #tpu.memory_space<vmem>> -> memref<128xi32, #tpu.memory_space<vmem>>
    tpu.enqueue_dma source(%dma_start3A_1105 : memref<128xi32, #tpu.memory_space<vmem>>) target(%dma_start3A_1103 : memref<128xi32, #tpu.memory_space<vmem_shared>>) target_semaphore(%arg13 : memref<!tpu.dma_semaphore, #tpu.memory_space<semaphore_mem>>)
    %dma_start3A_1106 = arith.constant 11 : i32
    %dma_start3A_1107 = arith.constant 1408 : i32
    %dma_start3A_1108 = tpu.memref_slice %arg9[%dma_start3A_1107] : memref<4096xi32, #tpu.memory_space<vmem>> -> memref<128xi32, #tpu.memory_space<vmem>>
    %dma_start3A_1109 = arith.constant 0 : i32
    %dma_start3A_1110 = tpu.memref_slice %arg6[%select_n3A_250, %dma_start3A_1106, %select_n3A_266, %dma_start3A_1109] : memref<2x32x8x128xi32, #tpu.memory_space<vmem_shared>> -> memref<1x1x1x128xi32, #tpu.memory_space<vmem_shared>>
    %dma_start3A_1111 = tpu.memref_squeeze %dma_start3A_1110 : memref<1x1x1x128xi32, #tpu.memory_space<vmem_shared>> -> memref<128xi32, #tpu.memory_space<vmem_shared>>
    %dma_start3A_1112 = arith.constant 0 : i32
    %dma_start3A_1113 = tpu.memref_slice %arg6[%select_n3A_250, %dma_start3A_1106, %select_n3A_266, %dma_start3A_1112] : memref<2x32x8x128xi32, #tpu.memory_space<vmem_shared>> -> memref<1x1x1x128xi32, #tpu.memory_space<vmem_shared>>
    %dma_start3A_1114 = tpu.memref_squeeze %dma_start3A_1113 : memref<1x1x1x128xi32, #tpu.memory_space<vmem_shared>> -> memref<128xi32, #tpu.memory_space<vmem_shared>>
    %dma_start3A_1115 = arith.constant 1408 : i32
    %dma_start3A_1116 = tpu.memref_slice %arg9[%dma_start3A_1115] : memref<4096xi32, #tpu.memory_space<vmem>> -> memref<128xi32, #tpu.memory_space<vmem>>
    tpu.enqueue_dma source(%dma_start3A_1116 : memref<128xi32, #tpu.memory_space<vmem>>) target(%dma_start3A_1114 : memref<128xi32, #tpu.memory_space<vmem_shared>>) target_semaphore(%arg13 : memref<!tpu.dma_semaphore, #tpu.memory_space<semaphore_mem>>)
    %dma_start3A_1117 = arith.constant 12 : i32
    %dma_start3A_1118 = arith.constant 1536 : i32
    %dma_start3A_1119 = tpu.memref_slice %arg9[%dma_start3A_1118] : memref<4096xi32, #tpu.memory_space<vmem>> -> memref<128xi32, #tpu.memory_space<vmem>>
    %dma_start3A_1120 = arith.constant 0 : i32
    %dma_start3A_1121 = tpu.memref_slice %arg6[%select_n3A_250, %dma_start3A_1117, %select_n3A_266, %dma_start3A_1120] : memref<2x32x8x128xi32, #tpu.memory_space<vmem_shared>> -> memref<1x1x1x128xi32, #tpu.memory_space<vmem_shared>>
    %dma_start3A_1122 = tpu.memref_squeeze %dma_start3A_1121 : memref<1x1x1x128xi32, #tpu.memory_space<vmem_shared>> -> memref<128xi32, #tpu.memory_space<vmem_shared>>
    %dma_start3A_1123 = arith.constant 0 : i32
    %dma_start3A_1124 = tpu.memref_slice %arg6[%select_n3A_250, %dma_start3A_1117, %select_n3A_266, %dma_start3A_1123] : memref<2x32x8x128xi32, #tpu.memory_space<vmem_shared>> -> memref<1x1x1x128xi32, #tpu.memory_space<vmem_shared>>
    %dma_start3A_1125 = tpu.memref_squeeze %dma_start3A_1124 : memref<1x1x1x128xi32, #tpu.memory_space<vmem_shared>> -> memref<128xi32, #tpu.memory_space<vmem_shared>>
    %dma_start3A_1126 = arith.constant 1536 : i32
    %dma_start3A_1127 = tpu.memref_slice %arg9[%dma_start3A_1126] : memref<4096xi32, #tpu.memory_space<vmem>> -> memref<128xi32, #tpu.memory_space<vmem>>
    tpu.enqueue_dma source(%dma_start3A_1127 : memref<128xi32, #tpu.memory_space<vmem>>) target(%dma_start3A_1125 : memref<128xi32, #tpu.memory_space<vmem_shared>>) target_semaphore(%arg13 : memref<!tpu.dma_semaphore, #tpu.memory_space<semaphore_mem>>)
    %dma_start3A_1128 = arith.constant 13 : i32
    %dma_start3A_1129 = arith.constant 1664 : i32
    %dma_start3A_1130 = tpu.memref_slice %arg9[%dma_start3A_1129] : memref<4096xi32, #tpu.memory_space<vmem>> -> memref<128xi32, #tpu.memory_space<vmem>>
    %dma_start3A_1131 = arith.constant 0 : i32
    %dma_start3A_1132 = tpu.memref_slice %arg6[%select_n3A_250, %dma_start3A_1128, %select_n3A_266, %dma_start3A_1131] : memref<2x32x8x128xi32, #tpu.memory_space<vmem_shared>> -> memref<1x1x1x128xi32, #tpu.memory_space<vmem_shared>>
    %dma_start3A_1133 = tpu.memref_squeeze %dma_start3A_1132 : memref<1x1x1x128xi32, #tpu.memory_space<vmem_shared>> -> memref<128xi32, #tpu.memory_space<vmem_shared>>
    %dma_start3A_1134 = arith.constant 0 : i32
    %dma_start3A_1135 = tpu.memref_slice %arg6[%select_n3A_250, %dma_start3A_1128, %select_n3A_266, %dma_start3A_1134] : memref<2x32x8x128xi32, #tpu.memory_space<vmem_shared>> -> memref<1x1x1x128xi32, #tpu.memory_space<vmem_shared>>
    %dma_start3A_1136 = tpu.memref_squeeze %dma_start3A_1135 : memref<1x1x1x128xi32, #tpu.memory_space<vmem_shared>> -> memref<128xi32, #tpu.memory_space<vmem_shared>>
    %dma_start3A_1137 = arith.constant 1664 : i32
    %dma_start3A_1138 = tpu.memref_slice %arg9[%dma_start3A_1137] : memref<4096xi32, #tpu.memory_space<vmem>> -> memref<128xi32, #tpu.memory_space<vmem>>
    tpu.enqueue_dma source(%dma_start3A_1138 : memref<128xi32, #tpu.memory_space<vmem>>) target(%dma_start3A_1136 : memref<128xi32, #tpu.memory_space<vmem_shared>>) target_semaphore(%arg13 : memref<!tpu.dma_semaphore, #tpu.memory_space<semaphore_mem>>)
    %dma_start3A_1139 = arith.constant 14 : i32
    %dma_start3A_1140 = arith.constant 1792 : i32
    %dma_start3A_1141 = tpu.memref_slice %arg9[%dma_start3A_1140] : memref<4096xi32, #tpu.memory_space<vmem>> -> memref<128xi32, #tpu.memory_space<vmem>>
    %dma_start3A_1142 = arith.constant 0 : i32
    %dma_start3A_1143 = tpu.memref_slice %arg6[%select_n3A_250, %dma_start3A_1139, %select_n3A_266, %dma_start3A_1142] : memref<2x32x8x128xi32, #tpu.memory_space<vmem_shared>> -> memref<1x1x1x128xi32, #tpu.memory_space<vmem_shared>>
    %dma_start3A_1144 = tpu.memref_squeeze %dma_start3A_1143 : memref<1x1x1x128xi32, #tpu.memory_space<vmem_shared>> -> memref<128xi32, #tpu.memory_space<vmem_shared>>
    %dma_start3A_1145 = arith.constant 0 : i32
    %dma_start3A_1146 = tpu.memref_slice %arg6[%select_n3A_250, %dma_start3A_1139, %select_n3A_266, %dma_start3A_1145] : memref<2x32x8x128xi32, #tpu.memory_space<vmem_shared>> -> memref<1x1x1x128xi32, #tpu.memory_space<vmem_shared>>
    %dma_start3A_1147 = tpu.memref_squeeze %dma_start3A_1146 : memref<1x1x1x128xi32, #tpu.memory_space<vmem_shared>> -> memref<128xi32, #tpu.memory_space<vmem_shared>>
    %dma_start3A_1148 = arith.constant 1792 : i32
    %dma_start3A_1149 = tpu.memref_slice %arg9[%dma_start3A_1148] : memref<4096xi32, #tpu.memory_space<vmem>> -> memref<128xi32, #tpu.memory_space<vmem>>
    tpu.enqueue_dma source(%dma_start3A_1149 : memref<128xi32, #tpu.memory_space<vmem>>) target(%dma_start3A_1147 : memref<128xi32, #tpu.memory_space<vmem_shared>>) target_semaphore(%arg13 : memref<!tpu.dma_semaphore, #tpu.memory_space<semaphore_mem>>)
    %dma_start3A_1150 = arith.constant 15 : i32
    %dma_start3A_1151 = arith.constant 1920 : i32
    %dma_start3A_1152 = tpu.memref_slice %arg9[%dma_start3A_1151] : memref<4096xi32, #tpu.memory_space<vmem>> -> memref<128xi32, #tpu.memory_space<vmem>>
    %dma_start3A_1153 = arith.constant 0 : i32
    %dma_start3A_1154 = tpu.memref_slice %arg6[%select_n3A_250, %dma_start3A_1150, %select_n3A_266, %dma_start3A_1153] : memref<2x32x8x128xi32, #tpu.memory_space<vmem_shared>> -> memref<1x1x1x128xi32, #tpu.memory_space<vmem_shared>>
    %dma_start3A_1155 = tpu.memref_squeeze %dma_start3A_1154 : memref<1x1x1x128xi32, #tpu.memory_space<vmem_shared>> -> memref<128xi32, #tpu.memory_space<vmem_shared>>
    %dma_start3A_1156 = arith.constant 0 : i32
    %dma_start3A_1157 = tpu.memref_slice %arg6[%select_n3A_250, %dma_start3A_1150, %select_n3A_266, %dma_start3A_1156] : memref<2x32x8x128xi32, #tpu.memory_space<vmem_shared>> -> memref<1x1x1x128xi32, #tpu.memory_space<vmem_shared>>
    %dma_start3A_1158 = tpu.memref_squeeze %dma_start3A_1157 : memref<1x1x1x128xi32, #tpu.memory_space<vmem_shared>> -> memref<128xi32, #tpu.memory_space<vmem_shared>>
    %dma_start3A_1159 = arith.constant 1920 : i32
    %dma_start3A_1160 = tpu.memref_slice %arg9[%dma_start3A_1159] : memref<4096xi32, #tpu.memory_space<vmem>> -> memref<128xi32, #tpu.memory_space<vmem>>
    tpu.enqueue_dma source(%dma_start3A_1160 : memref<128xi32, #tpu.memory_space<vmem>>) target(%dma_start3A_1158 : memref<128xi32, #tpu.memory_space<vmem_shared>>) target_semaphore(%arg13 : memref<!tpu.dma_semaphore, #tpu.memory_space<semaphore_mem>>)
    %dma_start3A_1161 = arith.constant 16 : i32
    %dma_start3A_1162 = arith.constant 2048 : i32
    %dma_start3A_1163 = tpu.memref_slice %arg9[%dma_start3A_1162] : memref<4096xi32, #tpu.memory_space<vmem>> -> memref<128xi32, #tpu.memory_space<vmem>>
    %dma_start3A_1164 = arith.constant 0 : i32
    %dma_start3A_1165 = tpu.memref_slice %arg6[%select_n3A_250, %dma_start3A_1161, %select_n3A_266, %dma_start3A_1164] : memref<2x32x8x128xi32, #tpu.memory_space<vmem_shared>> -> memref<1x1x1x128xi32, #tpu.memory_space<vmem_shared>>
    %dma_start3A_1166 = tpu.memref_squeeze %dma_start3A_1165 : memref<1x1x1x128xi32, #tpu.memory_space<vmem_shared>> -> memref<128xi32, #tpu.memory_space<vmem_shared>>
    %dma_start3A_1167 = arith.constant 0 : i32
    %dma_start3A_1168 = tpu.memref_slice %arg6[%select_n3A_250, %dma_start3A_1161, %select_n3A_266, %dma_start3A_1167] : memref<2x32x8x128xi32, #tpu.memory_space<vmem_shared>> -> memref<1x1x1x128xi32, #tpu.memory_space<vmem_shared>>
    %dma_start3A_1169 = tpu.memref_squeeze %dma_start3A_1168 : memref<1x1x1x128xi32, #tpu.memory_space<vmem_shared>> -> memref<128xi32, #tpu.memory_space<vmem_shared>>
    %dma_start3A_1170 = arith.constant 2048 : i32
    %dma_start3A_1171 = tpu.memref_slice %arg9[%dma_start3A_1170] : memref<4096xi32, #tpu.memory_space<vmem>> -> memref<128xi32, #tpu.memory_space<vmem>>
    tpu.enqueue_dma source(%dma_start3A_1171 : memref<128xi32, #tpu.memory_space<vmem>>) target(%dma_start3A_1169 : memref<128xi32, #tpu.memory_space<vmem_shared>>) target_semaphore(%arg13 : memref<!tpu.dma_semaphore, #tpu.memory_space<semaphore_mem>>)
    %dma_start3A_1172 = arith.constant 17 : i32
    %dma_start3A_1173 = arith.constant 2176 : i32
    %dma_start3A_1174 = tpu.memref_slice %arg9[%dma_start3A_1173] : memref<4096xi32, #tpu.memory_space<vmem>> -> memref<128xi32, #tpu.memory_space<vmem>>
    %dma_start3A_1175 = arith.constant 0 : i32
    %dma_start3A_1176 = tpu.memref_slice %arg6[%select_n3A_250, %dma_start3A_1172, %select_n3A_266, %dma_start3A_1175] : memref<2x32x8x128xi32, #tpu.memory_space<vmem_shared>> -> memref<1x1x1x128xi32, #tpu.memory_space<vmem_shared>>
    %dma_start3A_1177 = tpu.memref_squeeze %dma_start3A_1176 : memref<1x1x1x128xi32, #tpu.memory_space<vmem_shared>> -> memref<128xi32, #tpu.memory_space<vmem_shared>>
    %dma_start3A_1178 = arith.constant 0 : i32
    %dma_start3A_1179 = tpu.memref_slice %arg6[%select_n3A_250, %dma_start3A_1172, %select_n3A_266, %dma_start3A_1178] : memref<2x32x8x128xi32, #tpu.memory_space<vmem_shared>> -> memref<1x1x1x128xi32, #tpu.memory_space<vmem_shared>>
    %dma_start3A_1180 = tpu.memref_squeeze %dma_start3A_1179 : memref<1x1x1x128xi32, #tpu.memory_space<vmem_shared>> -> memref<128xi32, #tpu.memory_space<vmem_shared>>
    %dma_start3A_1181 = arith.constant 2176 : i32
    %dma_start3A_1182 = tpu.memref_slice %arg9[%dma_start3A_1181] : memref<4096xi32, #tpu.memory_space<vmem>> -> memref<128xi32, #tpu.memory_space<vmem>>
    tpu.enqueue_dma source(%dma_start3A_1182 : memref<128xi32, #tpu.memory_space<vmem>>) target(%dma_start3A_1180 : memref<128xi32, #tpu.memory_space<vmem_shared>>) target_semaphore(%arg13 : memref<!tpu.dma_semaphore, #tpu.memory_space<semaphore_mem>>)
    %dma_start3A_1183 = arith.constant 18 : i32
    %dma_start3A_1184 = arith.constant 2304 : i32
    %dma_start3A_1185 = tpu.memref_slice %arg9[%dma_start3A_1184] : memref<4096xi32, #tpu.memory_space<vmem>> -> memref<128xi32, #tpu.memory_space<vmem>>
    %dma_start3A_1186 = arith.constant 0 : i32
    %dma_start3A_1187 = tpu.memref_slice %arg6[%select_n3A_250, %dma_start3A_1183, %select_n3A_266, %dma_start3A_1186] : memref<2x32x8x128xi32, #tpu.memory_space<vmem_shared>> -> memref<1x1x1x128xi32, #tpu.memory_space<vmem_shared>>
    %dma_start3A_1188 = tpu.memref_squeeze %dma_start3A_1187 : memref<1x1x1x128xi32, #tpu.memory_space<vmem_shared>> -> memref<128xi32, #tpu.memory_space<vmem_shared>>
    %dma_start3A_1189 = arith.constant 0 : i32
    %dma_start3A_1190 = tpu.memref_slice %arg6[%select_n3A_250, %dma_start3A_1183, %select_n3A_266, %dma_start3A_1189] : memref<2x32x8x128xi32, #tpu.memory_space<vmem_shared>> -> memref<1x1x1x128xi32, #tpu.memory_space<vmem_shared>>
    %dma_start3A_1191 = tpu.memref_squeeze %dma_start3A_1190 : memref<1x1x1x128xi32, #tpu.memory_space<vmem_shared>> -> memref<128xi32, #tpu.memory_space<vmem_shared>>
    %dma_start3A_1192 = arith.constant 2304 : i32
    %dma_start3A_1193 = tpu.memref_slice %arg9[%dma_start3A_1192] : memref<4096xi32, #tpu.memory_space<vmem>> -> memref<128xi32, #tpu.memory_space<vmem>>
    tpu.enqueue_dma source(%dma_start3A_1193 : memref<128xi32, #tpu.memory_space<vmem>>) target(%dma_start3A_1191 : memref<128xi32, #tpu.memory_space<vmem_shared>>) target_semaphore(%arg13 : memref<!tpu.dma_semaphore, #tpu.memory_space<semaphore_mem>>)
    %dma_start3A_1194 = arith.constant 19 : i32
    %dma_start3A_1195 = arith.constant 2432 : i32
    %dma_start3A_1196 = tpu.memref_slice %arg9[%dma_start3A_1195] : memref<4096xi32, #tpu.memory_space<vmem>> -> memref<128xi32, #tpu.memory_space<vmem>>
    %dma_start3A_1197 = arith.constant 0 : i32
    %dma_start3A_1198 = tpu.memref_slice %arg6[%select_n3A_250, %dma_start3A_1194, %select_n3A_266, %dma_start3A_1197] : memref<2x32x8x128xi32, #tpu.memory_space<vmem_shared>> -> memref<1x1x1x128xi32, #tpu.memory_space<vmem_shared>>
    %dma_start3A_1199 = tpu.memref_squeeze %dma_start3A_1198 : memref<1x1x1x128xi32, #tpu.memory_space<vmem_shared>> -> memref<128xi32, #tpu.memory_space<vmem_shared>>
    %dma_start3A_1200 = arith.constant 0 : i32
    %dma_start3A_1201 = tpu.memref_slice %arg6[%select_n3A_250, %dma_start3A_1194, %select_n3A_266, %dma_start3A_1200] : memref<2x32x8x128xi32, #tpu.memory_space<vmem_shared>> -> memref<1x1x1x128xi32, #tpu.memory_space<vmem_shared>>
    %dma_start3A_1202 = tpu.memref_squeeze %dma_start3A_1201 : memref<1x1x1x128xi32, #tpu.memory_space<vmem_shared>> -> memref<128xi32, #tpu.memory_space<vmem_shared>>
    %dma_start3A_1203 = arith.constant 2432 : i32
    %dma_start3A_1204 = tpu.memref_slice %arg9[%dma_start3A_1203] : memref<4096xi32, #tpu.memory_space<vmem>> -> memref<128xi32, #tpu.memory_space<vmem>>
    tpu.enqueue_dma source(%dma_start3A_1204 : memref<128xi32, #tpu.memory_space<vmem>>) target(%dma_start3A_1202 : memref<128xi32, #tpu.memory_space<vmem_shared>>) target_semaphore(%arg13 : memref<!tpu.dma_semaphore, #tpu.memory_space<semaphore_mem>>)
    %dma_start3A_1205 = arith.constant 20 : i32
    %dma_start3A_1206 = arith.constant 2560 : i32
    %dma_start3A_1207 = tpu.memref_slice %arg9[%dma_start3A_1206] : memref<4096xi32, #tpu.memory_space<vmem>> -> memref<128xi32, #tpu.memory_space<vmem>>
    %dma_start3A_1208 = arith.constant 0 : i32
    %dma_start3A_1209 = tpu.memref_slice %arg6[%select_n3A_250, %dma_start3A_1205, %select_n3A_266, %dma_start3A_1208] : memref<2x32x8x128xi32, #tpu.memory_space<vmem_shared>> -> memref<1x1x1x128xi32, #tpu.memory_space<vmem_shared>>
    %dma_start3A_1210 = tpu.memref_squeeze %dma_start3A_1209 : memref<1x1x1x128xi32, #tpu.memory_space<vmem_shared>> -> memref<128xi32, #tpu.memory_space<vmem_shared>>
    %dma_start3A_1211 = arith.constant 0 : i32
    %dma_start3A_1212 = tpu.memref_slice %arg6[%select_n3A_250, %dma_start3A_1205, %select_n3A_266, %dma_start3A_1211] : memref<2x32x8x128xi32, #tpu.memory_space<vmem_shared>> -> memref<1x1x1x128xi32, #tpu.memory_space<vmem_shared>>
    %dma_start3A_1213 = tpu.memref_squeeze %dma_start3A_1212 : memref<1x1x1x128xi32, #tpu.memory_space<vmem_shared>> -> memref<128xi32, #tpu.memory_space<vmem_shared>>
    %dma_start3A_1214 = arith.constant 2560 : i32
    %dma_start3A_1215 = tpu.memref_slice %arg9[%dma_start3A_1214] : memref<4096xi32, #tpu.memory_space<vmem>> -> memref<128xi32, #tpu.memory_space<vmem>>
    tpu.enqueue_dma source(%dma_start3A_1215 : memref<128xi32, #tpu.memory_space<vmem>>) target(%dma_start3A_1213 : memref<128xi32, #tpu.memory_space<vmem_shared>>) target_semaphore(%arg13 : memref<!tpu.dma_semaphore, #tpu.memory_space<semaphore_mem>>)
    %dma_start3A_1216 = arith.constant 21 : i32
    %dma_start3A_1217 = arith.constant 2688 : i32
    %dma_start3A_1218 = tpu.memref_slice %arg9[%dma_start3A_1217] : memref<4096xi32, #tpu.memory_space<vmem>> -> memref<128xi32, #tpu.memory_space<vmem>>
    %dma_start3A_1219 = arith.constant 0 : i32
    %dma_start3A_1220 = tpu.memref_slice %arg6[%select_n3A_250, %dma_start3A_1216, %select_n3A_266, %dma_start3A_1219] : memref<2x32x8x128xi32, #tpu.memory_space<vmem_shared>> -> memref<1x1x1x128xi32, #tpu.memory_space<vmem_shared>>
    %dma_start3A_1221 = tpu.memref_squeeze %dma_start3A_1220 : memref<1x1x1x128xi32, #tpu.memory_space<vmem_shared>> -> memref<128xi32, #tpu.memory_space<vmem_shared>>
    %dma_start3A_1222 = arith.constant 0 : i32
    %dma_start3A_1223 = tpu.memref_slice %arg6[%select_n3A_250, %dma_start3A_1216, %select_n3A_266, %dma_start3A_1222] : memref<2x32x8x128xi32, #tpu.memory_space<vmem_shared>> -> memref<1x1x1x128xi32, #tpu.memory_space<vmem_shared>>
    %dma_start3A_1224 = tpu.memref_squeeze %dma_start3A_1223 : memref<1x1x1x128xi32, #tpu.memory_space<vmem_shared>> -> memref<128xi32, #tpu.memory_space<vmem_shared>>
    %dma_start3A_1225 = arith.constant 2688 : i32
    %dma_start3A_1226 = tpu.memref_slice %arg9[%dma_start3A_1225] : memref<4096xi32, #tpu.memory_space<vmem>> -> memref<128xi32, #tpu.memory_space<vmem>>
    tpu.enqueue_dma source(%dma_start3A_1226 : memref<128xi32, #tpu.memory_space<vmem>>) target(%dma_start3A_1224 : memref<128xi32, #tpu.memory_space<vmem_shared>>) target_semaphore(%arg13 : memref<!tpu.dma_semaphore, #tpu.memory_space<semaphore_mem>>)
    %dma_start3A_1227 = arith.constant 22 : i32
    %dma_start3A_1228 = arith.constant 2816 : i32
    %dma_start3A_1229 = tpu.memref_slice %arg9[%dma_start3A_1228] : memref<4096xi32, #tpu.memory_space<vmem>> -> memref<128xi32, #tpu.memory_space<vmem>>
    %dma_start3A_1230 = arith.constant 0 : i32
    %dma_start3A_1231 = tpu.memref_slice %arg6[%select_n3A_250, %dma_start3A_1227, %select_n3A_266, %dma_start3A_1230] : memref<2x32x8x128xi32, #tpu.memory_space<vmem_shared>> -> memref<1x1x1x128xi32, #tpu.memory_space<vmem_shared>>
    %dma_start3A_1232 = tpu.memref_squeeze %dma_start3A_1231 : memref<1x1x1x128xi32, #tpu.memory_space<vmem_shared>> -> memref<128xi32, #tpu.memory_space<vmem_shared>>
    %dma_start3A_1233 = arith.constant 0 : i32
    %dma_start3A_1234 = tpu.memref_slice %arg6[%select_n3A_250, %dma_start3A_1227, %select_n3A_266, %dma_start3A_1233] : memref<2x32x8x128xi32, #tpu.memory_space<vmem_shared>> -> memref<1x1x1x128xi32, #tpu.memory_space<vmem_shared>>
    %dma_start3A_1235 = tpu.memref_squeeze %dma_start3A_1234 : memref<1x1x1x128xi32, #tpu.memory_space<vmem_shared>> -> memref<128xi32, #tpu.memory_space<vmem_shared>>
    %dma_start3A_1236 = arith.constant 2816 : i32
    %dma_start3A_1237 = tpu.memref_slice %arg9[%dma_start3A_1236] : memref<4096xi32, #tpu.memory_space<vmem>> -> memref<128xi32, #tpu.memory_space<vmem>>
    tpu.enqueue_dma source(%dma_start3A_1237 : memref<128xi32, #tpu.memory_space<vmem>>) target(%dma_start3A_1235 : memref<128xi32, #tpu.memory_space<vmem_shared>>) target_semaphore(%arg13 : memref<!tpu.dma_semaphore, #tpu.memory_space<semaphore_mem>>)
    %dma_start3A_1238 = arith.constant 23 : i32
    %dma_start3A_1239 = arith.constant 2944 : i32
    %dma_start3A_1240 = tpu.memref_slice %arg9[%dma_start3A_1239] : memref<4096xi32, #tpu.memory_space<vmem>> -> memref<128xi32, #tpu.memory_space<vmem>>
    %dma_start3A_1241 = arith.constant 0 : i32
    %dma_start3A_1242 = tpu.memref_slice %arg6[%select_n3A_250, %dma_start3A_1238, %select_n3A_266, %dma_start3A_1241] : memref<2x32x8x128xi32, #tpu.memory_space<vmem_shared>> -> memref<1x1x1x128xi32, #tpu.memory_space<vmem_shared>>
    %dma_start3A_1243 = tpu.memref_squeeze %dma_start3A_1242 : memref<1x1x1x128xi32, #tpu.memory_space<vmem_shared>> -> memref<128xi32, #tpu.memory_space<vmem_shared>>
    %dma_start3A_1244 = arith.constant 0 : i32
    %dma_start3A_1245 = tpu.memref_slice %arg6[%select_n3A_250, %dma_start3A_1238, %select_n3A_266, %dma_start3A_1244] : memref<2x32x8x128xi32, #tpu.memory_space<vmem_shared>> -> memref<1x1x1x128xi32, #tpu.memory_space<vmem_shared>>
    %dma_start3A_1246 = tpu.memref_squeeze %dma_start3A_1245 : memref<1x1x1x128xi32, #tpu.memory_space<vmem_shared>> -> memref<128xi32, #tpu.memory_space<vmem_shared>>
    %dma_start3A_1247 = arith.constant 2944 : i32
    %dma_start3A_1248 = tpu.memref_slice %arg9[%dma_start3A_1247] : memref<4096xi32, #tpu.memory_space<vmem>> -> memref<128xi32, #tpu.memory_space<vmem>>
    tpu.enqueue_dma source(%dma_start3A_1248 : memref<128xi32, #tpu.memory_space<vmem>>) target(%dma_start3A_1246 : memref<128xi32, #tpu.memory_space<vmem_shared>>) target_semaphore(%arg13 : memref<!tpu.dma_semaphore, #tpu.memory_space<semaphore_mem>>)
    %dma_start3A_1249 = arith.constant 24 : i32
    %dma_start3A_1250 = arith.constant 3072 : i32
    %dma_start3A_1251 = tpu.memref_slice %arg9[%dma_start3A_1250] : memref<4096xi32, #tpu.memory_space<vmem>> -> memref<128xi32, #tpu.memory_space<vmem>>
    %dma_start3A_1252 = arith.constant 0 : i32
    %dma_start3A_1253 = tpu.memref_slice %arg6[%select_n3A_250, %dma_start3A_1249, %select_n3A_266, %dma_start3A_1252] : memref<2x32x8x128xi32, #tpu.memory_space<vmem_shared>> -> memref<1x1x1x128xi32, #tpu.memory_space<vmem_shared>>
    %dma_start3A_1254 = tpu.memref_squeeze %dma_start3A_1253 : memref<1x1x1x128xi32, #tpu.memory_space<vmem_shared>> -> memref<128xi32, #tpu.memory_space<vmem_shared>>
    %dma_start3A_1255 = arith.constant 0 : i32
    %dma_start3A_1256 = tpu.memref_slice %arg6[%select_n3A_250, %dma_start3A_1249, %select_n3A_266, %dma_start3A_1255] : memref<2x32x8x128xi32, #tpu.memory_space<vmem_shared>> -> memref<1x1x1x128xi32, #tpu.memory_space<vmem_shared>>
    %dma_start3A_1257 = tpu.memref_squeeze %dma_start3A_1256 : memref<1x1x1x128xi32, #tpu.memory_space<vmem_shared>> -> memref<128xi32, #tpu.memory_space<vmem_shared>>
    %dma_start3A_1258 = arith.constant 3072 : i32
    %dma_start3A_1259 = tpu.memref_slice %arg9[%dma_start3A_1258] : memref<4096xi32, #tpu.memory_space<vmem>> -> memref<128xi32, #tpu.memory_space<vmem>>
    tpu.enqueue_dma source(%dma_start3A_1259 : memref<128xi32, #tpu.memory_space<vmem>>) target(%dma_start3A_1257 : memref<128xi32, #tpu.memory_space<vmem_shared>>) target_semaphore(%arg13 : memref<!tpu.dma_semaphore, #tpu.memory_space<semaphore_mem>>)
    %dma_start3A_1260 = arith.constant 25 : i32
    %dma_start3A_1261 = arith.constant 3200 : i32
    %dma_start3A_1262 = tpu.memref_slice %arg9[%dma_start3A_1261] : memref<4096xi32, #tpu.memory_space<vmem>> -> memref<128xi32, #tpu.memory_space<vmem>>
    %dma_start3A_1263 = arith.constant 0 : i32
    %dma_start3A_1264 = tpu.memref_slice %arg6[%select_n3A_250, %dma_start3A_1260, %select_n3A_266, %dma_start3A_1263] : memref<2x32x8x128xi32, #tpu.memory_space<vmem_shared>> -> memref<1x1x1x128xi32, #tpu.memory_space<vmem_shared>>
    %dma_start3A_1265 = tpu.memref_squeeze %dma_start3A_1264 : memref<1x1x1x128xi32, #tpu.memory_space<vmem_shared>> -> memref<128xi32, #tpu.memory_space<vmem_shared>>
    %dma_start3A_1266 = arith.constant 0 : i32
    %dma_start3A_1267 = tpu.memref_slice %arg6[%select_n3A_250, %dma_start3A_1260, %select_n3A_266, %dma_start3A_1266] : memref<2x32x8x128xi32, #tpu.memory_space<vmem_shared>> -> memref<1x1x1x128xi32, #tpu.memory_space<vmem_shared>>
    %dma_start3A_1268 = tpu.memref_squeeze %dma_start3A_1267 : memref<1x1x1x128xi32, #tpu.memory_space<vmem_shared>> -> memref<128xi32, #tpu.memory_space<vmem_shared>>
    %dma_start3A_1269 = arith.constant 3200 : i32
    %dma_start3A_1270 = tpu.memref_slice %arg9[%dma_start3A_1269] : memref<4096xi32, #tpu.memory_space<vmem>> -> memref<128xi32, #tpu.memory_space<vmem>>
    tpu.enqueue_dma source(%dma_start3A_1270 : memref<128xi32, #tpu.memory_space<vmem>>) target(%dma_start3A_1268 : memref<128xi32, #tpu.memory_space<vmem_shared>>) target_semaphore(%arg13 : memref<!tpu.dma_semaphore, #tpu.memory_space<semaphore_mem>>)
    %dma_start3A_1271 = arith.constant 26 : i32
    %dma_start3A_1272 = arith.constant 3328 : i32
    %dma_start3A_1273 = tpu.memref_slice %arg9[%dma_start3A_1272] : memref<4096xi32, #tpu.memory_space<vmem>> -> memref<128xi32, #tpu.memory_space<vmem>>
    %dma_start3A_1274 = arith.constant 0 : i32
    %dma_start3A_1275 = tpu.memref_slice %arg6[%select_n3A_250, %dma_start3A_1271, %select_n3A_266, %dma_start3A_1274] : memref<2x32x8x128xi32, #tpu.memory_space<vmem_shared>> -> memref<1x1x1x128xi32, #tpu.memory_space<vmem_shared>>
    %dma_start3A_1276 = tpu.memref_squeeze %dma_start3A_1275 : memref<1x1x1x128xi32, #tpu.memory_space<vmem_shared>> -> memref<128xi32, #tpu.memory_space<vmem_shared>>
    %dma_start3A_1277 = arith.constant 0 : i32
    %dma_start3A_1278 = tpu.memref_slice %arg6[%select_n3A_250, %dma_start3A_1271, %select_n3A_266, %dma_start3A_1277] : memref<2x32x8x128xi32, #tpu.memory_space<vmem_shared>> -> memref<1x1x1x128xi32, #tpu.memory_space<vmem_shared>>
    %dma_start3A_1279 = tpu.memref_squeeze %dma_start3A_1278 : memref<1x1x1x128xi32, #tpu.memory_space<vmem_shared>> -> memref<128xi32, #tpu.memory_space<vmem_shared>>
    %dma_start3A_1280 = arith.constant 3328 : i32
    %dma_start3A_1281 = tpu.memref_slice %arg9[%dma_start3A_1280] : memref<4096xi32, #tpu.memory_space<vmem>> -> memref<128xi32, #tpu.memory_space<vmem>>
    tpu.enqueue_dma source(%dma_start3A_1281 : memref<128xi32, #tpu.memory_space<vmem>>) target(%dma_start3A_1279 : memref<128xi32, #tpu.memory_space<vmem_shared>>) target_semaphore(%arg13 : memref<!tpu.dma_semaphore, #tpu.memory_space<semaphore_mem>>)
    %dma_start3A_1282 = arith.constant 27 : i32
    %dma_start3A_1283 = arith.constant 3456 : i32
    %dma_start3A_1284 = tpu.memref_slice %arg9[%dma_start3A_1283] : memref<4096xi32, #tpu.memory_space<vmem>> -> memref<128xi32, #tpu.memory_space<vmem>>
    %dma_start3A_1285 = arith.constant 0 : i32
    %dma_start3A_1286 = tpu.memref_slice %arg6[%select_n3A_250, %dma_start3A_1282, %select_n3A_266, %dma_start3A_1285] : memref<2x32x8x128xi32, #tpu.memory_space<vmem_shared>> -> memref<1x1x1x128xi32, #tpu.memory_space<vmem_shared>>
    %dma_start3A_1287 = tpu.memref_squeeze %dma_start3A_1286 : memref<1x1x1x128xi32, #tpu.memory_space<vmem_shared>> -> memref<128xi32, #tpu.memory_space<vmem_shared>>
    %dma_start3A_1288 = arith.constant 0 : i32
    %dma_start3A_1289 = tpu.memref_slice %arg6[%select_n3A_250, %dma_start3A_1282, %select_n3A_266, %dma_start3A_1288] : memref<2x32x8x128xi32, #tpu.memory_space<vmem_shared>> -> memref<1x1x1x128xi32, #tpu.memory_space<vmem_shared>>
    %dma_start3A_1290 = tpu.memref_squeeze %dma_start3A_1289 : memref<1x1x1x128xi32, #tpu.memory_space<vmem_shared>> -> memref<128xi32, #tpu.memory_space<vmem_shared>>
    %dma_start3A_1291 = arith.constant 3456 : i32
    %dma_start3A_1292 = tpu.memref_slice %arg9[%dma_start3A_1291] : memref<4096xi32, #tpu.memory_space<vmem>> -> memref<128xi32, #tpu.memory_space<vmem>>
    tpu.enqueue_dma source(%dma_start3A_1292 : memref<128xi32, #tpu.memory_space<vmem>>) target(%dma_start3A_1290 : memref<128xi32, #tpu.memory_space<vmem_shared>>) target_semaphore(%arg13 : memref<!tpu.dma_semaphore, #tpu.memory_space<semaphore_mem>>)
    %dma_start3A_1293 = arith.constant 28 : i32
    %dma_start3A_1294 = arith.constant 3584 : i32
    %dma_start3A_1295 = tpu.memref_slice %arg9[%dma_start3A_1294] : memref<4096xi32, #tpu.memory_space<vmem>> -> memref<128xi32, #tpu.memory_space<vmem>>
    %dma_start3A_1296 = arith.constant 0 : i32
    %dma_start3A_1297 = tpu.memref_slice %arg6[%select_n3A_250, %dma_start3A_1293, %select_n3A_266, %dma_start3A_1296] : memref<2x32x8x128xi32, #tpu.memory_space<vmem_shared>> -> memref<1x1x1x128xi32, #tpu.memory_space<vmem_shared>>
    %dma_start3A_1298 = tpu.memref_squeeze %dma_start3A_1297 : memref<1x1x1x128xi32, #tpu.memory_space<vmem_shared>> -> memref<128xi32, #tpu.memory_space<vmem_shared>>
    %dma_start3A_1299 = arith.constant 0 : i32
    %dma_start3A_1300 = tpu.memref_slice %arg6[%select_n3A_250, %dma_start3A_1293, %select_n3A_266, %dma_start3A_1299] : memref<2x32x8x128xi32, #tpu.memory_space<vmem_shared>> -> memref<1x1x1x128xi32, #tpu.memory_space<vmem_shared>>
    %dma_start3A_1301 = tpu.memref_squeeze %dma_start3A_1300 : memref<1x1x1x128xi32, #tpu.memory_space<vmem_shared>> -> memref<128xi32, #tpu.memory_space<vmem_shared>>
    %dma_start3A_1302 = arith.constant 3584 : i32
    %dma_start3A_1303 = tpu.memref_slice %arg9[%dma_start3A_1302] : memref<4096xi32, #tpu.memory_space<vmem>> -> memref<128xi32, #tpu.memory_space<vmem>>
    tpu.enqueue_dma source(%dma_start3A_1303 : memref<128xi32, #tpu.memory_space<vmem>>) target(%dma_start3A_1301 : memref<128xi32, #tpu.memory_space<vmem_shared>>) target_semaphore(%arg13 : memref<!tpu.dma_semaphore, #tpu.memory_space<semaphore_mem>>)
    %dma_start3A_1304 = arith.constant 29 : i32
    %dma_start3A_1305 = arith.constant 3712 : i32
    %dma_start3A_1306 = tpu.memref_slice %arg9[%dma_start3A_1305] : memref<4096xi32, #tpu.memory_space<vmem>> -> memref<128xi32, #tpu.memory_space<vmem>>
    %dma_start3A_1307 = arith.constant 0 : i32
    %dma_start3A_1308 = tpu.memref_slice %arg6[%select_n3A_250, %dma_start3A_1304, %select_n3A_266, %dma_start3A_1307] : memref<2x32x8x128xi32, #tpu.memory_space<vmem_shared>> -> memref<1x1x1x128xi32, #tpu.memory_space<vmem_shared>>
    %dma_start3A_1309 = tpu.memref_squeeze %dma_start3A_1308 : memref<1x1x1x128xi32, #tpu.memory_space<vmem_shared>> -> memref<128xi32, #tpu.memory_space<vmem_shared>>
    %dma_start3A_1310 = arith.constant 0 : i32
    %dma_start3A_1311 = tpu.memref_slice %arg6[%select_n3A_250, %dma_start3A_1304, %select_n3A_266, %dma_start3A_1310] : memref<2x32x8x128xi32, #tpu.memory_space<vmem_shared>> -> memref<1x1x1x128xi32, #tpu.memory_space<vmem_shared>>
    %dma_start3A_1312 = tpu.memref_squeeze %dma_start3A_1311 : memref<1x1x1x128xi32, #tpu.memory_space<vmem_shared>> -> memref<128xi32, #tpu.memory_space<vmem_shared>>
    %dma_start3A_1313 = arith.constant 3712 : i32
    %dma_start3A_1314 = tpu.memref_slice %arg9[%dma_start3A_1313] : memref<4096xi32, #tpu.memory_space<vmem>> -> memref<128xi32, #tpu.memory_space<vmem>>
    tpu.enqueue_dma source(%dma_start3A_1314 : memref<128xi32, #tpu.memory_space<vmem>>) target(%dma_start3A_1312 : memref<128xi32, #tpu.memory_space<vmem_shared>>) target_semaphore(%arg13 : memref<!tpu.dma_semaphore, #tpu.memory_space<semaphore_mem>>)
    %dma_start3A_1315 = arith.constant 30 : i32
    %dma_start3A_1316 = arith.constant 3840 : i32
    %dma_start3A_1317 = tpu.memref_slice %arg9[%dma_start3A_1316] : memref<4096xi32, #tpu.memory_space<vmem>> -> memref<128xi32, #tpu.memory_space<vmem>>
    %dma_start3A_1318 = arith.constant 0 : i32
    %dma_start3A_1319 = tpu.memref_slice %arg6[%select_n3A_250, %dma_start3A_1315, %select_n3A_266, %dma_start3A_1318] : memref<2x32x8x128xi32, #tpu.memory_space<vmem_shared>> -> memref<1x1x1x128xi32, #tpu.memory_space<vmem_shared>>
    %dma_start3A_1320 = tpu.memref_squeeze %dma_start3A_1319 : memref<1x1x1x128xi32, #tpu.memory_space<vmem_shared>> -> memref<128xi32, #tpu.memory_space<vmem_shared>>
    %dma_start3A_1321 = arith.constant 0 : i32
    %dma_start3A_1322 = tpu.memref_slice %arg6[%select_n3A_250, %dma_start3A_1315, %select_n3A_266, %dma_start3A_1321] : memref<2x32x8x128xi32, #tpu.memory_space<vmem_shared>> -> memref<1x1x1x128xi32, #tpu.memory_space<vmem_shared>>
    %dma_start3A_1323 = tpu.memref_squeeze %dma_start3A_1322 : memref<1x1x1x128xi32, #tpu.memory_space<vmem_shared>> -> memref<128xi32, #tpu.memory_space<vmem_shared>>
    %dma_start3A_1324 = arith.constant 3840 : i32
    %dma_start3A_1325 = tpu.memref_slice %arg9[%dma_start3A_1324] : memref<4096xi32, #tpu.memory_space<vmem>> -> memref<128xi32, #tpu.memory_space<vmem>>
    tpu.enqueue_dma source(%dma_start3A_1325 : memref<128xi32, #tpu.memory_space<vmem>>) target(%dma_start3A_1323 : memref<128xi32, #tpu.memory_space<vmem_shared>>) target_semaphore(%arg13 : memref<!tpu.dma_semaphore, #tpu.memory_space<semaphore_mem>>)
    %dma_start3A_1326 = arith.constant 31 : i32
    %dma_start3A_1327 = arith.constant 3968 : i32
    %dma_start3A_1328 = tpu.memref_slice %arg9[%dma_start3A_1327] : memref<4096xi32, #tpu.memory_space<vmem>> -> memref<128xi32, #tpu.memory_space<vmem>>
    %dma_start3A_1329 = arith.constant 0 : i32
    %dma_start3A_1330 = tpu.memref_slice %arg6[%select_n3A_250, %dma_start3A_1326, %select_n3A_266, %dma_start3A_1329] : memref<2x32x8x128xi32, #tpu.memory_space<vmem_shared>> -> memref<1x1x1x128xi32, #tpu.memory_space<vmem_shared>>
    %dma_start3A_1331 = tpu.memref_squeeze %dma_start3A_1330 : memref<1x1x1x128xi32, #tpu.memory_space<vmem_shared>> -> memref<128xi32, #tpu.memory_space<vmem_shared>>
    %dma_start3A_1332 = arith.constant 0 : i32
    %dma_start3A_1333 = tpu.memref_slice %arg6[%select_n3A_250, %dma_start3A_1326, %select_n3A_266, %dma_start3A_1332] : memref<2x32x8x128xi32, #tpu.memory_space<vmem_shared>> -> memref<1x1x1x128xi32, #tpu.memory_space<vmem_shared>>
    %dma_start3A_1334 = tpu.memref_squeeze %dma_start3A_1333 : memref<1x1x1x128xi32, #tpu.memory_space<vmem_shared>> -> memref<128xi32, #tpu.memory_space<vmem_shared>>
    %dma_start3A_1335 = arith.constant 3968 : i32
    %dma_start3A_1336 = tpu.memref_slice %arg9[%dma_start3A_1335] : memref<4096xi32, #tpu.memory_space<vmem>> -> memref<128xi32, #tpu.memory_space<vmem>>
    tpu.enqueue_dma source(%dma_start3A_1336 : memref<128xi32, #tpu.memory_space<vmem>>) target(%dma_start3A_1334 : memref<128xi32, #tpu.memory_space<vmem_shared>>) target_semaphore(%arg13 : memref<!tpu.dma_semaphore, #tpu.memory_space<semaphore_mem>>)
    %swap3A_1337 = arith.constant 0 : index
    %swap3A_1338 = tpu.vector_load %arg10[%swap3A_1337] {strides = array<i32>} : memref<16xi32, #tpu.memory_space<vmem>>, vector<16xi32>,
    tpu.vector_store %arg10[%swap3A_1337], %scan3A_983 {strides = array<i32>} : memref<16xi32, #tpu.memory_space<vmem>>, vector<16xi32>,
    "tpu.region"() ({
      %run_scoped3A = tpu.sem_alloc : memref<!tpu.dma_semaphore, #tpu.memory_space<semaphore_mem>>
      %dma_start3A_1935 = arith.constant 0 : i32
      %dma_start3A_1936 = tpu.memref_slice %arg7[%arg1, %dma_start3A_1935] : memref<16x16xi32, #tpu.memory_space<vmem_shared>> -> memref<1x16xi32, #tpu.memory_space<vmem_shared>>
      %dma_start3A_1937 = tpu.memref_squeeze %dma_start3A_1936 : memref<1x16xi32, #tpu.memory_space<vmem_shared>> -> memref<16xi32, #tpu.memory_space<vmem_shared>>
      %dma_start3A_1938 = arith.constant 0 : i32
      %dma_start3A_1939 = tpu.memref_slice %arg7[%arg1, %dma_start3A_1938] : memref<16x16xi32, #tpu.memory_space<vmem_shared>> -> memref<1x16xi32, #tpu.memory_space<vmem_shared>>
      %dma_start3A_1940 = tpu.memref_squeeze %dma_start3A_1939 : memref<1x16xi32, #tpu.memory_space<vmem_shared>> -> memref<16xi32, #tpu.memory_space<vmem_shared>>
      tpu.enqueue_dma source(%arg10 : memref<16xi32, #tpu.memory_space<vmem>>) target(%dma_start3A_1940 : memref<16xi32, #tpu.memory_space<vmem_shared>>) target_semaphore(%run_scoped3A : memref<!tpu.dma_semaphore, #tpu.memory_space<semaphore_mem>>)
      %dma_wait3A_1941 = arith.constant 0 : i32
      %dma_wait3A_1942 = tpu.memref_slice %arg7[%arg1, %dma_wait3A_1941] : memref<16x16xi32, #tpu.memory_space<vmem_shared>> -> memref<1x16xi32, #tpu.memory_space<vmem_shared>>
      %dma_wait3A_1943 = tpu.memref_squeeze %dma_wait3A_1942 : memref<1x16xi32, #tpu.memory_space<vmem_shared>> -> memref<16xi32, #tpu.memory_space<vmem_shared>>
      %dma_wait3A_1944 = arith.constant 0 : i32
      %dma_wait3A_1945 = tpu.memref_slice %arg7[%arg1, %dma_wait3A_1944] : memref<16x16xi32, #tpu.memory_space<vmem_shared>> -> memref<1x16xi32, #tpu.memory_space<vmem_shared>>
      %dma_wait3A_1946 = tpu.memref_squeeze %dma_wait3A_1945 : memref<1x16xi32, #tpu.memory_space<vmem_shared>> -> memref<16xi32, #tpu.memory_space<vmem_shared>>
      tpu.wait_dma2 semaphore(%run_scoped3A : memref<!tpu.dma_semaphore, #tpu.memory_space<semaphore_mem>>) src(%arg10 : memref<16xi32, #tpu.memory_space<vmem>>) dst(%dma_wait3A_1946 : memref<16xi32, #tpu.memory_space<vmem_shared>>)
      tpu.yield
    }) : () -> ()
    %dma_wait3A_1339 = arith.constant 0 : i32
    %dma_wait3A_1340 = arith.constant 0 : i32
    %dma_wait3A_1341 = tpu.memref_slice %arg9[%dma_wait3A_1340] : memref<4096xi32, #tpu.memory_space<vmem>> -> memref<128xi32, #tpu.memory_space<vmem>>
    %dma_wait3A_1342 = arith.constant 0 : i32
    %dma_wait3A_1343 = tpu.memref_slice %arg6[%select_n3A_250, %dma_wait3A_1339, %select_n3A_266, %dma_wait3A_1342] : memref<2x32x8x128xi32, #tpu.memory_space<vmem_shared>> -> memref<1x1x1x128xi32, #tpu.memory_space<vmem_shared>>
    %dma_wait3A_1344 = tpu.memref_squeeze %dma_wait3A_1343 : memref<1x1x1x128xi32, #tpu.memory_space<vmem_shared>> -> memref<128xi32, #tpu.memory_space<vmem_shared>>
    %dma_wait3A_1345 = arith.constant 0 : i32
    %dma_wait3A_1346 = tpu.memref_slice %arg6[%select_n3A_250, %dma_wait3A_1339, %select_n3A_266, %dma_wait3A_1345] : memref<2x32x8x128xi32, #tpu.memory_space<vmem_shared>> -> memref<1x1x1x128xi32, #tpu.memory_space<vmem_shared>>
    %dma_wait3A_1347 = tpu.memref_squeeze %dma_wait3A_1346 : memref<1x1x1x128xi32, #tpu.memory_space<vmem_shared>> -> memref<128xi32, #tpu.memory_space<vmem_shared>>
    %dma_wait3A_1348 = arith.constant 0 : i32
    %dma_wait3A_1349 = tpu.memref_slice %arg9[%dma_wait3A_1348] : memref<4096xi32, #tpu.memory_space<vmem>> -> memref<128xi32, #tpu.memory_space<vmem>>
    tpu.wait_dma2 semaphore(%arg13 : memref<!tpu.dma_semaphore, #tpu.memory_space<semaphore_mem>>) src(%dma_wait3A_1349 : memref<128xi32, #tpu.memory_space<vmem>>) dst(%dma_wait3A_1347 : memref<128xi32, #tpu.memory_space<vmem_shared>>)
    %dma_wait3A_1350 = arith.constant 1 : i32
    %dma_wait3A_1351 = arith.constant 128 : i32
    %dma_wait3A_1352 = tpu.memref_slice %arg9[%dma_wait3A_1351] : memref<4096xi32, #tpu.memory_space<vmem>> -> memref<128xi32, #tpu.memory_space<vmem>>
    %dma_wait3A_1353 = arith.constant 0 : i32
    %dma_wait3A_1354 = tpu.memref_slice %arg6[%select_n3A_250, %dma_wait3A_1350, %select_n3A_266, %dma_wait3A_1353] : memref<2x32x8x128xi32, #tpu.memory_space<vmem_shared>> -> memref<1x1x1x128xi32, #tpu.memory_space<vmem_shared>>
    %dma_wait3A_1355 = tpu.memref_squeeze %dma_wait3A_1354 : memref<1x1x1x128xi32, #tpu.memory_space<vmem_shared>> -> memref<128xi32, #tpu.memory_space<vmem_shared>>
    %dma_wait3A_1356 = arith.constant 0 : i32
    %dma_wait3A_1357 = tpu.memref_slice %arg6[%select_n3A_250, %dma_wait3A_1350, %select_n3A_266, %dma_wait3A_1356] : memref<2x32x8x128xi32, #tpu.memory_space<vmem_shared>> -> memref<1x1x1x128xi32, #tpu.memory_space<vmem_shared>>
    %dma_wait3A_1358 = tpu.memref_squeeze %dma_wait3A_1357 : memref<1x1x1x128xi32, #tpu.memory_space<vmem_shared>> -> memref<128xi32, #tpu.memory_space<vmem_shared>>
    %dma_wait3A_1359 = arith.constant 128 : i32
    %dma_wait3A_1360 = tpu.memref_slice %arg9[%dma_wait3A_1359] : memref<4096xi32, #tpu.memory_space<vmem>> -> memref<128xi32, #tpu.memory_space<vmem>>
    tpu.wait_dma2 semaphore(%arg13 : memref<!tpu.dma_semaphore, #tpu.memory_space<semaphore_mem>>) src(%dma_wait3A_1360 : memref<128xi32, #tpu.memory_space<vmem>>) dst(%dma_wait3A_1358 : memref<128xi32, #tpu.memory_space<vmem_shared>>)
    %dma_wait3A_1361 = arith.constant 2 : i32
    %dma_wait3A_1362 = arith.constant 256 : i32
    %dma_wait3A_1363 = tpu.memref_slice %arg9[%dma_wait3A_1362] : memref<4096xi32, #tpu.memory_space<vmem>> -> memref<128xi32, #tpu.memory_space<vmem>>
    %dma_wait3A_1364 = arith.constant 0 : i32
    %dma_wait3A_1365 = tpu.memref_slice %arg6[%select_n3A_250, %dma_wait3A_1361, %select_n3A_266, %dma_wait3A_1364] : memref<2x32x8x128xi32, #tpu.memory_space<vmem_shared>> -> memref<1x1x1x128xi32, #tpu.memory_space<vmem_shared>>
    %dma_wait3A_1366 = tpu.memref_squeeze %dma_wait3A_1365 : memref<1x1x1x128xi32, #tpu.memory_space<vmem_shared>> -> memref<128xi32, #tpu.memory_space<vmem_shared>>
    %dma_wait3A_1367 = arith.constant 0 : i32
    %dma_wait3A_1368 = tpu.memref_slice %arg6[%select_n3A_250, %dma_wait3A_1361, %select_n3A_266, %dma_wait3A_1367] : memref<2x32x8x128xi32, #tpu.memory_space<vmem_shared>> -> memref<1x1x1x128xi32, #tpu.memory_space<vmem_shared>>
    %dma_wait3A_1369 = tpu.memref_squeeze %dma_wait3A_1368 : memref<1x1x1x128xi32, #tpu.memory_space<vmem_shared>> -> memref<128xi32, #tpu.memory_space<vmem_shared>>
    %dma_wait3A_1370 = arith.constant 256 : i32
    %dma_wait3A_1371 = tpu.memref_slice %arg9[%dma_wait3A_1370] : memref<4096xi32, #tpu.memory_space<vmem>> -> memref<128xi32, #tpu.memory_space<vmem>>
    tpu.wait_dma2 semaphore(%arg13 : memref<!tpu.dma_semaphore, #tpu.memory_space<semaphore_mem>>) src(%dma_wait3A_1371 : memref<128xi32, #tpu.memory_space<vmem>>) dst(%dma_wait3A_1369 : memref<128xi32, #tpu.memory_space<vmem_shared>>)
    %dma_wait3A_1372 = arith.constant 3 : i32
    %dma_wait3A_1373 = arith.constant 384 : i32
    %dma_wait3A_1374 = tpu.memref_slice %arg9[%dma_wait3A_1373] : memref<4096xi32, #tpu.memory_space<vmem>> -> memref<128xi32, #tpu.memory_space<vmem>>
    %dma_wait3A_1375 = arith.constant 0 : i32
    %dma_wait3A_1376 = tpu.memref_slice %arg6[%select_n3A_250, %dma_wait3A_1372, %select_n3A_266, %dma_wait3A_1375] : memref<2x32x8x128xi32, #tpu.memory_space<vmem_shared>> -> memref<1x1x1x128xi32, #tpu.memory_space<vmem_shared>>
    %dma_wait3A_1377 = tpu.memref_squeeze %dma_wait3A_1376 : memref<1x1x1x128xi32, #tpu.memory_space<vmem_shared>> -> memref<128xi32, #tpu.memory_space<vmem_shared>>
    %dma_wait3A_1378 = arith.constant 0 : i32
    %dma_wait3A_1379 = tpu.memref_slice %arg6[%select_n3A_250, %dma_wait3A_1372, %select_n3A_266, %dma_wait3A_1378] : memref<2x32x8x128xi32, #tpu.memory_space<vmem_shared>> -> memref<1x1x1x128xi32, #tpu.memory_space<vmem_shared>>
    %dma_wait3A_1380 = tpu.memref_squeeze %dma_wait3A_1379 : memref<1x1x1x128xi32, #tpu.memory_space<vmem_shared>> -> memref<128xi32, #tpu.memory_space<vmem_shared>>
    %dma_wait3A_1381 = arith.constant 384 : i32
    %dma_wait3A_1382 = tpu.memref_slice %arg9[%dma_wait3A_1381] : memref<4096xi32, #tpu.memory_space<vmem>> -> memref<128xi32, #tpu.memory_space<vmem>>
    tpu.wait_dma2 semaphore(%arg13 : memref<!tpu.dma_semaphore, #tpu.memory_space<semaphore_mem>>) src(%dma_wait3A_1382 : memref<128xi32, #tpu.memory_space<vmem>>) dst(%dma_wait3A_1380 : memref<128xi32, #tpu.memory_space<vmem_shared>>)
    %dma_wait3A_1383 = arith.constant 4 : i32
    %dma_wait3A_1384 = arith.constant 512 : i32
    %dma_wait3A_1385 = tpu.memref_slice %arg9[%dma_wait3A_1384] : memref<4096xi32, #tpu.memory_space<vmem>> -> memref<128xi32, #tpu.memory_space<vmem>>
    %dma_wait3A_1386 = arith.constant 0 : i32
    %dma_wait3A_1387 = tpu.memref_slice %arg6[%select_n3A_250, %dma_wait3A_1383, %select_n3A_266, %dma_wait3A_1386] : memref<2x32x8x128xi32, #tpu.memory_space<vmem_shared>> -> memref<1x1x1x128xi32, #tpu.memory_space<vmem_shared>>
    %dma_wait3A_1388 = tpu.memref_squeeze %dma_wait3A_1387 : memref<1x1x1x128xi32, #tpu.memory_space<vmem_shared>> -> memref<128xi32, #tpu.memory_space<vmem_shared>>
    %dma_wait3A_1389 = arith.constant 0 : i32
    %dma_wait3A_1390 = tpu.memref_slice %arg6[%select_n3A_250, %dma_wait3A_1383, %select_n3A_266, %dma_wait3A_1389] : memref<2x32x8x128xi32, #tpu.memory_space<vmem_shared>> -> memref<1x1x1x128xi32, #tpu.memory_space<vmem_shared>>
    %dma_wait3A_1391 = tpu.memref_squeeze %dma_wait3A_1390 : memref<1x1x1x128xi32, #tpu.memory_space<vmem_shared>> -> memref<128xi32, #tpu.memory_space<vmem_shared>>
    %dma_wait3A_1392 = arith.constant 512 : i32
    %dma_wait3A_1393 = tpu.memref_slice %arg9[%dma_wait3A_1392] : memref<4096xi32, #tpu.memory_space<vmem>> -> memref<128xi32, #tpu.memory_space<vmem>>
    tpu.wait_dma2 semaphore(%arg13 : memref<!tpu.dma_semaphore, #tpu.memory_space<semaphore_mem>>) src(%dma_wait3A_1393 : memref<128xi32, #tpu.memory_space<vmem>>) dst(%dma_wait3A_1391 : memref<128xi32, #tpu.memory_space<vmem_shared>>)
    %dma_wait3A_1394 = arith.constant 5 : i32
    %dma_wait3A_1395 = arith.constant 640 : i32
    %dma_wait3A_1396 = tpu.memref_slice %arg9[%dma_wait3A_1395] : memref<4096xi32, #tpu.memory_space<vmem>> -> memref<128xi32, #tpu.memory_space<vmem>>
    %dma_wait3A_1397 = arith.constant 0 : i32
    %dma_wait3A_1398 = tpu.memref_slice %arg6[%select_n3A_250, %dma_wait3A_1394, %select_n3A_266, %dma_wait3A_1397] : memref<2x32x8x128xi32, #tpu.memory_space<vmem_shared>> -> memref<1x1x1x128xi32, #tpu.memory_space<vmem_shared>>
    %dma_wait3A_1399 = tpu.memref_squeeze %dma_wait3A_1398 : memref<1x1x1x128xi32, #tpu.memory_space<vmem_shared>> -> memref<128xi32, #tpu.memory_space<vmem_shared>>
    %dma_wait3A_1400 = arith.constant 0 : i32
    %dma_wait3A_1401 = tpu.memref_slice %arg6[%select_n3A_250, %dma_wait3A_1394, %select_n3A_266, %dma_wait3A_1400] : memref<2x32x8x128xi32, #tpu.memory_space<vmem_shared>> -> memref<1x1x1x128xi32, #tpu.memory_space<vmem_shared>>
    %dma_wait3A_1402 = tpu.memref_squeeze %dma_wait3A_1401 : memref<1x1x1x128xi32, #tpu.memory_space<vmem_shared>> -> memref<128xi32, #tpu.memory_space<vmem_shared>>
    %dma_wait3A_1403 = arith.constant 640 : i32
    %dma_wait3A_1404 = tpu.memref_slice %arg9[%dma_wait3A_1403] : memref<4096xi32, #tpu.memory_space<vmem>> -> memref<128xi32, #tpu.memory_space<vmem>>
    tpu.wait_dma2 semaphore(%arg13 : memref<!tpu.dma_semaphore, #tpu.memory_space<semaphore_mem>>) src(%dma_wait3A_1404 : memref<128xi32, #tpu.memory_space<vmem>>) dst(%dma_wait3A_1402 : memref<128xi32, #tpu.memory_space<vmem_shared>>)
    %dma_wait3A_1405 = arith.constant 6 : i32
    %dma_wait3A_1406 = arith.constant 768 : i32
    %dma_wait3A_1407 = tpu.memref_slice %arg9[%dma_wait3A_1406] : memref<4096xi32, #tpu.memory_space<vmem>> -> memref<128xi32, #tpu.memory_space<vmem>>
    %dma_wait3A_1408 = arith.constant 0 : i32
    %dma_wait3A_1409 = tpu.memref_slice %arg6[%select_n3A_250, %dma_wait3A_1405, %select_n3A_266, %dma_wait3A_1408] : memref<2x32x8x128xi32, #tpu.memory_space<vmem_shared>> -> memref<1x1x1x128xi32, #tpu.memory_space<vmem_shared>>
    %dma_wait3A_1410 = tpu.memref_squeeze %dma_wait3A_1409 : memref<1x1x1x128xi32, #tpu.memory_space<vmem_shared>> -> memref<128xi32, #tpu.memory_space<vmem_shared>>
    %dma_wait3A_1411 = arith.constant 0 : i32
    %dma_wait3A_1412 = tpu.memref_slice %arg6[%select_n3A_250, %dma_wait3A_1405, %select_n3A_266, %dma_wait3A_1411] : memref<2x32x8x128xi32, #tpu.memory_space<vmem_shared>> -> memref<1x1x1x128xi32, #tpu.memory_space<vmem_shared>>
    %dma_wait3A_1413 = tpu.memref_squeeze %dma_wait3A_1412 : memref<1x1x1x128xi32, #tpu.memory_space<vmem_shared>> -> memref<128xi32, #tpu.memory_space<vmem_shared>>
    %dma_wait3A_1414 = arith.constant 768 : i32
    %dma_wait3A_1415 = tpu.memref_slice %arg9[%dma_wait3A_1414] : memref<4096xi32, #tpu.memory_space<vmem>> -> memref<128xi32, #tpu.memory_space<vmem>>
    tpu.wait_dma2 semaphore(%arg13 : memref<!tpu.dma_semaphore, #tpu.memory_space<semaphore_mem>>) src(%dma_wait3A_1415 : memref<128xi32, #tpu.memory_space<vmem>>) dst(%dma_wait3A_1413 : memref<128xi32, #tpu.memory_space<vmem_shared>>)
    %dma_wait3A_1416 = arith.constant 7 : i32
    %dma_wait3A_1417 = arith.constant 896 : i32
    %dma_wait3A_1418 = tpu.memref_slice %arg9[%dma_wait3A_1417] : memref<4096xi32, #tpu.memory_space<vmem>> -> memref<128xi32, #tpu.memory_space<vmem>>
    %dma_wait3A_1419 = arith.constant 0 : i32
    %dma_wait3A_1420 = tpu.memref_slice %arg6[%select_n3A_250, %dma_wait3A_1416, %select_n3A_266, %dma_wait3A_1419] : memref<2x32x8x128xi32, #tpu.memory_space<vmem_shared>> -> memref<1x1x1x128xi32, #tpu.memory_space<vmem_shared>>
    %dma_wait3A_1421 = tpu.memref_squeeze %dma_wait3A_1420 : memref<1x1x1x128xi32, #tpu.memory_space<vmem_shared>> -> memref<128xi32, #tpu.memory_space<vmem_shared>>
    %dma_wait3A_1422 = arith.constant 0 : i32
    %dma_wait3A_1423 = tpu.memref_slice %arg6[%select_n3A_250, %dma_wait3A_1416, %select_n3A_266, %dma_wait3A_1422] : memref<2x32x8x128xi32, #tpu.memory_space<vmem_shared>> -> memref<1x1x1x128xi32, #tpu.memory_space<vmem_shared>>
    %dma_wait3A_1424 = tpu.memref_squeeze %dma_wait3A_1423 : memref<1x1x1x128xi32, #tpu.memory_space<vmem_shared>> -> memref<128xi32, #tpu.memory_space<vmem_shared>>
    %dma_wait3A_1425 = arith.constant 896 : i32
    %dma_wait3A_1426 = tpu.memref_slice %arg9[%dma_wait3A_1425] : memref<4096xi32, #tpu.memory_space<vmem>> -> memref<128xi32, #tpu.memory_space<vmem>>
    tpu.wait_dma2 semaphore(%arg13 : memref<!tpu.dma_semaphore, #tpu.memory_space<semaphore_mem>>) src(%dma_wait3A_1426 : memref<128xi32, #tpu.memory_space<vmem>>) dst(%dma_wait3A_1424 : memref<128xi32, #tpu.memory_space<vmem_shared>>)
    %dma_wait3A_1427 = arith.constant 8 : i32
    %dma_wait3A_1428 = arith.constant 1024 : i32
    %dma_wait3A_1429 = tpu.memref_slice %arg9[%dma_wait3A_1428] : memref<4096xi32, #tpu.memory_space<vmem>> -> memref<128xi32, #tpu.memory_space<vmem>>
    %dma_wait3A_1430 = arith.constant 0 : i32
    %dma_wait3A_1431 = tpu.memref_slice %arg6[%select_n3A_250, %dma_wait3A_1427, %select_n3A_266, %dma_wait3A_1430] : memref<2x32x8x128xi32, #tpu.memory_space<vmem_shared>> -> memref<1x1x1x128xi32, #tpu.memory_space<vmem_shared>>
    %dma_wait3A_1432 = tpu.memref_squeeze %dma_wait3A_1431 : memref<1x1x1x128xi32, #tpu.memory_space<vmem_shared>> -> memref<128xi32, #tpu.memory_space<vmem_shared>>
    %dma_wait3A_1433 = arith.constant 0 : i32
    %dma_wait3A_1434 = tpu.memref_slice %arg6[%select_n3A_250, %dma_wait3A_1427, %select_n3A_266, %dma_wait3A_1433] : memref<2x32x8x128xi32, #tpu.memory_space<vmem_shared>> -> memref<1x1x1x128xi32, #tpu.memory_space<vmem_shared>>
    %dma_wait3A_1435 = tpu.memref_squeeze %dma_wait3A_1434 : memref<1x1x1x128xi32, #tpu.memory_space<vmem_shared>> -> memref<128xi32, #tpu.memory_space<vmem_shared>>
    %dma_wait3A_1436 = arith.constant 1024 : i32
    %dma_wait3A_1437 = tpu.memref_slice %arg9[%dma_wait3A_1436] : memref<4096xi32, #tpu.memory_space<vmem>> -> memref<128xi32, #tpu.memory_space<vmem>>
    tpu.wait_dma2 semaphore(%arg13 : memref<!tpu.dma_semaphore, #tpu.memory_space<semaphore_mem>>) src(%dma_wait3A_1437 : memref<128xi32, #tpu.memory_space<vmem>>) dst(%dma_wait3A_1435 : memref<128xi32, #tpu.memory_space<vmem_shared>>)
    %dma_wait3A_1438 = arith.constant 9 : i32
    %dma_wait3A_1439 = arith.constant 1152 : i32
    %dma_wait3A_1440 = tpu.memref_slice %arg9[%dma_wait3A_1439] : memref<4096xi32, #tpu.memory_space<vmem>> -> memref<128xi32, #tpu.memory_space<vmem>>
    %dma_wait3A_1441 = arith.constant 0 : i32
    %dma_wait3A_1442 = tpu.memref_slice %arg6[%select_n3A_250, %dma_wait3A_1438, %select_n3A_266, %dma_wait3A_1441] : memref<2x32x8x128xi32, #tpu.memory_space<vmem_shared>> -> memref<1x1x1x128xi32, #tpu.memory_space<vmem_shared>>
    %dma_wait3A_1443 = tpu.memref_squeeze %dma_wait3A_1442 : memref<1x1x1x128xi32, #tpu.memory_space<vmem_shared>> -> memref<128xi32, #tpu.memory_space<vmem_shared>>
    %dma_wait3A_1444 = arith.constant 0 : i32
    %dma_wait3A_1445 = tpu.memref_slice %arg6[%select_n3A_250, %dma_wait3A_1438, %select_n3A_266, %dma_wait3A_1444] : memref<2x32x8x128xi32, #tpu.memory_space<vmem_shared>> -> memref<1x1x1x128xi32, #tpu.memory_space<vmem_shared>>
    %dma_wait3A_1446 = tpu.memref_squeeze %dma_wait3A_1445 : memref<1x1x1x128xi32, #tpu.memory_space<vmem_shared>> -> memref<128xi32, #tpu.memory_space<vmem_shared>>
    %dma_wait3A_1447 = arith.constant 1152 : i32
    %dma_wait3A_1448 = tpu.memref_slice %arg9[%dma_wait3A_1447] : memref<4096xi32, #tpu.memory_space<vmem>> -> memref<128xi32, #tpu.memory_space<vmem>>
    tpu.wait_dma2 semaphore(%arg13 : memref<!tpu.dma_semaphore, #tpu.memory_space<semaphore_mem>>) src(%dma_wait3A_1448 : memref<128xi32, #tpu.memory_space<vmem>>) dst(%dma_wait3A_1446 : memref<128xi32, #tpu.memory_space<vmem_shared>>)
    %dma_wait3A_1449 = arith.constant 10 : i32
    %dma_wait3A_1450 = arith.constant 1280 : i32
    %dma_wait3A_1451 = tpu.memref_slice %arg9[%dma_wait3A_1450] : memref<4096xi32, #tpu.memory_space<vmem>> -> memref<128xi32, #tpu.memory_space<vmem>>
    %dma_wait3A_1452 = arith.constant 0 : i32
    %dma_wait3A_1453 = tpu.memref_slice %arg6[%select_n3A_250, %dma_wait3A_1449, %select_n3A_266, %dma_wait3A_1452] : memref<2x32x8x128xi32, #tpu.memory_space<vmem_shared>> -> memref<1x1x1x128xi32, #tpu.memory_space<vmem_shared>>
    %dma_wait3A_1454 = tpu.memref_squeeze %dma_wait3A_1453 : memref<1x1x1x128xi32, #tpu.memory_space<vmem_shared>> -> memref<128xi32, #tpu.memory_space<vmem_shared>>
    %dma_wait3A_1455 = arith.constant 0 : i32
    %dma_wait3A_1456 = tpu.memref_slice %arg6[%select_n3A_250, %dma_wait3A_1449, %select_n3A_266, %dma_wait3A_1455] : memref<2x32x8x128xi32, #tpu.memory_space<vmem_shared>> -> memref<1x1x1x128xi32, #tpu.memory_space<vmem_shared>>
    %dma_wait3A_1457 = tpu.memref_squeeze %dma_wait3A_1456 : memref<1x1x1x128xi32, #tpu.memory_space<vmem_shared>> -> memref<128xi32, #tpu.memory_space<vmem_shared>>
    %dma_wait3A_1458 = arith.constant 1280 : i32
    %dma_wait3A_1459 = tpu.memref_slice %arg9[%dma_wait3A_1458] : memref<4096xi32, #tpu.memory_space<vmem>> -> memref<128xi32, #tpu.memory_space<vmem>>
    tpu.wait_dma2 semaphore(%arg13 : memref<!tpu.dma_semaphore, #tpu.memory_space<semaphore_mem>>) src(%dma_wait3A_1459 : memref<128xi32, #tpu.memory_space<vmem>>) dst(%dma_wait3A_1457 : memref<128xi32, #tpu.memory_space<vmem_shared>>)
    %dma_wait3A_1460 = arith.constant 11 : i32
    %dma_wait3A_1461 = arith.constant 1408 : i32
    %dma_wait3A_1462 = tpu.memref_slice %arg9[%dma_wait3A_1461] : memref<4096xi32, #tpu.memory_space<vmem>> -> memref<128xi32, #tpu.memory_space<vmem>>
    %dma_wait3A_1463 = arith.constant 0 : i32
    %dma_wait3A_1464 = tpu.memref_slice %arg6[%select_n3A_250, %dma_wait3A_1460, %select_n3A_266, %dma_wait3A_1463] : memref<2x32x8x128xi32, #tpu.memory_space<vmem_shared>> -> memref<1x1x1x128xi32, #tpu.memory_space<vmem_shared>>
    %dma_wait3A_1465 = tpu.memref_squeeze %dma_wait3A_1464 : memref<1x1x1x128xi32, #tpu.memory_space<vmem_shared>> -> memref<128xi32, #tpu.memory_space<vmem_shared>>
    %dma_wait3A_1466 = arith.constant 0 : i32
    %dma_wait3A_1467 = tpu.memref_slice %arg6[%select_n3A_250, %dma_wait3A_1460, %select_n3A_266, %dma_wait3A_1466] : memref<2x32x8x128xi32, #tpu.memory_space<vmem_shared>> -> memref<1x1x1x128xi32, #tpu.memory_space<vmem_shared>>
    %dma_wait3A_1468 = tpu.memref_squeeze %dma_wait3A_1467 : memref<1x1x1x128xi32, #tpu.memory_space<vmem_shared>> -> memref<128xi32, #tpu.memory_space<vmem_shared>>
    %dma_wait3A_1469 = arith.constant 1408 : i32
    %dma_wait3A_1470 = tpu.memref_slice %arg9[%dma_wait3A_1469] : memref<4096xi32, #tpu.memory_space<vmem>> -> memref<128xi32, #tpu.memory_space<vmem>>
    tpu.wait_dma2 semaphore(%arg13 : memref<!tpu.dma_semaphore, #tpu.memory_space<semaphore_mem>>) src(%dma_wait3A_1470 : memref<128xi32, #tpu.memory_space<vmem>>) dst(%dma_wait3A_1468 : memref<128xi32, #tpu.memory_space<vmem_shared>>)
    %dma_wait3A_1471 = arith.constant 12 : i32
    %dma_wait3A_1472 = arith.constant 1536 : i32
    %dma_wait3A_1473 = tpu.memref_slice %arg9[%dma_wait3A_1472] : memref<4096xi32, #tpu.memory_space<vmem>> -> memref<128xi32, #tpu.memory_space<vmem>>
    %dma_wait3A_1474 = arith.constant 0 : i32
    %dma_wait3A_1475 = tpu.memref_slice %arg6[%select_n3A_250, %dma_wait3A_1471, %select_n3A_266, %dma_wait3A_1474] : memref<2x32x8x128xi32, #tpu.memory_space<vmem_shared>> -> memref<1x1x1x128xi32, #tpu.memory_space<vmem_shared>>
    %dma_wait3A_1476 = tpu.memref_squeeze %dma_wait3A_1475 : memref<1x1x1x128xi32, #tpu.memory_space<vmem_shared>> -> memref<128xi32, #tpu.memory_space<vmem_shared>>
    %dma_wait3A_1477 = arith.constant 0 : i32
    %dma_wait3A_1478 = tpu.memref_slice %arg6[%select_n3A_250, %dma_wait3A_1471, %select_n3A_266, %dma_wait3A_1477] : memref<2x32x8x128xi32, #tpu.memory_space<vmem_shared>> -> memref<1x1x1x128xi32, #tpu.memory_space<vmem_shared>>
    %dma_wait3A_1479 = tpu.memref_squeeze %dma_wait3A_1478 : memref<1x1x1x128xi32, #tpu.memory_space<vmem_shared>> -> memref<128xi32, #tpu.memory_space<vmem_shared>>
    %dma_wait3A_1480 = arith.constant 1536 : i32
    %dma_wait3A_1481 = tpu.memref_slice %arg9[%dma_wait3A_1480] : memref<4096xi32, #tpu.memory_space<vmem>> -> memref<128xi32, #tpu.memory_space<vmem>>
    tpu.wait_dma2 semaphore(%arg13 : memref<!tpu.dma_semaphore, #tpu.memory_space<semaphore_mem>>) src(%dma_wait3A_1481 : memref<128xi32, #tpu.memory_space<vmem>>) dst(%dma_wait3A_1479 : memref<128xi32, #tpu.memory_space<vmem_shared>>)
    %dma_wait3A_1482 = arith.constant 13 : i32
    %dma_wait3A_1483 = arith.constant 1664 : i32
    %dma_wait3A_1484 = tpu.memref_slice %arg9[%dma_wait3A_1483] : memref<4096xi32, #tpu.memory_space<vmem>> -> memref<128xi32, #tpu.memory_space<vmem>>
    %dma_wait3A_1485 = arith.constant 0 : i32
    %dma_wait3A_1486 = tpu.memref_slice %arg6[%select_n3A_250, %dma_wait3A_1482, %select_n3A_266, %dma_wait3A_1485] : memref<2x32x8x128xi32, #tpu.memory_space<vmem_shared>> -> memref<1x1x1x128xi32, #tpu.memory_space<vmem_shared>>
    %dma_wait3A_1487 = tpu.memref_squeeze %dma_wait3A_1486 : memref<1x1x1x128xi32, #tpu.memory_space<vmem_shared>> -> memref<128xi32, #tpu.memory_space<vmem_shared>>
    %dma_wait3A_1488 = arith.constant 0 : i32
    %dma_wait3A_1489 = tpu.memref_slice %arg6[%select_n3A_250, %dma_wait3A_1482, %select_n3A_266, %dma_wait3A_1488] : memref<2x32x8x128xi32, #tpu.memory_space<vmem_shared>> -> memref<1x1x1x128xi32, #tpu.memory_space<vmem_shared>>
    %dma_wait3A_1490 = tpu.memref_squeeze %dma_wait3A_1489 : memref<1x1x1x128xi32, #tpu.memory_space<vmem_shared>> -> memref<128xi32, #tpu.memory_space<vmem_shared>>
    %dma_wait3A_1491 = arith.constant 1664 : i32
    %dma_wait3A_1492 = tpu.memref_slice %arg9[%dma_wait3A_1491] : memref<4096xi32, #tpu.memory_space<vmem>> -> memref<128xi32, #tpu.memory_space<vmem>>
    tpu.wait_dma2 semaphore(%arg13 : memref<!tpu.dma_semaphore, #tpu.memory_space<semaphore_mem>>) src(%dma_wait3A_1492 : memref<128xi32, #tpu.memory_space<vmem>>) dst(%dma_wait3A_1490 : memref<128xi32, #tpu.memory_space<vmem_shared>>)
    %dma_wait3A_1493 = arith.constant 14 : i32
    %dma_wait3A_1494 = arith.constant 1792 : i32
    %dma_wait3A_1495 = tpu.memref_slice %arg9[%dma_wait3A_1494] : memref<4096xi32, #tpu.memory_space<vmem>> -> memref<128xi32, #tpu.memory_space<vmem>>
    %dma_wait3A_1496 = arith.constant 0 : i32
    %dma_wait3A_1497 = tpu.memref_slice %arg6[%select_n3A_250, %dma_wait3A_1493, %select_n3A_266, %dma_wait3A_1496] : memref<2x32x8x128xi32, #tpu.memory_space<vmem_shared>> -> memref<1x1x1x128xi32, #tpu.memory_space<vmem_shared>>
    %dma_wait3A_1498 = tpu.memref_squeeze %dma_wait3A_1497 : memref<1x1x1x128xi32, #tpu.memory_space<vmem_shared>> -> memref<128xi32, #tpu.memory_space<vmem_shared>>
    %dma_wait3A_1499 = arith.constant 0 : i32
    %dma_wait3A_1500 = tpu.memref_slice %arg6[%select_n3A_250, %dma_wait3A_1493, %select_n3A_266, %dma_wait3A_1499] : memref<2x32x8x128xi32, #tpu.memory_space<vmem_shared>> -> memref<1x1x1x128xi32, #tpu.memory_space<vmem_shared>>
    %dma_wait3A_1501 = tpu.memref_squeeze %dma_wait3A_1500 : memref<1x1x1x128xi32, #tpu.memory_space<vmem_shared>> -> memref<128xi32, #tpu.memory_space<vmem_shared>>
    %dma_wait3A_1502 = arith.constant 1792 : i32
    %dma_wait3A_1503 = tpu.memref_slice %arg9[%dma_wait3A_1502] : memref<4096xi32, #tpu.memory_space<vmem>> -> memref<128xi32, #tpu.memory_space<vmem>>
    tpu.wait_dma2 semaphore(%arg13 : memref<!tpu.dma_semaphore, #tpu.memory_space<semaphore_mem>>) src(%dma_wait3A_1503 : memref<128xi32, #tpu.memory_space<vmem>>) dst(%dma_wait3A_1501 : memref<128xi32, #tpu.memory_space<vmem_shared>>)
    %dma_wait3A_1504 = arith.constant 15 : i32
    %dma_wait3A_1505 = arith.constant 1920 : i32
    %dma_wait3A_1506 = tpu.memref_slice %arg9[%dma_wait3A_1505] : memref<4096xi32, #tpu.memory_space<vmem>> -> memref<128xi32, #tpu.memory_space<vmem>>
    %dma_wait3A_1507 = arith.constant 0 : i32
    %dma_wait3A_1508 = tpu.memref_slice %arg6[%select_n3A_250, %dma_wait3A_1504, %select_n3A_266, %dma_wait3A_1507] : memref<2x32x8x128xi32, #tpu.memory_space<vmem_shared>> -> memref<1x1x1x128xi32, #tpu.memory_space<vmem_shared>>
    %dma_wait3A_1509 = tpu.memref_squeeze %dma_wait3A_1508 : memref<1x1x1x128xi32, #tpu.memory_space<vmem_shared>> -> memref<128xi32, #tpu.memory_space<vmem_shared>>
    %dma_wait3A_1510 = arith.constant 0 : i32
    %dma_wait3A_1511 = tpu.memref_slice %arg6[%select_n3A_250, %dma_wait3A_1504, %select_n3A_266, %dma_wait3A_1510] : memref<2x32x8x128xi32, #tpu.memory_space<vmem_shared>> -> memref<1x1x1x128xi32, #tpu.memory_space<vmem_shared>>
    %dma_wait3A_1512 = tpu.memref_squeeze %dma_wait3A_1511 : memref<1x1x1x128xi32, #tpu.memory_space<vmem_shared>> -> memref<128xi32, #tpu.memory_space<vmem_shared>>
    %dma_wait3A_1513 = arith.constant 1920 : i32
    %dma_wait3A_1514 = tpu.memref_slice %arg9[%dma_wait3A_1513] : memref<4096xi32, #tpu.memory_space<vmem>> -> memref<128xi32, #tpu.memory_space<vmem>>
    tpu.wait_dma2 semaphore(%arg13 : memref<!tpu.dma_semaphore, #tpu.memory_space<semaphore_mem>>) src(%dma_wait3A_1514 : memref<128xi32, #tpu.memory_space<vmem>>) dst(%dma_wait3A_1512 : memref<128xi32, #tpu.memory_space<vmem_shared>>)
    %dma_wait3A_1515 = arith.constant 16 : i32
    %dma_wait3A_1516 = arith.constant 2048 : i32
    %dma_wait3A_1517 = tpu.memref_slice %arg9[%dma_wait3A_1516] : memref<4096xi32, #tpu.memory_space<vmem>> -> memref<128xi32, #tpu.memory_space<vmem>>
    %dma_wait3A_1518 = arith.constant 0 : i32
    %dma_wait3A_1519 = tpu.memref_slice %arg6[%select_n3A_250, %dma_wait3A_1515, %select_n3A_266, %dma_wait3A_1518] : memref<2x32x8x128xi32, #tpu.memory_space<vmem_shared>> -> memref<1x1x1x128xi32, #tpu.memory_space<vmem_shared>>
    %dma_wait3A_1520 = tpu.memref_squeeze %dma_wait3A_1519 : memref<1x1x1x128xi32, #tpu.memory_space<vmem_shared>> -> memref<128xi32, #tpu.memory_space<vmem_shared>>
    %dma_wait3A_1521 = arith.constant 0 : i32
    %dma_wait3A_1522 = tpu.memref_slice %arg6[%select_n3A_250, %dma_wait3A_1515, %select_n3A_266, %dma_wait3A_1521] : memref<2x32x8x128xi32, #tpu.memory_space<vmem_shared>> -> memref<1x1x1x128xi32, #tpu.memory_space<vmem_shared>>
    %dma_wait3A_1523 = tpu.memref_squeeze %dma_wait3A_1522 : memref<1x1x1x128xi32, #tpu.memory_space<vmem_shared>> -> memref<128xi32, #tpu.memory_space<vmem_shared>>
    %dma_wait3A_1524 = arith.constant 2048 : i32
    %dma_wait3A_1525 = tpu.memref_slice %arg9[%dma_wait3A_1524] : memref<4096xi32, #tpu.memory_space<vmem>> -> memref<128xi32, #tpu.memory_space<vmem>>
    tpu.wait_dma2 semaphore(%arg13 : memref<!tpu.dma_semaphore, #tpu.memory_space<semaphore_mem>>) src(%dma_wait3A_1525 : memref<128xi32, #tpu.memory_space<vmem>>) dst(%dma_wait3A_1523 : memref<128xi32, #tpu.memory_space<vmem_shared>>)
    %dma_wait3A_1526 = arith.constant 17 : i32
    %dma_wait3A_1527 = arith.constant 2176 : i32
    %dma_wait3A_1528 = tpu.memref_slice %arg9[%dma_wait3A_1527] : memref<4096xi32, #tpu.memory_space<vmem>> -> memref<128xi32, #tpu.memory_space<vmem>>
    %dma_wait3A_1529 = arith.constant 0 : i32
    %dma_wait3A_1530 = tpu.memref_slice %arg6[%select_n3A_250, %dma_wait3A_1526, %select_n3A_266, %dma_wait3A_1529] : memref<2x32x8x128xi32, #tpu.memory_space<vmem_shared>> -> memref<1x1x1x128xi32, #tpu.memory_space<vmem_shared>>
    %dma_wait3A_1531 = tpu.memref_squeeze %dma_wait3A_1530 : memref<1x1x1x128xi32, #tpu.memory_space<vmem_shared>> -> memref<128xi32, #tpu.memory_space<vmem_shared>>
    %dma_wait3A_1532 = arith.constant 0 : i32
    %dma_wait3A_1533 = tpu.memref_slice %arg6[%select_n3A_250, %dma_wait3A_1526, %select_n3A_266, %dma_wait3A_1532] : memref<2x32x8x128xi32, #tpu.memory_space<vmem_shared>> -> memref<1x1x1x128xi32, #tpu.memory_space<vmem_shared>>
    %dma_wait3A_1534 = tpu.memref_squeeze %dma_wait3A_1533 : memref<1x1x1x128xi32, #tpu.memory_space<vmem_shared>> -> memref<128xi32, #tpu.memory_space<vmem_shared>>
    %dma_wait3A_1535 = arith.constant 2176 : i32
    %dma_wait3A_1536 = tpu.memref_slice %arg9[%dma_wait3A_1535] : memref<4096xi32, #tpu.memory_space<vmem>> -> memref<128xi32, #tpu.memory_space<vmem>>
    tpu.wait_dma2 semaphore(%arg13 : memref<!tpu.dma_semaphore, #tpu.memory_space<semaphore_mem>>) src(%dma_wait3A_1536 : memref<128xi32, #tpu.memory_space<vmem>>) dst(%dma_wait3A_1534 : memref<128xi32, #tpu.memory_space<vmem_shared>>)
    %dma_wait3A_1537 = arith.constant 18 : i32
    %dma_wait3A_1538 = arith.constant 2304 : i32
    %dma_wait3A_1539 = tpu.memref_slice %arg9[%dma_wait3A_1538] : memref<4096xi32, #tpu.memory_space<vmem>> -> memref<128xi32, #tpu.memory_space<vmem>>
    %dma_wait3A_1540 = arith.constant 0 : i32
    %dma_wait3A_1541 = tpu.memref_slice %arg6[%select_n3A_250, %dma_wait3A_1537, %select_n3A_266, %dma_wait3A_1540] : memref<2x32x8x128xi32, #tpu.memory_space<vmem_shared>> -> memref<1x1x1x128xi32, #tpu.memory_space<vmem_shared>>
    %dma_wait3A_1542 = tpu.memref_squeeze %dma_wait3A_1541 : memref<1x1x1x128xi32, #tpu.memory_space<vmem_shared>> -> memref<128xi32, #tpu.memory_space<vmem_shared>>
    %dma_wait3A_1543 = arith.constant 0 : i32
    %dma_wait3A_1544 = tpu.memref_slice %arg6[%select_n3A_250, %dma_wait3A_1537, %select_n3A_266, %dma_wait3A_1543] : memref<2x32x8x128xi32, #tpu.memory_space<vmem_shared>> -> memref<1x1x1x128xi32, #tpu.memory_space<vmem_shared>>
    %dma_wait3A_1545 = tpu.memref_squeeze %dma_wait3A_1544 : memref<1x1x1x128xi32, #tpu.memory_space<vmem_shared>> -> memref<128xi32, #tpu.memory_space<vmem_shared>>
    %dma_wait3A_1546 = arith.constant 2304 : i32
    %dma_wait3A_1547 = tpu.memref_slice %arg9[%dma_wait3A_1546] : memref<4096xi32, #tpu.memory_space<vmem>> -> memref<128xi32, #tpu.memory_space<vmem>>
    tpu.wait_dma2 semaphore(%arg13 : memref<!tpu.dma_semaphore, #tpu.memory_space<semaphore_mem>>) src(%dma_wait3A_1547 : memref<128xi32, #tpu.memory_space<vmem>>) dst(%dma_wait3A_1545 : memref<128xi32, #tpu.memory_space<vmem_shared>>)
    %dma_wait3A_1548 = arith.constant 19 : i32
    %dma_wait3A_1549 = arith.constant 2432 : i32
    %dma_wait3A_1550 = tpu.memref_slice %arg9[%dma_wait3A_1549] : memref<4096xi32, #tpu.memory_space<vmem>> -> memref<128xi32, #tpu.memory_space<vmem>>
    %dma_wait3A_1551 = arith.constant 0 : i32
    %dma_wait3A_1552 = tpu.memref_slice %arg6[%select_n3A_250, %dma_wait3A_1548, %select_n3A_266, %dma_wait3A_1551] : memref<2x32x8x128xi32, #tpu.memory_space<vmem_shared>> -> memref<1x1x1x128xi32, #tpu.memory_space<vmem_shared>>
    %dma_wait3A_1553 = tpu.memref_squeeze %dma_wait3A_1552 : memref<1x1x1x128xi32, #tpu.memory_space<vmem_shared>> -> memref<128xi32, #tpu.memory_space<vmem_shared>>
    %dma_wait3A_1554 = arith.constant 0 : i32
    %dma_wait3A_1555 = tpu.memref_slice %arg6[%select_n3A_250, %dma_wait3A_1548, %select_n3A_266, %dma_wait3A_1554] : memref<2x32x8x128xi32, #tpu.memory_space<vmem_shared>> -> memref<1x1x1x128xi32, #tpu.memory_space<vmem_shared>>
    %dma_wait3A_1556 = tpu.memref_squeeze %dma_wait3A_1555 : memref<1x1x1x128xi32, #tpu.memory_space<vmem_shared>> -> memref<128xi32, #tpu.memory_space<vmem_shared>>
    %dma_wait3A_1557 = arith.constant 2432 : i32
    %dma_wait3A_1558 = tpu.memref_slice %arg9[%dma_wait3A_1557] : memref<4096xi32, #tpu.memory_space<vmem>> -> memref<128xi32, #tpu.memory_space<vmem>>
    tpu.wait_dma2 semaphore(%arg13 : memref<!tpu.dma_semaphore, #tpu.memory_space<semaphore_mem>>) src(%dma_wait3A_1558 : memref<128xi32, #tpu.memory_space<vmem>>) dst(%dma_wait3A_1556 : memref<128xi32, #tpu.memory_space<vmem_shared>>)
    %dma_wait3A_1559 = arith.constant 20 : i32
    %dma_wait3A_1560 = arith.constant 2560 : i32
    %dma_wait3A_1561 = tpu.memref_slice %arg9[%dma_wait3A_1560] : memref<4096xi32, #tpu.memory_space<vmem>> -> memref<128xi32, #tpu.memory_space<vmem>>
    %dma_wait3A_1562 = arith.constant 0 : i32
    %dma_wait3A_1563 = tpu.memref_slice %arg6[%select_n3A_250, %dma_wait3A_1559, %select_n3A_266, %dma_wait3A_1562] : memref<2x32x8x128xi32, #tpu.memory_space<vmem_shared>> -> memref<1x1x1x128xi32, #tpu.memory_space<vmem_shared>>
    %dma_wait3A_1564 = tpu.memref_squeeze %dma_wait3A_1563 : memref<1x1x1x128xi32, #tpu.memory_space<vmem_shared>> -> memref<128xi32, #tpu.memory_space<vmem_shared>>
    %dma_wait3A_1565 = arith.constant 0 : i32
    %dma_wait3A_1566 = tpu.memref_slice %arg6[%select_n3A_250, %dma_wait3A_1559, %select_n3A_266, %dma_wait3A_1565] : memref<2x32x8x128xi32, #tpu.memory_space<vmem_shared>> -> memref<1x1x1x128xi32, #tpu.memory_space<vmem_shared>>
    %dma_wait3A_1567 = tpu.memref_squeeze %dma_wait3A_1566 : memref<1x1x1x128xi32, #tpu.memory_space<vmem_shared>> -> memref<128xi32, #tpu.memory_space<vmem_shared>>
    %dma_wait3A_1568 = arith.constant 2560 : i32
    %dma_wait3A_1569 = tpu.memref_slice %arg9[%dma_wait3A_1568] : memref<4096xi32, #tpu.memory_space<vmem>> -> memref<128xi32, #tpu.memory_space<vmem>>
    tpu.wait_dma2 semaphore(%arg13 : memref<!tpu.dma_semaphore, #tpu.memory_space<semaphore_mem>>) src(%dma_wait3A_1569 : memref<128xi32, #tpu.memory_space<vmem>>) dst(%dma_wait3A_1567 : memref<128xi32, #tpu.memory_space<vmem_shared>>)
    %dma_wait3A_1570 = arith.constant 21 : i32
    %dma_wait3A_1571 = arith.constant 2688 : i32
    %dma_wait3A_1572 = tpu.memref_slice %arg9[%dma_wait3A_1571] : memref<4096xi32, #tpu.memory_space<vmem>> -> memref<128xi32, #tpu.memory_space<vmem>>
    %dma_wait3A_1573 = arith.constant 0 : i32
    %dma_wait3A_1574 = tpu.memref_slice %arg6[%select_n3A_250, %dma_wait3A_1570, %select_n3A_266, %dma_wait3A_1573] : memref<2x32x8x128xi32, #tpu.memory_space<vmem_shared>> -> memref<1x1x1x128xi32, #tpu.memory_space<vmem_shared>>
    %dma_wait3A_1575 = tpu.memref_squeeze %dma_wait3A_1574 : memref<1x1x1x128xi32, #tpu.memory_space<vmem_shared>> -> memref<128xi32, #tpu.memory_space<vmem_shared>>
    %dma_wait3A_1576 = arith.constant 0 : i32
    %dma_wait3A_1577 = tpu.memref_slice %arg6[%select_n3A_250, %dma_wait3A_1570, %select_n3A_266, %dma_wait3A_1576] : memref<2x32x8x128xi32, #tpu.memory_space<vmem_shared>> -> memref<1x1x1x128xi32, #tpu.memory_space<vmem_shared>>
    %dma_wait3A_1578 = tpu.memref_squeeze %dma_wait3A_1577 : memref<1x1x1x128xi32, #tpu.memory_space<vmem_shared>> -> memref<128xi32, #tpu.memory_space<vmem_shared>>
    %dma_wait3A_1579 = arith.constant 2688 : i32
    %dma_wait3A_1580 = tpu.memref_slice %arg9[%dma_wait3A_1579] : memref<4096xi32, #tpu.memory_space<vmem>> -> memref<128xi32, #tpu.memory_space<vmem>>
    tpu.wait_dma2 semaphore(%arg13 : memref<!tpu.dma_semaphore, #tpu.memory_space<semaphore_mem>>) src(%dma_wait3A_1580 : memref<128xi32, #tpu.memory_space<vmem>>) dst(%dma_wait3A_1578 : memref<128xi32, #tpu.memory_space<vmem_shared>>)
    %dma_wait3A_1581 = arith.constant 22 : i32
    %dma_wait3A_1582 = arith.constant 2816 : i32
    %dma_wait3A_1583 = tpu.memref_slice %arg9[%dma_wait3A_1582] : memref<4096xi32, #tpu.memory_space<vmem>> -> memref<128xi32, #tpu.memory_space<vmem>>
    %dma_wait3A_1584 = arith.constant 0 : i32
    %dma_wait3A_1585 = tpu.memref_slice %arg6[%select_n3A_250, %dma_wait3A_1581, %select_n3A_266, %dma_wait3A_1584] : memref<2x32x8x128xi32, #tpu.memory_space<vmem_shared>> -> memref<1x1x1x128xi32, #tpu.memory_space<vmem_shared>>
    %dma_wait3A_1586 = tpu.memref_squeeze %dma_wait3A_1585 : memref<1x1x1x128xi32, #tpu.memory_space<vmem_shared>> -> memref<128xi32, #tpu.memory_space<vmem_shared>>
    %dma_wait3A_1587 = arith.constant 0 : i32
    %dma_wait3A_1588 = tpu.memref_slice %arg6[%select_n3A_250, %dma_wait3A_1581, %select_n3A_266, %dma_wait3A_1587] : memref<2x32x8x128xi32, #tpu.memory_space<vmem_shared>> -> memref<1x1x1x128xi32, #tpu.memory_space<vmem_shared>>
    %dma_wait3A_1589 = tpu.memref_squeeze %dma_wait3A_1588 : memref<1x1x1x128xi32, #tpu.memory_space<vmem_shared>> -> memref<128xi32, #tpu.memory_space<vmem_shared>>
    %dma_wait3A_1590 = arith.constant 2816 : i32
    %dma_wait3A_1591 = tpu.memref_slice %arg9[%dma_wait3A_1590] : memref<4096xi32, #tpu.memory_space<vmem>> -> memref<128xi32, #tpu.memory_space<vmem>>
    tpu.wait_dma2 semaphore(%arg13 : memref<!tpu.dma_semaphore, #tpu.memory_space<semaphore_mem>>) src(%dma_wait3A_1591 : memref<128xi32, #tpu.memory_space<vmem>>) dst(%dma_wait3A_1589 : memref<128xi32, #tpu.memory_space<vmem_shared>>)
    %dma_wait3A_1592 = arith.constant 23 : i32
    %dma_wait3A_1593 = arith.constant 2944 : i32
    %dma_wait3A_1594 = tpu.memref_slice %arg9[%dma_wait3A_1593] : memref<4096xi32, #tpu.memory_space<vmem>> -> memref<128xi32, #tpu.memory_space<vmem>>
    %dma_wait3A_1595 = arith.constant 0 : i32
    %dma_wait3A_1596 = tpu.memref_slice %arg6[%select_n3A_250, %dma_wait3A_1592, %select_n3A_266, %dma_wait3A_1595] : memref<2x32x8x128xi32, #tpu.memory_space<vmem_shared>> -> memref<1x1x1x128xi32, #tpu.memory_space<vmem_shared>>
    %dma_wait3A_1597 = tpu.memref_squeeze %dma_wait3A_1596 : memref<1x1x1x128xi32, #tpu.memory_space<vmem_shared>> -> memref<128xi32, #tpu.memory_space<vmem_shared>>
    %dma_wait3A_1598 = arith.constant 0 : i32
    %dma_wait3A_1599 = tpu.memref_slice %arg6[%select_n3A_250, %dma_wait3A_1592, %select_n3A_266, %dma_wait3A_1598] : memref<2x32x8x128xi32, #tpu.memory_space<vmem_shared>> -> memref<1x1x1x128xi32, #tpu.memory_space<vmem_shared>>
    %dma_wait3A_1600 = tpu.memref_squeeze %dma_wait3A_1599 : memref<1x1x1x128xi32, #tpu.memory_space<vmem_shared>> -> memref<128xi32, #tpu.memory_space<vmem_shared>>
    %dma_wait3A_1601 = arith.constant 2944 : i32
    %dma_wait3A_1602 = tpu.memref_slice %arg9[%dma_wait3A_1601] : memref<4096xi32, #tpu.memory_space<vmem>> -> memref<128xi32, #tpu.memory_space<vmem>>
    tpu.wait_dma2 semaphore(%arg13 : memref<!tpu.dma_semaphore, #tpu.memory_space<semaphore_mem>>) src(%dma_wait3A_1602 : memref<128xi32, #tpu.memory_space<vmem>>) dst(%dma_wait3A_1600 : memref<128xi32, #tpu.memory_space<vmem_shared>>)
    %dma_wait3A_1603 = arith.constant 24 : i32
    %dma_wait3A_1604 = arith.constant 3072 : i32
    %dma_wait3A_1605 = tpu.memref_slice %arg9[%dma_wait3A_1604] : memref<4096xi32, #tpu.memory_space<vmem>> -> memref<128xi32, #tpu.memory_space<vmem>>
    %dma_wait3A_1606 = arith.constant 0 : i32
    %dma_wait3A_1607 = tpu.memref_slice %arg6[%select_n3A_250, %dma_wait3A_1603, %select_n3A_266, %dma_wait3A_1606] : memref<2x32x8x128xi32, #tpu.memory_space<vmem_shared>> -> memref<1x1x1x128xi32, #tpu.memory_space<vmem_shared>>
    %dma_wait3A_1608 = tpu.memref_squeeze %dma_wait3A_1607 : memref<1x1x1x128xi32, #tpu.memory_space<vmem_shared>> -> memref<128xi32, #tpu.memory_space<vmem_shared>>
    %dma_wait3A_1609 = arith.constant 0 : i32
    %dma_wait3A_1610 = tpu.memref_slice %arg6[%select_n3A_250, %dma_wait3A_1603, %select_n3A_266, %dma_wait3A_1609] : memref<2x32x8x128xi32, #tpu.memory_space<vmem_shared>> -> memref<1x1x1x128xi32, #tpu.memory_space<vmem_shared>>
    %dma_wait3A_1611 = tpu.memref_squeeze %dma_wait3A_1610 : memref<1x1x1x128xi32, #tpu.memory_space<vmem_shared>> -> memref<128xi32, #tpu.memory_space<vmem_shared>>
    %dma_wait3A_1612 = arith.constant 3072 : i32
    %dma_wait3A_1613 = tpu.memref_slice %arg9[%dma_wait3A_1612] : memref<4096xi32, #tpu.memory_space<vmem>> -> memref<128xi32, #tpu.memory_space<vmem>>
    tpu.wait_dma2 semaphore(%arg13 : memref<!tpu.dma_semaphore, #tpu.memory_space<semaphore_mem>>) src(%dma_wait3A_1613 : memref<128xi32, #tpu.memory_space<vmem>>) dst(%dma_wait3A_1611 : memref<128xi32, #tpu.memory_space<vmem_shared>>)
    %dma_wait3A_1614 = arith.constant 25 : i32
    %dma_wait3A_1615 = arith.constant 3200 : i32
    %dma_wait3A_1616 = tpu.memref_slice %arg9[%dma_wait3A_1615] : memref<4096xi32, #tpu.memory_space<vmem>> -> memref<128xi32, #tpu.memory_space<vmem>>
    %dma_wait3A_1617 = arith.constant 0 : i32
    %dma_wait3A_1618 = tpu.memref_slice %arg6[%select_n3A_250, %dma_wait3A_1614, %select_n3A_266, %dma_wait3A_1617] : memref<2x32x8x128xi32, #tpu.memory_space<vmem_shared>> -> memref<1x1x1x128xi32, #tpu.memory_space<vmem_shared>>
    %dma_wait3A_1619 = tpu.memref_squeeze %dma_wait3A_1618 : memref<1x1x1x128xi32, #tpu.memory_space<vmem_shared>> -> memref<128xi32, #tpu.memory_space<vmem_shared>>
    %dma_wait3A_1620 = arith.constant 0 : i32
    %dma_wait3A_1621 = tpu.memref_slice %arg6[%select_n3A_250, %dma_wait3A_1614, %select_n3A_266, %dma_wait3A_1620] : memref<2x32x8x128xi32, #tpu.memory_space<vmem_shared>> -> memref<1x1x1x128xi32, #tpu.memory_space<vmem_shared>>
    %dma_wait3A_1622 = tpu.memref_squeeze %dma_wait3A_1621 : memref<1x1x1x128xi32, #tpu.memory_space<vmem_shared>> -> memref<128xi32, #tpu.memory_space<vmem_shared>>
    %dma_wait3A_1623 = arith.constant 3200 : i32
    %dma_wait3A_1624 = tpu.memref_slice %arg9[%dma_wait3A_1623] : memref<4096xi32, #tpu.memory_space<vmem>> -> memref<128xi32, #tpu.memory_space<vmem>>
    tpu.wait_dma2 semaphore(%arg13 : memref<!tpu.dma_semaphore, #tpu.memory_space<semaphore_mem>>) src(%dma_wait3A_1624 : memref<128xi32, #tpu.memory_space<vmem>>) dst(%dma_wait3A_1622 : memref<128xi32, #tpu.memory_space<vmem_shared>>)
    %dma_wait3A_1625 = arith.constant 26 : i32
    %dma_wait3A_1626 = arith.constant 3328 : i32
    %dma_wait3A_1627 = tpu.memref_slice %arg9[%dma_wait3A_1626] : memref<4096xi32, #tpu.memory_space<vmem>> -> memref<128xi32, #tpu.memory_space<vmem>>
    %dma_wait3A_1628 = arith.constant 0 : i32
    %dma_wait3A_1629 = tpu.memref_slice %arg6[%select_n3A_250, %dma_wait3A_1625, %select_n3A_266, %dma_wait3A_1628] : memref<2x32x8x128xi32, #tpu.memory_space<vmem_shared>> -> memref<1x1x1x128xi32, #tpu.memory_space<vmem_shared>>
    %dma_wait3A_1630 = tpu.memref_squeeze %dma_wait3A_1629 : memref<1x1x1x128xi32, #tpu.memory_space<vmem_shared>> -> memref<128xi32, #tpu.memory_space<vmem_shared>>
    %dma_wait3A_1631 = arith.constant 0 : i32
    %dma_wait3A_1632 = tpu.memref_slice %arg6[%select_n3A_250, %dma_wait3A_1625, %select_n3A_266, %dma_wait3A_1631] : memref<2x32x8x128xi32, #tpu.memory_space<vmem_shared>> -> memref<1x1x1x128xi32, #tpu.memory_space<vmem_shared>>
    %dma_wait3A_1633 = tpu.memref_squeeze %dma_wait3A_1632 : memref<1x1x1x128xi32, #tpu.memory_space<vmem_shared>> -> memref<128xi32, #tpu.memory_space<vmem_shared>>
    %dma_wait3A_1634 = arith.constant 3328 : i32
    %dma_wait3A_1635 = tpu.memref_slice %arg9[%dma_wait3A_1634] : memref<4096xi32, #tpu.memory_space<vmem>> -> memref<128xi32, #tpu.memory_space<vmem>>
    tpu.wait_dma2 semaphore(%arg13 : memref<!tpu.dma_semaphore, #tpu.memory_space<semaphore_mem>>) src(%dma_wait3A_1635 : memref<128xi32, #tpu.memory_space<vmem>>) dst(%dma_wait3A_1633 : memref<128xi32, #tpu.memory_space<vmem_shared>>)
    %dma_wait3A_1636 = arith.constant 27 : i32
    %dma_wait3A_1637 = arith.constant 3456 : i32
    %dma_wait3A_1638 = tpu.memref_slice %arg9[%dma_wait3A_1637] : memref<4096xi32, #tpu.memory_space<vmem>> -> memref<128xi32, #tpu.memory_space<vmem>>
    %dma_wait3A_1639 = arith.constant 0 : i32
    %dma_wait3A_1640 = tpu.memref_slice %arg6[%select_n3A_250, %dma_wait3A_1636, %select_n3A_266, %dma_wait3A_1639] : memref<2x32x8x128xi32, #tpu.memory_space<vmem_shared>> -> memref<1x1x1x128xi32, #tpu.memory_space<vmem_shared>>
    %dma_wait3A_1641 = tpu.memref_squeeze %dma_wait3A_1640 : memref<1x1x1x128xi32, #tpu.memory_space<vmem_shared>> -> memref<128xi32, #tpu.memory_space<vmem_shared>>
    %dma_wait3A_1642 = arith.constant 0 : i32
    %dma_wait3A_1643 = tpu.memref_slice %arg6[%select_n3A_250, %dma_wait3A_1636, %select_n3A_266, %dma_wait3A_1642] : memref<2x32x8x128xi32, #tpu.memory_space<vmem_shared>> -> memref<1x1x1x128xi32, #tpu.memory_space<vmem_shared>>
    %dma_wait3A_1644 = tpu.memref_squeeze %dma_wait3A_1643 : memref<1x1x1x128xi32, #tpu.memory_space<vmem_shared>> -> memref<128xi32, #tpu.memory_space<vmem_shared>>
    %dma_wait3A_1645 = arith.constant 3456 : i32
    %dma_wait3A_1646 = tpu.memref_slice %arg9[%dma_wait3A_1645] : memref<4096xi32, #tpu.memory_space<vmem>> -> memref<128xi32, #tpu.memory_space<vmem>>
    tpu.wait_dma2 semaphore(%arg13 : memref<!tpu.dma_semaphore, #tpu.memory_space<semaphore_mem>>) src(%dma_wait3A_1646 : memref<128xi32, #tpu.memory_space<vmem>>) dst(%dma_wait3A_1644 : memref<128xi32, #tpu.memory_space<vmem_shared>>)
    %dma_wait3A_1647 = arith.constant 28 : i32
    %dma_wait3A_1648 = arith.constant 3584 : i32
    %dma_wait3A_1649 = tpu.memref_slice %arg9[%dma_wait3A_1648] : memref<4096xi32, #tpu.memory_space<vmem>> -> memref<128xi32, #tpu.memory_space<vmem>>
    %dma_wait3A_1650 = arith.constant 0 : i32
    %dma_wait3A_1651 = tpu.memref_slice %arg6[%select_n3A_250, %dma_wait3A_1647, %select_n3A_266, %dma_wait3A_1650] : memref<2x32x8x128xi32, #tpu.memory_space<vmem_shared>> -> memref<1x1x1x128xi32, #tpu.memory_space<vmem_shared>>
    %dma_wait3A_1652 = tpu.memref_squeeze %dma_wait3A_1651 : memref<1x1x1x128xi32, #tpu.memory_space<vmem_shared>> -> memref<128xi32, #tpu.memory_space<vmem_shared>>
    %dma_wait3A_1653 = arith.constant 0 : i32
    %dma_wait3A_1654 = tpu.memref_slice %arg6[%select_n3A_250, %dma_wait3A_1647, %select_n3A_266, %dma_wait3A_1653] : memref<2x32x8x128xi32, #tpu.memory_space<vmem_shared>> -> memref<1x1x1x128xi32, #tpu.memory_space<vmem_shared>>
    %dma_wait3A_1655 = tpu.memref_squeeze %dma_wait3A_1654 : memref<1x1x1x128xi32, #tpu.memory_space<vmem_shared>> -> memref<128xi32, #tpu.memory_space<vmem_shared>>
    %dma_wait3A_1656 = arith.constant 3584 : i32
    %dma_wait3A_1657 = tpu.memref_slice %arg9[%dma_wait3A_1656] : memref<4096xi32, #tpu.memory_space<vmem>> -> memref<128xi32, #tpu.memory_space<vmem>>
    tpu.wait_dma2 semaphore(%arg13 : memref<!tpu.dma_semaphore, #tpu.memory_space<semaphore_mem>>) src(%dma_wait3A_1657 : memref<128xi32, #tpu.memory_space<vmem>>) dst(%dma_wait3A_1655 : memref<128xi32, #tpu.memory_space<vmem_shared>>)
    %dma_wait3A_1658 = arith.constant 29 : i32
    %dma_wait3A_1659 = arith.constant 3712 : i32
    %dma_wait3A_1660 = tpu.memref_slice %arg9[%dma_wait3A_1659] : memref<4096xi32, #tpu.memory_space<vmem>> -> memref<128xi32, #tpu.memory_space<vmem>>
    %dma_wait3A_1661 = arith.constant 0 : i32
    %dma_wait3A_1662 = tpu.memref_slice %arg6[%select_n3A_250, %dma_wait3A_1658, %select_n3A_266, %dma_wait3A_1661] : memref<2x32x8x128xi32, #tpu.memory_space<vmem_shared>> -> memref<1x1x1x128xi32, #tpu.memory_space<vmem_shared>>
    %dma_wait3A_1663 = tpu.memref_squeeze %dma_wait3A_1662 : memref<1x1x1x128xi32, #tpu.memory_space<vmem_shared>> -> memref<128xi32, #tpu.memory_space<vmem_shared>>
    %dma_wait3A_1664 = arith.constant 0 : i32
    %dma_wait3A_1665 = tpu.memref_slice %arg6[%select_n3A_250, %dma_wait3A_1658, %select_n3A_266, %dma_wait3A_1664] : memref<2x32x8x128xi32, #tpu.memory_space<vmem_shared>> -> memref<1x1x1x128xi32, #tpu.memory_space<vmem_shared>>
    %dma_wait3A_1666 = tpu.memref_squeeze %dma_wait3A_1665 : memref<1x1x1x128xi32, #tpu.memory_space<vmem_shared>> -> memref<128xi32, #tpu.memory_space<vmem_shared>>
    %dma_wait3A_1667 = arith.constant 3712 : i32
    %dma_wait3A_1668 = tpu.memref_slice %arg9[%dma_wait3A_1667] : memref<4096xi32, #tpu.memory_space<vmem>> -> memref<128xi32, #tpu.memory_space<vmem>>
    tpu.wait_dma2 semaphore(%arg13 : memref<!tpu.dma_semaphore, #tpu.memory_space<semaphore_mem>>) src(%dma_wait3A_1668 : memref<128xi32, #tpu.memory_space<vmem>>) dst(%dma_wait3A_1666 : memref<128xi32, #tpu.memory_space<vmem_shared>>)
    %dma_wait3A_1669 = arith.constant 30 : i32
    %dma_wait3A_1670 = arith.constant 3840 : i32
    %dma_wait3A_1671 = tpu.memref_slice %arg9[%dma_wait3A_1670] : memref<4096xi32, #tpu.memory_space<vmem>> -> memref<128xi32, #tpu.memory_space<vmem>>
    %dma_wait3A_1672 = arith.constant 0 : i32
    %dma_wait3A_1673 = tpu.memref_slice %arg6[%select_n3A_250, %dma_wait3A_1669, %select_n3A_266, %dma_wait3A_1672] : memref<2x32x8x128xi32, #tpu.memory_space<vmem_shared>> -> memref<1x1x1x128xi32, #tpu.memory_space<vmem_shared>>
    %dma_wait3A_1674 = tpu.memref_squeeze %dma_wait3A_1673 : memref<1x1x1x128xi32, #tpu.memory_space<vmem_shared>> -> memref<128xi32, #tpu.memory_space<vmem_shared>>
    %dma_wait3A_1675 = arith.constant 0 : i32
    %dma_wait3A_1676 = tpu.memref_slice %arg6[%select_n3A_250, %dma_wait3A_1669, %select_n3A_266, %dma_wait3A_1675] : memref<2x32x8x128xi32, #tpu.memory_space<vmem_shared>> -> memref<1x1x1x128xi32, #tpu.memory_space<vmem_shared>>
    %dma_wait3A_1677 = tpu.memref_squeeze %dma_wait3A_1676 : memref<1x1x1x128xi32, #tpu.memory_space<vmem_shared>> -> memref<128xi32, #tpu.memory_space<vmem_shared>>
    %dma_wait3A_1678 = arith.constant 3840 : i32
    %dma_wait3A_1679 = tpu.memref_slice %arg9[%dma_wait3A_1678] : memref<4096xi32, #tpu.memory_space<vmem>> -> memref<128xi32, #tpu.memory_space<vmem>>
    tpu.wait_dma2 semaphore(%arg13 : memref<!tpu.dma_semaphore, #tpu.memory_space<semaphore_mem>>) src(%dma_wait3A_1679 : memref<128xi32, #tpu.memory_space<vmem>>) dst(%dma_wait3A_1677 : memref<128xi32, #tpu.memory_space<vmem_shared>>)
    %dma_wait3A_1680 = arith.constant 31 : i32
    %dma_wait3A_1681 = arith.constant 3968 : i32
    %dma_wait3A_1682 = tpu.memref_slice %arg9[%dma_wait3A_1681] : memref<4096xi32, #tpu.memory_space<vmem>> -> memref<128xi32, #tpu.memory_space<vmem>>
    %dma_wait3A_1683 = arith.constant 0 : i32
    %dma_wait3A_1684 = tpu.memref_slice %arg6[%select_n3A_250, %dma_wait3A_1680, %select_n3A_266, %dma_wait3A_1683] : memref<2x32x8x128xi32, #tpu.memory_space<vmem_shared>> -> memref<1x1x1x128xi32, #tpu.memory_space<vmem_shared>>
    %dma_wait3A_1685 = tpu.memref_squeeze %dma_wait3A_1684 : memref<1x1x1x128xi32, #tpu.memory_space<vmem_shared>> -> memref<128xi32, #tpu.memory_space<vmem_shared>>
    %dma_wait3A_1686 = arith.constant 0 : i32
    %dma_wait3A_1687 = tpu.memref_slice %arg6[%select_n3A_250, %dma_wait3A_1680, %select_n3A_266, %dma_wait3A_1686] : memref<2x32x8x128xi32, #tpu.memory_space<vmem_shared>> -> memref<1x1x1x128xi32, #tpu.memory_space<vmem_shared>>
    %dma_wait3A_1688 = tpu.memref_squeeze %dma_wait3A_1687 : memref<1x1x1x128xi32, #tpu.memory_space<vmem_shared>> -> memref<128xi32, #tpu.memory_space<vmem_shared>>
    %dma_wait3A_1689 = arith.constant 3968 : i32
    %dma_wait3A_1690 = tpu.memref_slice %arg9[%dma_wait3A_1689] : memref<4096xi32, #tpu.memory_space<vmem>> -> memref<128xi32, #tpu.memory_space<vmem>>
    tpu.wait_dma2 semaphore(%arg13 : memref<!tpu.dma_semaphore, #tpu.memory_space<semaphore_mem>>) src(%dma_wait3A_1690 : memref<128xi32, #tpu.memory_space<vmem>>) dst(%dma_wait3A_1688 : memref<128xi32, #tpu.memory_space<vmem_shared>>)
    %barrier3A_1691 = arith.constant 0 : index
    tpu.barrier barrier_id(%barrier3A_1691)
    %mul3A_1692 = arith.constant 4 : i32
    %mul3A_1693 = arith.muli %arg1, %mul3A_1692 : i32
    %add3A_1694 = arith.constant 0 : i32
    %add3A_1695 = arith.addi %mul3A_1693, %add3A_1694 : i32
    %jit3A_1696 = arith.constant 32 : i32
    %div3A_1697 = arith.divsi %add3A_1695, %jit3A_1696 : i32
    %sign3A_1698 = arith.constant 0 : i32
    %sign3A_1699 = arith.cmpi sgt, %add3A_1695, %sign3A_1698 : i32
    %sign3A_1700 = arith.extui %sign3A_1699 : i1 to i32
    %sign3A_1701 = arith.constant 0 : i32
    %sign3A_1702 = arith.cmpi slt, %add3A_1695, %sign3A_1701 : i32
    %sign3A_1703 = arith.extui %sign3A_1702 : i1 to i32
    %sign3A_1704 = arith.subi %sign3A_1700, %sign3A_1703 : i32
    %sign3A_1705 = arith.constant 0 : i32
    %sign3A_1706 = arith.cmpi sgt, %jit3A_1696, %sign3A_1705 : i32
    %sign3A_1707 = arith.extui %sign3A_1706 : i1 to i32
    %sign3A_1708 = arith.constant 0 : i32
    %sign3A_1709 = arith.cmpi slt, %jit3A_1696, %sign3A_1708 : i32
    %sign3A_1710 = arith.extui %sign3A_1709 : i1 to i32
    %sign3A_1711 = arith.subi %sign3A_1707, %sign3A_1710 : i32
    %ne3A_1712 = arith.cmpi ne, %sign3A_1704, %sign3A_1711 : i32
    %rem3A_1713 = arith.remsi %add3A_1695, %jit3A_1696 : i32
    %ne3A_1714 = arith.constant 0 : i32
    %ne3A_1715 = arith.cmpi ne, %rem3A_1713, %ne3A_1714 : i32
    %and3A_1716 = arith.andi %ne3A_1712, %ne3A_1715 : i1
    %sub3A_1717 = arith.constant 1 : i32
    %sub3A_1718 = arith.subi %div3A_1697, %sub3A_1717 : i32
    %select_n3A_1719 = arith.select %and3A_1716, %sub3A_1718, %div3A_1697 : i32
    %jit3A_1720 = arith.constant 32 : i32
    %eq3A_1721 = arith.constant 0 : i32
    %eq3A_1722 = arith.cmpi eq, %jit3A_1720, %eq3A_1721 : i32
    %jit3A_1723 = arith.constant 1 : i32
    %select_n3A_1724 = arith.select %eq3A_1722, %jit3A_1723, %jit3A_1720 : i32
    %rem3A_1725 = arith.remsi %add3A_1695, %select_n3A_1724 : i32
    %ne3A_1726 = arith.constant 0 : i32
    %ne3A_1727 = arith.cmpi ne, %rem3A_1725, %ne3A_1726 : i32
    %lt3A_1728 = arith.constant 0 : i32
    %lt3A_1729 = arith.cmpi slt, %rem3A_1725, %lt3A_1728 : i32
    %lt3A_1730 = arith.constant 0 : i32
    %lt3A_1731 = arith.cmpi slt, %select_n3A_1724, %lt3A_1730 : i32
    %ne3A_1732 = arith.xori %lt3A_1729, %lt3A_1731 : i1
    %and3A_1733 = arith.andi %ne3A_1732, %ne3A_1727 : i1
    %add3A_1734 = arith.addi %rem3A_1725, %select_n3A_1724 : i32
    %select_n3A_1735 = arith.select %and3A_1733, %add3A_1734, %rem3A_1725 : i32
    %mul3A_1736 = arith.constant 8 : i32
    %mul3A_1737 = arith.muli %select_n3A_1719, %mul3A_1736 : i32
    %multiple_of3A_1738 = tpu.assume_multiple %mul3A_1737, 8 : i32
    %mul3A_1739 = arith.constant 128 : i32
    %mul3A_1740 = arith.muli %select_n3A_1735, %mul3A_1739 : i32
    %multiple_of3A_1741 = tpu.assume_multiple %mul3A_1740, 128 : i32
    %dma_start3A_1742 = tpu.memref_slice %arg3[%multiple_of3A_1738, %multiple_of3A_1741] : memref<16x4096xi32, #tpu.memory_space<hbm>> -> memref<8x128xi32, #tpu.memory_space<hbm>>
    %dma_start3A_1743 = arith.constant 0 : i32
    %dma_start3A_1744 = arith.constant 0 : i32
    %dma_start3A_1745 = tpu.memref_slice %arg6[%select_n3A_1719, %select_n3A_1735, %dma_start3A_1743, %dma_start3A_1744] : memref<2x32x8x128xi32, #tpu.memory_space<vmem_shared>> -> memref<1x1x8x128xi32, #tpu.memory_space<vmem_shared>>
    %dma_start3A_1746 = tpu.memref_squeeze %dma_start3A_1745 : memref<1x1x8x128xi32, #tpu.memory_space<vmem_shared>> -> memref<8x128xi32, #tpu.memory_space<vmem_shared>>
    tpu.enqueue_dma source(%dma_start3A_1746 : memref<8x128xi32, #tpu.memory_space<vmem_shared>>) target(%dma_start3A_1742 : memref<8x128xi32, #tpu.memory_space<hbm>>) target_semaphore(%arg14 : memref<!tpu.dma_semaphore, #tpu.memory_space<semaphore_mem>>)
    %mul3A_1747 = arith.constant 4 : i32
    %mul3A_1748 = arith.muli %arg1, %mul3A_1747 : i32
    %add3A_1749 = arith.constant 1 : i32
    %add3A_1750 = arith.addi %mul3A_1748, %add3A_1749 : i32
    %jit3A_1751 = arith.constant 32 : i32
    %div3A_1752 = arith.divsi %add3A_1750, %jit3A_1751 : i32
    %sign3A_1753 = arith.constant 0 : i32
    %sign3A_1754 = arith.cmpi sgt, %add3A_1750, %sign3A_1753 : i32
    %sign3A_1755 = arith.extui %sign3A_1754 : i1 to i32
    %sign3A_1756 = arith.constant 0 : i32
    %sign3A_1757 = arith.cmpi slt, %add3A_1750, %sign3A_1756 : i32
    %sign3A_1758 = arith.extui %sign3A_1757 : i1 to i32
    %sign3A_1759 = arith.subi %sign3A_1755, %sign3A_1758 : i32
    %sign3A_1760 = arith.constant 0 : i32
    %sign3A_1761 = arith.cmpi sgt, %jit3A_1751, %sign3A_1760 : i32
    %sign3A_1762 = arith.extui %sign3A_1761 : i1 to i32
    %sign3A_1763 = arith.constant 0 : i32
    %sign3A_1764 = arith.cmpi slt, %jit3A_1751, %sign3A_1763 : i32
    %sign3A_1765 = arith.extui %sign3A_1764 : i1 to i32
    %sign3A_1766 = arith.subi %sign3A_1762, %sign3A_1765 : i32
    %ne3A_1767 = arith.cmpi ne, %sign3A_1759, %sign3A_1766 : i32
    %rem3A_1768 = arith.remsi %add3A_1750, %jit3A_1751 : i32
    %ne3A_1769 = arith.constant 0 : i32
    %ne3A_1770 = arith.cmpi ne, %rem3A_1768, %ne3A_1769 : i32
    %and3A_1771 = arith.andi %ne3A_1767, %ne3A_1770 : i1
    %sub3A_1772 = arith.constant 1 : i32
    %sub3A_1773 = arith.subi %div3A_1752, %sub3A_1772 : i32
    %select_n3A_1774 = arith.select %and3A_1771, %sub3A_1773, %div3A_1752 : i32
    %jit3A_1775 = arith.constant 32 : i32
    %eq3A_1776 = arith.constant 0 : i32
    %eq3A_1777 = arith.cmpi eq, %jit3A_1775, %eq3A_1776 : i32
    %jit3A_1778 = arith.constant 1 : i32
    %select_n3A_1779 = arith.select %eq3A_1777, %jit3A_1778, %jit3A_1775 : i32
    %rem3A_1780 = arith.remsi %add3A_1750, %select_n3A_1779 : i32
    %ne3A_1781 = arith.constant 0 : i32
    %ne3A_1782 = arith.cmpi ne, %rem3A_1780, %ne3A_1781 : i32
    %lt3A_1783 = arith.constant 0 : i32
    %lt3A_1784 = arith.cmpi slt, %rem3A_1780, %lt3A_1783 : i32
    %lt3A_1785 = arith.constant 0 : i32
    %lt3A_1786 = arith.cmpi slt, %select_n3A_1779, %lt3A_1785 : i32
    %ne3A_1787 = arith.xori %lt3A_1784, %lt3A_1786 : i1
    %and3A_1788 = arith.andi %ne3A_1787, %ne3A_1782 : i1
    %add3A_1789 = arith.addi %rem3A_1780, %select_n3A_1779 : i32
    %select_n3A_1790 = arith.select %and3A_1788, %add3A_1789, %rem3A_1780 : i32
    %mul3A_1791 = arith.constant 8 : i32
    %mul3A_1792 = arith.muli %select_n3A_1774, %mul3A_1791 : i32
    %multiple_of3A_1793 = tpu.assume_multiple %mul3A_1792, 8 : i32
    %mul3A_1794 = arith.constant 128 : i32
    %mul3A_1795 = arith.muli %select_n3A_1790, %mul3A_1794 : i32
    %multiple_of3A_1796 = tpu.assume_multiple %mul3A_1795, 128 : i32
    %dma_start3A_1797 = tpu.memref_slice %arg3[%multiple_of3A_1793, %multiple_of3A_1796] : memref<16x4096xi32, #tpu.memory_space<hbm>> -> memref<8x128xi32, #tpu.memory_space<hbm>>
    %dma_start3A_1798 = arith.constant 0 : i32
    %dma_start3A_1799 = arith.constant 0 : i32
    %dma_start3A_1800 = tpu.memref_slice %arg6[%select_n3A_1774, %select_n3A_1790, %dma_start3A_1798, %dma_start3A_1799] : memref<2x32x8x128xi32, #tpu.memory_space<vmem_shared>> -> memref<1x1x8x128xi32, #tpu.memory_space<vmem_shared>>
    %dma_start3A_1801 = tpu.memref_squeeze %dma_start3A_1800 : memref<1x1x8x128xi32, #tpu.memory_space<vmem_shared>> -> memref<8x128xi32, #tpu.memory_space<vmem_shared>>
    tpu.enqueue_dma source(%dma_start3A_1801 : memref<8x128xi32, #tpu.memory_space<vmem_shared>>) target(%dma_start3A_1797 : memref<8x128xi32, #tpu.memory_space<hbm>>) target_semaphore(%arg14 : memref<!tpu.dma_semaphore, #tpu.memory_space<semaphore_mem>>)
    %mul3A_1802 = arith.constant 4 : i32
    %mul3A_1803 = arith.muli %arg1, %mul3A_1802 : i32
    %add3A_1804 = arith.constant 2 : i32
    %add3A_1805 = arith.addi %mul3A_1803, %add3A_1804 : i32
    %jit3A_1806 = arith.constant 32 : i32
    %div3A_1807 = arith.divsi %add3A_1805, %jit3A_1806 : i32
    %sign3A_1808 = arith.constant 0 : i32
    %sign3A_1809 = arith.cmpi sgt, %add3A_1805, %sign3A_1808 : i32
    %sign3A_1810 = arith.extui %sign3A_1809 : i1 to i32
    %sign3A_1811 = arith.constant 0 : i32
    %sign3A_1812 = arith.cmpi slt, %add3A_1805, %sign3A_1811 : i32
    %sign3A_1813 = arith.extui %sign3A_1812 : i1 to i32
    %sign3A_1814 = arith.subi %sign3A_1810, %sign3A_1813 : i32
    %sign3A_1815 = arith.constant 0 : i32
    %sign3A_1816 = arith.cmpi sgt, %jit3A_1806, %sign3A_1815 : i32
    %sign3A_1817 = arith.extui %sign3A_1816 : i1 to i32
    %sign3A_1818 = arith.constant 0 : i32
    %sign3A_1819 = arith.cmpi slt, %jit3A_1806, %sign3A_1818 : i32
    %sign3A_1820 = arith.extui %sign3A_1819 : i1 to i32
    %sign3A_1821 = arith.subi %sign3A_1817, %sign3A_1820 : i32
    %ne3A_1822 = arith.cmpi ne, %sign3A_1814, %sign3A_1821 : i32
    %rem3A_1823 = arith.remsi %add3A_1805, %jit3A_1806 : i32
    %ne3A_1824 = arith.constant 0 : i32
    %ne3A_1825 = arith.cmpi ne, %rem3A_1823, %ne3A_1824 : i32
    %and3A_1826 = arith.andi %ne3A_1822, %ne3A_1825 : i1
    %sub3A_1827 = arith.constant 1 : i32
    %sub3A_1828 = arith.subi %div3A_1807, %sub3A_1827 : i32
    %select_n3A_1829 = arith.select %and3A_1826, %sub3A_1828, %div3A_1807 : i32
    %jit3A_1830 = arith.constant 32 : i32
    %eq3A_1831 = arith.constant 0 : i32
    %eq3A_1832 = arith.cmpi eq, %jit3A_1830, %eq3A_1831 : i32
    %jit3A_1833 = arith.constant 1 : i32
    %select_n3A_1834 = arith.select %eq3A_1832, %jit3A_1833, %jit3A_1830 : i32
    %rem3A_1835 = arith.remsi %add3A_1805, %select_n3A_1834 : i32
    %ne3A_1836 = arith.constant 0 : i32
    %ne3A_1837 = arith.cmpi ne, %rem3A_1835, %ne3A_1836 : i32
    %lt3A_1838 = arith.constant 0 : i32
    %lt3A_1839 = arith.cmpi slt, %rem3A_1835, %lt3A_1838 : i32
    %lt3A_1840 = arith.constant 0 : i32
    %lt3A_1841 = arith.cmpi slt, %select_n3A_1834, %lt3A_1840 : i32
    %ne3A_1842 = arith.xori %lt3A_1839, %lt3A_1841 : i1
    %and3A_1843 = arith.andi %ne3A_1842, %ne3A_1837 : i1
    %add3A_1844 = arith.addi %rem3A_1835, %select_n3A_1834 : i32
    %select_n3A_1845 = arith.select %and3A_1843, %add3A_1844, %rem3A_1835 : i32
    %mul3A_1846 = arith.constant 8 : i32
    %mul3A_1847 = arith.muli %select_n3A_1829, %mul3A_1846 : i32
    %multiple_of3A_1848 = tpu.assume_multiple %mul3A_1847, 8 : i32
    %mul3A_1849 = arith.constant 128 : i32
    %mul3A_1850 = arith.muli %select_n3A_1845, %mul3A_1849 : i32
    %multiple_of3A_1851 = tpu.assume_multiple %mul3A_1850, 128 : i32
    %dma_start3A_1852 = tpu.memref_slice %arg3[%multiple_of3A_1848, %multiple_of3A_1851] : memref<16x4096xi32, #tpu.memory_space<hbm>> -> memref<8x128xi32, #tpu.memory_space<hbm>>
    %dma_start3A_1853 = arith.constant 0 : i32
    %dma_start3A_1854 = arith.constant 0 : i32
    %dma_start3A_1855 = tpu.memref_slice %arg6[%select_n3A_1829, %select_n3A_1845, %dma_start3A_1853, %dma_start3A_1854] : memref<2x32x8x128xi32, #tpu.memory_space<vmem_shared>> -> memref<1x1x8x128xi32, #tpu.memory_space<vmem_shared>>
    %dma_start3A_1856 = tpu.memref_squeeze %dma_start3A_1855 : memref<1x1x8x128xi32, #tpu.memory_space<vmem_shared>> -> memref<8x128xi32, #tpu.memory_space<vmem_shared>>
    tpu.enqueue_dma source(%dma_start3A_1856 : memref<8x128xi32, #tpu.memory_space<vmem_shared>>) target(%dma_start3A_1852 : memref<8x128xi32, #tpu.memory_space<hbm>>) target_semaphore(%arg14 : memref<!tpu.dma_semaphore, #tpu.memory_space<semaphore_mem>>)
    %mul3A_1857 = arith.constant 4 : i32
    %mul3A_1858 = arith.muli %arg1, %mul3A_1857 : i32
    %add3A_1859 = arith.constant 3 : i32
    %add3A_1860 = arith.addi %mul3A_1858, %add3A_1859 : i32
    %jit3A_1861 = arith.constant 32 : i32
    %div3A_1862 = arith.divsi %add3A_1860, %jit3A_1861 : i32
    %sign3A_1863 = arith.constant 0 : i32
    %sign3A_1864 = arith.cmpi sgt, %add3A_1860, %sign3A_1863 : i32
    %sign3A_1865 = arith.extui %sign3A_1864 : i1 to i32
    %sign3A_1866 = arith.constant 0 : i32
    %sign3A_1867 = arith.cmpi slt, %add3A_1860, %sign3A_1866 : i32
    %sign3A_1868 = arith.extui %sign3A_1867 : i1 to i32
    %sign3A_1869 = arith.subi %sign3A_1865, %sign3A_1868 : i32
    %sign3A_1870 = arith.constant 0 : i32
    %sign3A_1871 = arith.cmpi sgt, %jit3A_1861, %sign3A_1870 : i32
    %sign3A_1872 = arith.extui %sign3A_1871 : i1 to i32
    %sign3A_1873 = arith.constant 0 : i32
    %sign3A_1874 = arith.cmpi slt, %jit3A_1861, %sign3A_1873 : i32
    %sign3A_1875 = arith.extui %sign3A_1874 : i1 to i32
    %sign3A_1876 = arith.subi %sign3A_1872, %sign3A_1875 : i32
    %ne3A_1877 = arith.cmpi ne, %sign3A_1869, %sign3A_1876 : i32
    %rem3A_1878 = arith.remsi %add3A_1860, %jit3A_1861 : i32
    %ne3A_1879 = arith.constant 0 : i32
    %ne3A_1880 = arith.cmpi ne, %rem3A_1878, %ne3A_1879 : i32
    %and3A_1881 = arith.andi %ne3A_1877, %ne3A_1880 : i1
    %sub3A_1882 = arith.constant 1 : i32
    %sub3A_1883 = arith.subi %div3A_1862, %sub3A_1882 : i32
    %select_n3A_1884 = arith.select %and3A_1881, %sub3A_1883, %div3A_1862 : i32
    %jit3A_1885 = arith.constant 32 : i32
    %eq3A_1886 = arith.constant 0 : i32
    %eq3A_1887 = arith.cmpi eq, %jit3A_1885, %eq3A_1886 : i32
    %jit3A_1888 = arith.constant 1 : i32
    %select_n3A_1889 = arith.select %eq3A_1887, %jit3A_1888, %jit3A_1885 : i32
    %rem3A_1890 = arith.remsi %add3A_1860, %select_n3A_1889 : i32
    %ne3A_1891 = arith.constant 0 : i32
    %ne3A_1892 = arith.cmpi ne, %rem3A_1890, %ne3A_1891 : i32
    %lt3A_1893 = arith.constant 0 : i32
    %lt3A_1894 = arith.cmpi slt, %rem3A_1890, %lt3A_1893 : i32
    %lt3A_1895 = arith.constant 0 : i32
    %lt3A_1896 = arith.cmpi slt, %select_n3A_1889, %lt3A_1895 : i32
    %ne3A_1897 = arith.xori %lt3A_1894, %lt3A_1896 : i1
    %and3A_1898 = arith.andi %ne3A_1897, %ne3A_1892 : i1
    %add3A_1899 = arith.addi %rem3A_1890, %select_n3A_1889 : i32
    %select_n3A_1900 = arith.select %and3A_1898, %add3A_1899, %rem3A_1890 : i32
    %mul3A_1901 = arith.constant 8 : i32
    %mul3A_1902 = arith.muli %select_n3A_1884, %mul3A_1901 : i32
    %multiple_of3A_1903 = tpu.assume_multiple %mul3A_1902, 8 : i32
    %mul3A_1904 = arith.constant 128 : i32
    %mul3A_1905 = arith.muli %select_n3A_1900, %mul3A_1904 : i32
    %multiple_of3A_1906 = tpu.assume_multiple %mul3A_1905, 128 : i32
    %dma_start3A_1907 = tpu.memref_slice %arg3[%multiple_of3A_1903, %multiple_of3A_1906] : memref<16x4096xi32, #tpu.memory_space<hbm>> -> memref<8x128xi32, #tpu.memory_space<hbm>>
    %dma_start3A_1908 = arith.constant 0 : i32
    %dma_start3A_1909 = arith.constant 0 : i32
    %dma_start3A_1910 = tpu.memref_slice %arg6[%select_n3A_1884, %select_n3A_1900, %dma_start3A_1908, %dma_start3A_1909] : memref<2x32x8x128xi32, #tpu.memory_space<vmem_shared>> -> memref<1x1x8x128xi32, #tpu.memory_space<vmem_shared>>
    %dma_start3A_1911 = tpu.memref_squeeze %dma_start3A_1910 : memref<1x1x8x128xi32, #tpu.memory_space<vmem_shared>> -> memref<8x128xi32, #tpu.memory_space<vmem_shared>>
    tpu.enqueue_dma source(%dma_start3A_1911 : memref<8x128xi32, #tpu.memory_space<vmem_shared>>) target(%dma_start3A_1907 : memref<8x128xi32, #tpu.memory_space<hbm>>) target_semaphore(%arg14 : memref<!tpu.dma_semaphore, #tpu.memory_space<semaphore_mem>>)
    %eq3A_1912 = arith.constant 0 : i32
    %eq3A_1913 = arith.cmpi eq, %arg1, %eq3A_1912 : i32
    %convert_element_type3A = arith.extui %eq3A_1913 : i1 to i32
    %cond3A = arith.constant 0 : i32
    %cond3A_1914 = arith.cmpi ne, %convert_element_type3A, %cond3A : i32
    scf.if %cond3A_1914 {
      "tpu.region"() ({
        %run_scoped3A = tpu.sem_alloc : memref<!tpu.dma_semaphore, #tpu.memory_space<semaphore_mem>>
        tpu.enqueue_dma source(%arg7 : memref<16x16xi32, #tpu.memory_space<vmem_shared>>) target(%arg11 : memref<16x16xi32, #tpu.memory_space<vmem>>) target_semaphore(%run_scoped3A : memref<!tpu.dma_semaphore, #tpu.memory_space<semaphore_mem>>)
        tpu.wait_dma2 semaphore(%run_scoped3A : memref<!tpu.dma_semaphore, #tpu.memory_space<semaphore_mem>>) src(%arg7 : memref<16x16xi32, #tpu.memory_space<vmem_shared>>) dst(%arg11 : memref<16x16xi32, #tpu.memory_space<vmem>>)
        tpu.yield
      }) : () -> ()
      %gather3A = tpu.vector_load_idx %arg11[%iota3A, %iota3A] : memref<16x16xi32, #tpu.memory_space<vmem>>[vector<16xi32>, vector<16xi32>], vector<16xi32>,
      %swap3A_1935 = arith.constant 0 : index
      %swap3A_1936 = tpu.vector_load %arg10[%swap3A_1935] {strides = array<i32>} : memref<16xi32, #tpu.memory_space<vmem>>, vector<16xi32>,
      tpu.vector_store %arg10[%swap3A_1935], %gather3A {strides = array<i32>} : memref<16xi32, #tpu.memory_space<vmem>>, vector<16xi32>,
      "tpu.region"() ({
        %run_scoped3A = tpu.sem_alloc : memref<!tpu.dma_semaphore, #tpu.memory_space<semaphore_mem>>
        tpu.enqueue_dma source(%arg10 : memref<16xi32, #tpu.memory_space<vmem>>) target(%arg4 : memref<16xi32, #tpu.memory_space<hbm>>) target_semaphore(%run_scoped3A : memref<!tpu.dma_semaphore, #tpu.memory_space<semaphore_mem>>)
        tpu.wait_dma2 semaphore(%run_scoped3A : memref<!tpu.dma_semaphore, #tpu.memory_space<semaphore_mem>>) src(%arg10 : memref<16xi32, #tpu.memory_space<vmem>>) dst(%arg4 : memref<16xi32, #tpu.memory_space<hbm>>)
        tpu.yield
      }) : () -> ()
    } else {
    }
    %dma_wait3A_1915 = tpu.memref_slice %arg3[%multiple_of3A_1738, %multiple_of3A_1741] : memref<16x4096xi32, #tpu.memory_space<hbm>> -> memref<8x128xi32, #tpu.memory_space<hbm>>
    %dma_wait3A_1916 = arith.constant 0 : i32
    %dma_wait3A_1917 = arith.constant 0 : i32
    %dma_wait3A_1918 = tpu.memref_slice %arg6[%select_n3A_1719, %select_n3A_1735, %dma_wait3A_1916, %dma_wait3A_1917] : memref<2x32x8x128xi32, #tpu.memory_space<vmem_shared>> -> memref<1x1x8x128xi32, #tpu.memory_space<vmem_shared>>
    %dma_wait3A_1919 = tpu.memref_squeeze %dma_wait3A_1918 : memref<1x1x8x128xi32, #tpu.memory_space<vmem_shared>> -> memref<8x128xi32, #tpu.memory_space<vmem_shared>>
    tpu.wait_dma2 semaphore(%arg14 : memref<!tpu.dma_semaphore, #tpu.memory_space<semaphore_mem>>) src(%dma_wait3A_1919 : memref<8x128xi32, #tpu.memory_space<vmem_shared>>) dst(%dma_wait3A_1915 : memref<8x128xi32, #tpu.memory_space<hbm>>)
    %dma_wait3A_1920 = tpu.memref_slice %arg3[%multiple_of3A_1793, %multiple_of3A_1796] : memref<16x4096xi32, #tpu.memory_space<hbm>> -> memref<8x128xi32, #tpu.memory_space<hbm>>
    %dma_wait3A_1921 = arith.constant 0 : i32
    %dma_wait3A_1922 = arith.constant 0 : i32
    %dma_wait3A_1923 = tpu.memref_slice %arg6[%select_n3A_1774, %select_n3A_1790, %dma_wait3A_1921, %dma_wait3A_1922] : memref<2x32x8x128xi32, #tpu.memory_space<vmem_shared>> -> memref<1x1x8x128xi32, #tpu.memory_space<vmem_shared>>
    %dma_wait3A_1924 = tpu.memref_squeeze %dma_wait3A_1923 : memref<1x1x8x128xi32, #tpu.memory_space<vmem_shared>> -> memref<8x128xi32, #tpu.memory_space<vmem_shared>>
    tpu.wait_dma2 semaphore(%arg14 : memref<!tpu.dma_semaphore, #tpu.memory_space<semaphore_mem>>) src(%dma_wait3A_1924 : memref<8x128xi32, #tpu.memory_space<vmem_shared>>) dst(%dma_wait3A_1920 : memref<8x128xi32, #tpu.memory_space<hbm>>)
    %dma_wait3A_1925 = tpu.memref_slice %arg3[%multiple_of3A_1848, %multiple_of3A_1851] : memref<16x4096xi32, #tpu.memory_space<hbm>> -> memref<8x128xi32, #tpu.memory_space<hbm>>
    %dma_wait3A_1926 = arith.constant 0 : i32
    %dma_wait3A_1927 = arith.constant 0 : i32
    %dma_wait3A_1928 = tpu.memref_slice %arg6[%select_n3A_1829, %select_n3A_1845, %dma_wait3A_1926, %dma_wait3A_1927] : memref<2x32x8x128xi32, #tpu.memory_space<vmem_shared>> -> memref<1x1x8x128xi32, #tpu.memory_space<vmem_shared>>
    %dma_wait3A_1929 = tpu.memref_squeeze %dma_wait3A_1928 : memref<1x1x8x128xi32, #tpu.memory_space<vmem_shared>> -> memref<8x128xi32, #tpu.memory_space<vmem_shared>>
    tpu.wait_dma2 semaphore(%arg14 : memref<!tpu.dma_semaphore, #tpu.memory_space<semaphore_mem>>) src(%dma_wait3A_1929 : memref<8x128xi32, #tpu.memory_space<vmem_shared>>) dst(%dma_wait3A_1925 : memref<8x128xi32, #tpu.memory_space<hbm>>)
    %dma_wait3A_1930 = tpu.memref_slice %arg3[%multiple_of3A_1903, %multiple_of3A_1906] : memref<16x4096xi32, #tpu.memory_space<hbm>> -> memref<8x128xi32, #tpu.memory_space<hbm>>
    %dma_wait3A_1931 = arith.constant 0 : i32
    %dma_wait3A_1932 = arith.constant 0 : i32
    %dma_wait3A_1933 = tpu.memref_slice %arg6[%select_n3A_1884, %select_n3A_1900, %dma_wait3A_1931, %dma_wait3A_1932] : memref<2x32x8x128xi32, #tpu.memory_space<vmem_shared>> -> memref<1x1x8x128xi32, #tpu.memory_space<vmem_shared>>
    %dma_wait3A_1934 = tpu.memref_squeeze %dma_wait3A_1933 : memref<1x1x8x128xi32, #tpu.memory_space<vmem_shared>> -> memref<8x128xi32, #tpu.memory_space<vmem_shared>>
    tpu.wait_dma2 semaphore(%arg14 : memref<!tpu.dma_semaphore, #tpu.memory_space<semaphore_mem>>) src(%dma_wait3A_1934 : memref<8x128xi32, #tpu.memory_space<vmem_shared>>) dst(%dma_wait3A_1930 : memref<8x128xi32, #tpu.memory_space<hbm>>)
    return
  }
}

</mosaic_0001>

<sc_bundles>
// kernel: _run.3.cloned.1.call-start
scs
__scs_entry_jumppad:
0x0: {  	(pc) =	sbr.rel $0x88, $3  }
0x1: {  	(tag) =	ssettag $0x0;
	lr =	simm.s32 $0x1  }
0x2: {  	[smem:$0x3FA0] =	sst lr;
	_ =	strace $0xD0000000  }
0x3: {  	_ = 	snop  }
0x4: {  	_ = 	snop  }
0x5: {  	_ = 	snop  }
0x6: {  	_ = 	snop  }
0x7: {  	_ = 	snop  }
__scs_overlays_trampoline_lowered:
0x8: {  	[smem:$0x3FAF] =	sst s0  }
0x9: {  	[smem:$0x3FB0] =	sst s1  }
0xa: {  	[smem:$0x3FB1] =	sst s2  }
0xb: {  	[smem:$0x3FB2] =	sst s3  }
0xc: {  	[smem:$0x3FB3] =	sst s4  }
0xd: {  	[smem:$0x3FB4] =	sst s5  }
0xe: {  	[smem:$0x3FB5] =	sst s6  }
0xf: {  	[smem:$0x3FB6] =	sst s7  }
0x10: {  	[smem:$0x3FB7] =	sst s8  }
0x11: {  	[smem:$0x3FB8] =	sst s9;
	s0 =	simm.s32 @!p0 $0x0  }
0x12: {  	s1 =	sld [smem:$0x3F9E];
	s0 =	simm.s32 @p0 $0x1  }
0x13: {  	[smem:$0x3FB9] =	sst s0;
	s0 =	simm.s32 @!p1 $0x0  }
0x14: {  	s2 =	sld [smem:$0x3F9D];
	s0 =	simm.s32 @p1 $0x1  }
0x15: {  	[smem:$0x3FBA] =	sst s0;
	s0 =	simm.s32 @!p2 $0x0  }
0x16: {  	s3 =	sld [smem:$0x3FDB];
	s0 =	simm.s32 @p2 $0x1  }
0x17: {  	s4 =	simm.s32 $0x1BF5;
	[smem:$0x3FBC] =	sst s0  }
0x18: {  	s0 =	sld [smem:$0x3F9F];
	_ =	swait.ge [sflag:s4], $0x0  }
0x19: {  	s7 =	sld [smem:$0x3FA0]  }
0x1a: {  	s8 =	sadd.s32 $0xFFFFE003, lr  }
0x1b: {  	s9 =	sadd.s32 $0xFFFFFEF7, lr;
	s5 =	simm.s32 $0xFFFFFFFF;
	p2 =	slt.u32 s8, $0xFFFFF086  }
0x1c: {  	p1 =	slt.u32 s9, $0xF7A;
	s5 =	simm.s32 @!p2 $0x0  }
0x1d: {  	s5 =	simm.s32 @p1 $0x1;
	p0 =	seq.s32 s7, s2  }
0x1e: {  	s7 =	smul.u32 @!p0 $0xF7A, s2;
	p2 =	seq.s32 @!p0 s5, $0x0  }
0x1f: {  	s9 =	smul.u32 $0xF7A, s1;
	s8 =	simm.s32 @!p0 $0x1BF5;
	p2 =	por !p2, p0  }
0x20: {  	[sflag:s8] =	ssyncset.s32 @!p0 $0xFFFFF086;
	s6 =	sadd.s32 @!p0 s3, s7;
	s7 =	simm.s32 @!p0 $0x108  }
0x21: {  	s3 =	sadd.s32 s3, s9;
	s6 =	sadd.s32 @!p0 $0x88, s6;
	s7 =	simm.s32 @p2 $0x1082  }
0x22: {  	[simem:s7], [sflag:s8] =	dma.local @!p0 [hbm:s6], $0xF7A  }
0x23: {  	s9 =	sor.u32 $0xD0000000, s2;
	s6 =	simm.s32 $0x108;
	_ =	swait.ge @!p0 [sflag:s8], $0x0  }
0x24: {  	s3 =	sadd.s32 $0x88, s3;
	s6 =	simm.s32 @!p1 $0x1082;
	[sflag:s4] =	ssyncset.s32 $0xFFFFF086  }
0x25: {  	[simem:s6], [sflag:s4] =	dma.local [hbm:s3], $0xF7A  }
0x26: {  	[smem:$0x3FA0] =	sst s1;
	(tag) =	ssettag s2;
	_ =	strace s9  }
0x27: {  	s1 =	sld [smem:$0x3FB0]  }
0x28: {  	s2 =	sld [smem:$0x3FB1]  }
0x29: {  	s4 =	sld [smem:$0x3FB3]  }
0x2a: {  	p0 =	seq.s32 s5, $0x0;
	s5 =	sld [smem:$0x3FB4]  }
0x2b: {  	s6 =	sld [smem:$0x3FB5]  }
0x2c: {  	s7 =	sld [smem:$0x3FB6]  }
0x2d: {  	s3 =	simm.s32 $0x108;
	s8 =	sld [smem:$0x3FB7]  }
0x2e: {  	s3 =	simm.s32 @!p0 $0x1082;
	s9 =	sld [smem:$0x3FB8]  }
0x2f: {  	lr =	sadd.s32 s0, s3;
	s0 =	sld [smem:$0x3FAF]  }
0x30: {  	s3 =	sld [smem:$0x3FB2]  }
0x31: {  	[smem:$0x3FBB] =	sst s10  }
0x32: {  	s10 =	sld [smem:$0x3FB9];
	_ =	sdelay $0x3  }
0x33: {  	p0 =	seq.s32 s10, $0x1;
	s10 =	sld [smem:$0x3FBB];
	_ =	sdelay $0x3  }
0x34: {  	[smem:$0x3FBB] =	sst s10  }
0x35: {  	s10 =	sld [smem:$0x3FBA];
	_ =	sdelay $0x3  }
0x36: {  	p1 =	seq.s32 s10, $0x1;
	s10 =	sld [smem:$0x3FBB];
	_ =	sdelay $0x3  }
0x37: {  	[smem:$0x3FBB] =	sst s10  }
0x38: {  	s10 =	sld [smem:$0x3FBC]  }
0x39: {  	_ = 	snop;
	(pc) =	sbr.ind lr, $3  }
0x3a: {  	_ = 	snop  }
0x3b: {  	_ = 	snop  }
0x3c: {  	p2 =	seq.s32 s10, $0x1;
	s10 =	sld [smem:$0x3FBB]  }
0x3d: {  	_ =	shalt  }
0x3e: {  	_ =	shalt  }
0x3f: {  	_ =	shalt  }
0x40: {  	_ =	shalt  }
0x41: {  	_ =	shalt  }
0x42: {  	_ =	shalt  }
0x43: {  	_ =	shalt  }
0x44: {  	_ =	shalt  }
0x45: {  	_ =	shalt  }
0x46: {  	_ =	shalt  }
0x47: {  	_ =	shalt  }
0x48: {  	_ =	shalt  }
0x49: {  	_ =	shalt  }
0x4a: {  	_ =	shalt  }
0x4b: {  	_ =	shalt  }
0x4c: {  	_ =	shalt  }
0x4d: {  	_ =	shalt  }
0x4e: {  	_ =	shalt  }
0x4f: {  	_ =	shalt  }
0x50: {  	_ =	shalt  }
0x51: {  	_ =	shalt  }
0x52: {  	_ =	shalt  }
0x53: {  	_ =	shalt  }
0x54: {  	_ =	shalt  }
0x55: {  	_ =	shalt  }
0x56: {  	_ =	shalt  }
0x57: {  	_ =	shalt  }
0x58: {  	_ =	shalt  }
0x59: {  	_ =	shalt  }
0x5a: {  	_ =	shalt  }
0x5b: {  	_ =	shalt  }
0x5c: {  	_ =	shalt  }
0x5d: {  	_ =	shalt  }
0x5e: {  	_ =	shalt  }
0x5f: {  	_ =	shalt  }
0x60: {  	_ =	shalt  }
0x61: {  	_ =	shalt  }
0x62: {  	_ =	shalt  }
0x63: {  	_ =	shalt  }
0x64: {  	_ =	shalt  }
0x65: {  	_ =	shalt  }
0x66: {  	_ =	shalt  }
0x67: {  	_ =	shalt  }
0x68: {  	_ =	shalt  }
0x69: {  	_ =	shalt  }
0x6a: {  	_ =	shalt  }
0x6b: {  	_ =	shalt  }
0x6c: {  	_ =	shalt  }
0x6d: {  	_ =	shalt  }
0x6e: {  	_ =	shalt  }
0x6f: {  	_ =	shalt  }
0x70: {  	_ =	shalt  }
0x71: {  	_ =	shalt  }
0x72: {  	_ =	shalt  }
0x73: {  	_ =	shalt  }
0x74: {  	_ =	shalt  }
0x75: {  	_ =	shalt  }
0x76: {  	_ =	shalt  }
0x77: {  	_ =	shalt  }
0x78: {  	_ =	shalt  }
0x79: {  	_ =	shalt  }
0x7a: {  	_ =	shalt  }
0x7b: {  	_ =	shalt  }
0x7c: {  	_ =	shalt  }
0x7d: {  	_ =	shalt  }
0x7e: {  	_ =	shalt  }
0x7f: {  	_ =	shalt  }
0x80: {  	_ =	shalt  }
0x81: {  	_ =	shalt  }
0x82: {  	_ =	shalt  }
0x83: {  	_ =	shalt  }
0x84: {  	_ =	shalt  }
0x85: {  	_ =	shalt  }
0x86: {  	_ =	shalt  }
0x87: {  	_ =	shalt  }
.Lfunc_end0:
.L_simem_size_0:
called_computation_lowered:
.L_overlay_start_0:
0x88: {  	s0 =	sld [smem:$0x3FD9]  }
0x89: {  	s1 =	sld [smem:$0x3FFE];
	_ =	sdelay $0x3  }
0x8a: {  	s0 =	sadd.s32 s1, s0  }
0x8b: {  	[smem:$0x3FC7] =	sst s0  }
0x8c: {  	_ = 	snop  }
0x8d: {  	s0 =	sld [smem:$0x3FD0];
	_ =	sdelay $0x2  }
0x8e: {  	s2 =	simm.s32 $0xA;
	s3 =	simm.s32 $0x10;
	s14 =	sld [smem:$0x3FC9]  }
0x8f: {  	[smem:s3], [sflag:s2] =	dma.local [hbm:s0], $0x1  }
0x90: {  	_ =	swait.eq [sflag:s2], $0x1  }
0x91: {  	[sflag:s2] =	ssyncset.done $0x0  }
0x92: {  	s15 =	sld [smem:$0x10];
	[sflag:s2] =	ssyncadd.s32 $0xFFFFFFFF  }
0x93: {  	s16 =	sld [smem:$0x11];
	(tm) =	ssettm $0x1  }
0x94: {  	s17 =	sld [smem:$0x3FFB];
	_ =	sdelay $0x3  }
0x95: {  	_ =	strace s17  }
0x96: {  	s3 =	sld [smem:$0x3FFC];
	_ =	sdelay $0x3  }
0x97: {  	_ =	strace s3  }
0x98: {  	s3 =	sld [smem:$0x3FFD];
	_ =	sdelay $0x3  }
0x99: {  	_ =	strace s3  }
0x9a: {  	_ =	strace $0x8FFFFFFF  }
0x9b: {  	s18 =	sld [smem:$0x3FDB];
	_ =	sdelay $0x1  }
0x9c: {  	s4 =	simm.s32 $_scs_section_size  }
0x9d: {  	s5 =	simm.s32 $_size__tile_overlayer_lowered;
	s6 =	simm.s32 $_tile_overlayer_lowered  }
0x9e: {  	s21 =	simm.s32 $0x1BFF;
	s20 =	sshll.u32 s6, $0x1;
	s3 =	sadd.s32 s4, s18  }
0x9f: {  	s7 =	simm.s32 $0x0;
	s19 =	sshll.u32 s5, $0x1;
	s5 =	sadd.s32 s20, s3  }
0xa0: {  	[timem:s7], [sflag:s21] =	dma.local [hbm:s5], s19  }
0xa1: {  	_ =	swait.ge [sflag:s21], s19  }
0xa2: {  	s4 =	ssub.s32 $0x0, s19;
	[sflag:s21] =	ssyncset.done $0x0  }
0xa3: {  	[sflag:s21] =	ssyncadd.s32 s4;
	_ =	sdelay $0x1  }
0xa4: {  	s22 =	simm.s32 $0x1B8B  }
0xa5: {  	_ =	swait.ge [sflag:s22], $0x1  }
0xa6: {  	[sflag:s22] =	ssyncset.done $0x0  }
0xa7: {  	s23 =	simm.s32 $0x1B8E;
	[sflag:s22] =	ssyncadd.s32 $0xFFFFFFFF  }
0xa8: {  	s24 =	simm.s32 $execute0_lowered;
	[smem:$0x3FD2] =	sst s23  }
0xa9: {  	s4 =	sshll.u32 s24, $0x1;
	_ =	strace $0x80000046;
	[dreg:$0x1] =	wrdreg $0xFFFFFFFF  }
0xaa: {  	s25 =	simm.s32 $_size_execute0_lowered;
	s3 =	sadd.s32 s3, s4;
	[dreg:$0x0] =	wrdreg $0x0  }
0xab: {  	s4 =	sshll.u32 s25, $0x1;
	[dreg:$0x2] =	wrdreg s3  }
0xac: {  	[dreg:$0x3] =	wrdreg s4  }
0xad: {  	[dreg:$0x4] =	wrdreg $0xC0  }
0xae: {  	_ =	task [dreg:s7], $0x5FFFF  }
0xaf: {  	[dreg:$0x1] =	wrdreg $0xFFFFFFFF  }
0xb0: {  	[dreg:$0x0] =	wrdreg $0x60  }
0xb1: {  	[dreg:$0x2] =	wrdreg s14  }
0xb2: {  	[dreg:$0x3] =	wrdreg s15  }
0xb3: {  	[dreg:$0x4] =	wrdreg s16  }
0xb4: {  	[dreg:$0x5] =	wrdreg $0x0  }
0xb5: {  	[dreg:$0x6] =	wrdreg $0x10000  }
0xb6: {  	[dreg:$0x7] =	wrdreg $0x20000  }
0xb7: {  	[dreg:$0x8] =	wrdreg $0x9  }
0xb8: {  	_ =	task.clear_ibuf [dreg:s7], $0x9FFFF;
	_ =	strace $0x90000046  }
0xb9: {  	s26 =	simm.s32 $0x9;
	_ =	strace $0x80000048  }
0xba: {  	_ =	swait.ge [sflag:s26], $0x1  }
0xbb: {  	[sflag:s26] =	ssyncadd.s32 $0xFFFFFFFF  }
0xbc: {  	_ =	strace $0x90000048  }
0xbd: {  	_ =	sfence  }
0xbe: {  	s28 =	sld [smem:$0x0];
	_ =	sdelay $0x1  }
0xbf: {  	s29 =	srdreg.scid  }
0xc0: {  	s30 =	sshll.u32 s29, $0xD;
	s31 =	sshrl.u32 s29, $0x2  }
0xc1: {  	s1 =	sand.u32 $0x1, s29;
	s2 =	sand.u32 $0x4000, s30;
	s0 =	sadd.s32 s31, s28  }
0xc2: {  	s1 =	sor.u32 s2, s1;
	s0 =	sshll.u32 s0, $0x11  }
0xc3: {  	s0 =	sor.u32 s0, s1  }
0xc4: {  	s0 =	sadd.s32 $0x8F2B, s0  }
0xc5: {  	[sflag:s0] =	ssyncadd.remote.s32 $0x1  }
0xc6: {  	_ =	sfence.sel $0xFFFF  }
0xc7: {  	[dreg:$0x0] =	wrdreg $0xFFFFFFFF;
	(pc) =	sbr.abs _section_cstart, $3  }
0xc8: {  	[dreg:$0x1] =	wrdreg $0xFFFFFFFF  }
0xc9: {  	_ =	task.clear_ibuf [dreg:s7], $0x2FFFF;
	_ =	strace $0x9FFFFFFF  }
0xca: {  	(tm) =	ssettm $0x7FFFFFFF  }
0xcb: {  	_ =	shalt  }
tec
execute0_lowered:
.L_overlay_start_1:
0x0: {  	(tag) =	ssettag $0x1  }
0x1: {  	s0 =	rddreg [dreg:$0x0]  }
0x2: {  	s21 =	rddreg [dreg:$0x3]  }
0x3: {  	s4 =	rddreg [dreg:$0x4];
	s1 =	simm.s32 $0x0;
	s9 =	stileid.u32  }
0x4: {  	[smem:$0x7FF] =	sst s1;
	s7 =	sshll.u32 s9, $0xC;
	s2 =	sshll.u32 s9, $0x9  }
0x5: {  	s3 =	sshll.u32 s9, $0x6;
	_ =	strace $0x80000047;
	s19 =	sadd.s32 s7, s21  }
0x6: {  	s5 =	sor.u32 $0x400, s7;
	[dreg:$0xb] =	wrdreg s2;
	s2 =	sadd.s32 s0, s2  }
0x7: {  	[dreg:$0xa] =	wrdreg s3;
	s3 =	sor.u32 $0x1C01, s3;
	s10 =	sor.u32 $0x800, s7  }
0x8: {  	s22 =	sor.u32 $0xC00, s7;
	s6 =	sshrl.u32 s5, $0x3;
	[dreg:$0x7] =	wrdreg s5  }
0x9: {  	s5 =	sadd.s32 s5, s21;
	s8 =	sadd.s32 s10, s21;
	[dreg:$0x9] =	wrdreg s10  }
0xa: {  	s10 =	sshrl.u32 s10, $0x3;
	s1 =	sshrl.u32 s19, $0x3;
	s24 =	sadd.s32 s22, s21  }
0xb: {  	s25 =	sshrl.u32 s22, $0x3;
	[dreg:$0x8] =	wrdreg s6;
	s6 =	sadd.s32 s0, s6  }
0xc: {  	[spmem:s1], [sflag:s3] =	dma.local [hbm:s2], $0x80  }
0xd: {  	s20 =	sadd.s32 s0, s10;
	s23 =	sshrl.u32 s5, $0x3;
	[dreg:$0xc] =	wrdreg s10  }
0xe: {  	[spmem:s23], [sflag:s3] =	dma.local [hbm:s6], $0x80  }
0xf: {  	s26 =	sshrl.u32 s8, $0x3;
	s0 =	sadd.s32 s0, s25;
	[dreg:$0xd] =	wrdreg s22  }
0x10: {  	[spmem:s26], [sflag:s3] =	dma.local [hbm:s20], $0x80  }
0x11: {  	v0 =	vimm.s32 $0x0;
	s8 =	sshrl.u32 s24, $0x3;
	s10 =	simm.s32 $0x1;
	[dreg:$0xe] =	wrdreg s25  }
0x12: {  	[spmem:s8], [sflag:s3] =	dma.local [hbm:s0], $0x80;
	[tilespmem:$0x2010] =	vst v0  }
0x13: {  	_ =	swait.ge [sflag:s10], $0x80  }
0x14: {  	[sflag:s10] =	ssyncset.done $0x0  }
0x15: {  	[sflag:s10] =	ssyncadd.s32 $0xFFFFFF80  }
0x16: {  	_ =	swait.ge [sflag:s10], $0x80  }
0x17: {  	[sflag:s10] =	ssyncset.done $0x0  }
0x18: {  	[sflag:s10] =	ssyncadd.s32 $0xFFFFFF80  }
0x19: {  	s14 =	simm.s32 $0x20A0;
	s18 =	simm.s32 $0x2120;
	_ =	swait.ge [sflag:s10], $0x80  }
0x1a: {  	s11 =	sshll.u32 s9, $0x7;
	s9 =	simm.s32 $0x23A0;
	[sflag:s10] =	ssyncset.done $0x0  }
0x1b: {  	s1 =	sor.u32 s11, s7;
	[dreg:$0xf] =	wrdreg s11;
	[sflag:s10] =	ssyncadd.s32 $0xFFFFFF80  }
0x1c: {  	s16 =	sand.u32 $0x8380, s1;
	s22 =	simm.s32 $0x2020;
	_ =	swait.ge [sflag:s10], $0x80  }
0x1d: {  	s23 =	simm.s32 $0x21A0;
	s6 =	simm.s32 $0x2320;
	[sflag:s10] =	ssyncset.done $0x0  }
0x1e: {  	s1 =	sadd.s32 s16, s21;
	s12 =	sor.u32 $0x400, s16;
	[sflag:s10] =	ssyncadd.s32 $0xFFFFFF80  }
0x1f: {  	s13 =	sor.u32 $0x800, s16;
	s17 =	sor.u32 $0xC00, s16;
	[bflag:$0x0] =	sbarrier.arrive $0xFFFF  }
0x20: {  	[tilespmem:s22], [sflag:$0x2] =	stream.linear.gather [spmem:s1], $0x80, $0x38;
	[tilespmem:$0x4910] =	vst v63  }
0x21: {  	s20 =	sor.u32 $0x1000, s16;
	s25 =	sor.u32 $0x1400, s16;
	s0 =	sadd.s32 s12, s21  }
0x22: {  	[tilespmem:s14], [sflag:$0x2] =	stream.linear.gather [spmem:s0], $0x80, $0x38;
	[tilespmem:$0x4910] =	vst v63  }
0x23: {  	s26 =	simm.s32 $0x2220;
	s5 =	sor.u32 $0x1800, s16;
	s15 =	sadd.s32 s13, s21  }
0x24: {  	[tilespmem:s18], [sflag:$0x2] =	stream.linear.gather [spmem:s15], $0x80, $0x38;
	[tilespmem:$0x4910] =	vst v63  }
0x25: {  	s28 =	sor.u32 $0x2800, s16;
	s29 =	sor.u32 $0x2C00, s16;
	s19 =	sadd.s32 s17, s21  }
0x26: {  	[tilespmem:s23], [sflag:$0x2] =	stream.linear.gather [spmem:s19], $0x80, $0x38;
	[tilespmem:$0x4910] =	vst v63  }
0x27: {  	s30 =	sor.u32 $0x3000, s16;
	s31 =	sor.u32 $0x3400, s16;
	s24 =	sadd.s32 s20, s21  }
0x28: {  	[tilespmem:s26], [sflag:$0x2] =	stream.linear.gather [spmem:s24], $0x80, $0x38;
	[tilespmem:$0x4910] =	vst v63  }
0x29: {  	s2 =	sadd.s32 s25, s21;
	s3 =	simm.s32 $0x22A0;
	s8 =	sor.u32 $0x1C00, s16  }
0x2a: {  	[tilespmem:s3], [sflag:$0x2] =	stream.linear.gather [spmem:s2], $0x80, $0x38;
	[tilespmem:$0x4910] =	vst v63  }
0x2b: {  	s11 =	simm.s32 $0x2420;
	[dreg:$0x10] =	wrdreg s12;
	s0 =	sadd.s32 s5, s21  }
0x2c: {  	[tilespmem:s6], [sflag:$0x2] =	stream.linear.gather [spmem:s0], $0x80, $0x38;
	[tilespmem:$0x4910] =	vst v63  }
0x2d: {  	[dreg:$0x14] =	wrdreg s25;
	s25 =	sor.u32 $0x2000, s16;
	s0 =	sadd.s32 s8, s21  }
0x2e: {  	[tilespmem:s9], [sflag:$0x2] =	stream.linear.gather [spmem:s0], $0x80, $0x38;
	[tilespmem:$0x4910] =	vst v63  }
0x2f: {  	[dreg:$0x11] =	wrdreg s13;
	s10 =	sadd.s32 s25, s21;
	s26 =	sor.u32 $0x2400, s16  }
0x30: {  	[tilespmem:s11], [sflag:$0x2] =	stream.linear.gather [spmem:s10], $0x80, $0x38;
	[tilespmem:$0x4910] =	vst v63  }
0x31: {  	[dreg:$0x12] =	wrdreg s17;
	s13 =	simm.s32 $0x24A0;
	s12 =	sadd.s32 s26, s21  }
0x32: {  	[tilespmem:s13], [sflag:$0x2] =	stream.linear.gather [spmem:s12], $0x80, $0x38;
	[tilespmem:$0x4910] =	vst v63  }
0x33: {  	[dreg:$0x13] =	wrdreg s20;
	s14 =	sadd.s32 s28, s21;
	s15 =	simm.s32 $0x2520  }
0x34: {  	[tilespmem:s15], [sflag:$0x2] =	stream.linear.gather [spmem:s14], $0x80, $0x38;
	[tilespmem:$0x4910] =	vst v63  }
0x35: {  	[dreg:$0x15] =	wrdreg s5;
	s17 =	sadd.s32 s29, s21;
	s18 =	simm.s32 $0x25A0  }
0x36: {  	[tilespmem:s18], [sflag:$0x2] =	stream.linear.gather [spmem:s17], $0x80, $0x38;
	[tilespmem:$0x4910] =	vst v63  }
0x37: {  	[dreg:$0x16] =	wrdreg s8;
	s20 =	simm.s32 $0x2620;
	s19 =	sadd.s32 s30, s21  }
0x38: {  	[tilespmem:s20], [sflag:$0x2] =	stream.linear.gather [spmem:s19], $0x80, $0x38;
	[tilespmem:$0x4910] =	vst v63  }
0x39: {  	s23 =	sadd.s32 s31, s21;
	s24 =	simm.s32 $0x26A0;
	s0 =	sor.u32 $0x3800, s16  }
0x3a: {  	[tilespmem:s24], [sflag:$0x2] =	stream.linear.gather [spmem:s23], $0x80, $0x38;
	[tilespmem:$0x4910] =	vst v63  }
0x3b: {  	s1 =	sor.u32 $0x3C00, s16;
	s3 =	simm.s32 $0x2720;
	s2 =	sadd.s32 s0, s21  }
0x3c: {  	[tilespmem:s3], [sflag:$0x2] =	stream.linear.gather [spmem:s2], $0x80, $0x38;
	[tilespmem:$0x4910] =	vst v63  }
0x3d: {  	s5 =	sadd.s32 s1, s21;
	s6 =	simm.s32 $0x27A0;
	s2 =	sor.u32 $0x4000, s16  }
0x3e: {  	[tilespmem:s6], [sflag:$0x2] =	stream.linear.gather [spmem:s5], $0x80, $0x38;
	[tilespmem:$0x4910] =	vst v63  }
0x3f: {  	s9 =	simm.s32 $0x2820;
	s3 =	sor.u32 $0x4400, s16;
	s8 =	sadd.s32 s2, s21  }
0x40: {  	[tilespmem:s9], [sflag:$0x2] =	stream.linear.gather [spmem:s8], $0x80, $0x38;
	[tilespmem:$0x4910] =	vst v63  }
0x41: {  	s11 =	simm.s32 $0x28A0;
	s10 =	sadd.s32 s3, s21;
	s5 =	sor.u32 $0x4800, s16  }
0x42: {  	[tilespmem:s11], [sflag:$0x2] =	stream.linear.gather [spmem:s10], $0x80, $0x38;
	[tilespmem:$0x4910] =	vst v63  }
0x43: {  	s13 =	simm.s32 $0x2920;
	s12 =	sadd.s32 s5, s21;
	s8 =	sor.u32 $0x4C00, s16  }
0x44: {  	[tilespmem:s13], [sflag:$0x2] =	stream.linear.gather [spmem:s12], $0x80, $0x38;
	[tilespmem:$0x4910] =	vst v63  }
0x45: {  	s15 =	simm.s32 $0x29A0;
	s14 =	sadd.s32 s8, s21;
	s10 =	sor.u32 $0x5000, s16  }
0x46: {  	[tilespmem:s15], [sflag:$0x2] =	stream.linear.gather [spmem:s14], $0x80, $0x38;
	[tilespmem:$0x4910] =	vst v63  }
0x47: {  	s18 =	simm.s32 $0x2A20;
	s11 =	sor.u32 $0x5400, s16;
	s17 =	sadd.s32 s10, s21  }
0x48: {  	[tilespmem:s18], [sflag:$0x2] =	stream.linear.gather [spmem:s17], $0x80, $0x38;
	[tilespmem:$0x4910] =	vst v63  }
0x49: {  	s20 =	simm.s32 $0x2AA0;
	s19 =	sadd.s32 s11, s21;
	s12 =	sor.u32 $0x5800, s16  }
0x4a: {  	[tilespmem:s20], [sflag:$0x2] =	stream.linear.gather [spmem:s19], $0x80, $0x38;
	[tilespmem:$0x4910] =	vst v63  }
0x4b: {  	s24 =	simm.s32 $0x2B20;
	s23 =	sadd.s32 s12, s21;
	s14 =	sor.u32 $0x5C00, s16  }
0x4c: {  	[tilespmem:s24], [sflag:$0x2] =	stream.linear.gather [spmem:s23], $0x80, $0x38;
	[tilespmem:$0x4910] =	vst v63  }
0x4d: {  	s6 =	sor.u32 $0x6000, s16;
	s13 =	simm.s32 $0x2BA0;
	s9 =	sadd.s32 s14, s21  }
0x4e: {  	[tilespmem:s13], [sflag:$0x2] =	stream.linear.gather [spmem:s9], $0x80, $0x38;
	[tilespmem:$0x4910] =	vst v63  }
0x4f: {  	s15 =	sadd.s32 s6, s21;
	s13 =	simm.s32 $0x2C20;
	s9 =	sor.u32 $0x6400, s16  }
0x50: {  	[tilespmem:s13], [sflag:$0x2] =	stream.linear.gather [spmem:s15], $0x80, $0x38;
	[tilespmem:$0x4910] =	vst v63  }
0x51: {  	s17 =	sadd.s32 s9, s21;
	s15 =	simm.s32 $0x2CA0;
	s13 =	sor.u32 $0x6800, s16  }
0x52: {  	[tilespmem:s15], [sflag:$0x2] =	stream.linear.gather [spmem:s17], $0x80, $0x38;
	[tilespmem:$0x4910] =	vst v63  }
0x53: {  	s18 =	sadd.s32 s13, s21;
	s17 =	simm.s32 $0x2D20;
	s15 =	sor.u32 $0x6C00, s16  }
0x54: {  	[tilespmem:s17], [sflag:$0x2] =	stream.linear.gather [spmem:s18], $0x80, $0x38;
	[tilespmem:$0x4910] =	vst v63  }
0x55: {  	s19 =	sadd.s32 s15, s21;
	s18 =	simm.s32 $0x2DA0;
	s17 =	sor.u32 $0x7000, s16  }
0x56: {  	[tilespmem:s18], [sflag:$0x2] =	stream.linear.gather [spmem:s19], $0x80, $0x38;
	[tilespmem:$0x4910] =	vst v63  }
0x57: {  	s20 =	sadd.s32 s17, s21;
	s19 =	simm.s32 $0x2E20;
	s18 =	sor.u32 $0x7400, s16  }
0x58: {  	[tilespmem:s19], [sflag:$0x2] =	stream.linear.gather [spmem:s20], $0x80, $0x38;
	[tilespmem:$0x4910] =	vst v63  }
0x59: {  	s23 =	sadd.s32 s18, s21;
	s20 =	simm.s32 $0x2EA0;
	s19 =	sor.u32 $0x7800, s16  }
0x5a: {  	[tilespmem:s20], [sflag:$0x2] =	stream.linear.gather [spmem:s23], $0x80, $0x38;
	[tilespmem:$0x4910] =	vst v63  }
0x5b: {  	s24 =	sadd.s32 s19, s21;
	s23 =	simm.s32 $0x2F20;
	s20 =	sor.u32 $0x7C00, s16  }
0x5c: {  	[tilespmem:s23], [sflag:$0x2] =	stream.linear.gather [spmem:s24], $0x80, $0x38;
	[tilespmem:$0x4910] =	vst v63  }
0x5d: {  	s21 =	sadd.s32 s20, s21;
	s24 =	simm.s32 $0x2FA0;
	s23 =	simm.s32 $0x2  }
0x5e: {  	[tilespmem:s24], [sflag:$0x2] =	stream.linear.gather [spmem:s21], $0x80, $0x38;
	[tilespmem:$0x4910] =	vst v63  }
0x5f: {  	_ =	swait.ge [sflag:s23], $0x80  }
0x60: {  	[sflag:s23] =	ssyncset.done $0x0  }
0x61: {  	[sflag:s23] =	ssyncadd.s32 $0xFFFFFF80  }
0x62: {  	_ =	swait.ge [sflag:s23], $0x80  }
0x63: {  	[sflag:s23] =	ssyncset.done $0x0  }
0x64: {  	[sflag:s23] =	ssyncadd.s32 $0xFFFFFF80  }
0x65: {  	_ =	swait.ge [sflag:s23], $0x80  }
0x66: {  	[sflag:s23] =	ssyncset.done $0x0  }
0x67: {  	[sflag:s23] =	ssyncadd.s32 $0xFFFFFF80  }
0x68: {  	_ =	swait.ge [sflag:s23], $0x80  }
0x69: {  	[sflag:s23] =	ssyncset.done $0x0  }
0x6a: {  	[sflag:s23] =	ssyncadd.s32 $0xFFFFFF80  }
0x6b: {  	_ =	swait.ge [sflag:s23], $0x80  }
0x6c: {  	[sflag:s23] =	ssyncset.done $0x0  }
0x6d: {  	[sflag:s23] =	ssyncadd.s32 $0xFFFFFF80  }
0x6e: {  	_ =	swait.ge [sflag:s23], $0x80  }
0x6f: {  	[sflag:s23] =	ssyncset.done $0x0  }
0x70: {  	[sflag:s23] =	ssyncadd.s32 $0xFFFFFF80  }
0x71: {  	_ =	swait.ge [sflag:s23], $0x80  }
0x72: {  	[sflag:s23] =	ssyncset.done $0x0  }
0x73: {  	[sflag:s23] =	ssyncadd.s32 $0xFFFFFF80  }
0x74: {  	_ =	swait.ge [sflag:s23], $0x80  }
0x75: {  	[sflag:s23] =	ssyncset.done $0x0  }
0x76: {  	[sflag:s23] =	ssyncadd.s32 $0xFFFFFF80  }
0x77: {  	_ =	swait.ge [sflag:s23], $0x80  }
0x78: {  	[sflag:s23] =	ssyncset.done $0x0  }
0x79: {  	[sflag:s23] =	ssyncadd.s32 $0xFFFFFF80  }
0x7a: {  	_ =	swait.ge [sflag:s23], $0x80  }
0x7b: {  	[sflag:s23] =	ssyncset.done $0x0  }
0x7c: {  	[sflag:s23] =	ssyncadd.s32 $0xFFFFFF80  }
0x7d: {  	_ =	swait.ge [sflag:s23], $0x80  }
0x7e: {  	[sflag:s23] =	ssyncset.done $0x0  }
0x7f: {  	[sflag:s23] =	ssyncadd.s32 $0xFFFFFF80  }
0x80: {  	_ =	swait.ge [sflag:s23], $0x80  }
0x81: {  	[sflag:s23] =	ssyncset.done $0x0  }
0x82: {  	[sflag:s23] =	ssyncadd.s32 $0xFFFFFF80  }
0x83: {  	_ =	swait.ge [sflag:s23], $0x80  }
0x84: {  	[sflag:s23] =	ssyncset.done $0x0  }
0x85: {  	[sflag:s23] =	ssyncadd.s32 $0xFFFFFF80  }
0x86: {  	_ =	swait.ge [sflag:s23], $0x80  }
0x87: {  	[sflag:s23] =	ssyncset.done $0x0  }
0x88: {  	[sflag:s23] =	ssyncadd.s32 $0xFFFFFF80  }
0x89: {  	_ =	swait.ge [sflag:s23], $0x80  }
0x8a: {  	[sflag:s23] =	ssyncset.done $0x0  }
0x8b: {  	[sflag:s23] =	ssyncadd.s32 $0xFFFFFF80  }
0x8c: {  	_ =	swait.ge [sflag:s23], $0x80  }
0x8d: {  	[sflag:s23] =	ssyncset.done $0x0  }
0x8e: {  	[sflag:s23] =	ssyncadd.s32 $0xFFFFFF80  }
0x8f: {  	_ =	swait.ge [sflag:s23], $0x80  }
0x90: {  	[sflag:s23] =	ssyncset.done $0x0  }
0x91: {  	[sflag:s23] =	ssyncadd.s32 $0xFFFFFF80  }
0x92: {  	_ =	swait.ge [sflag:s23], $0x80  }
0x93: {  	[sflag:s23] =	ssyncset.done $0x0  }
0x94: {  	[sflag:s23] =	ssyncadd.s32 $0xFFFFFF80  }
0x95: {  	_ =	swait.ge [sflag:s23], $0x80  }
0x96: {  	[sflag:s23] =	ssyncset.done $0x0  }
0x97: {  	[sflag:s23] =	ssyncadd.s32 $0xFFFFFF80  }
0x98: {  	_ =	swait.ge [sflag:s23], $0x80  }
0x99: {  	[sflag:s23] =	ssyncset.done $0x0  }
0x9a: {  	[sflag:s23] =	ssyncadd.s32 $0xFFFFFF80  }
0x9b: {  	_ =	swait.ge [sflag:s23], $0x80  }
0x9c: {  	[sflag:s23] =	ssyncset.done $0x0  }
0x9d: {  	[sflag:s23] =	ssyncadd.s32 $0xFFFFFF80  }
0x9e: {  	_ =	swait.ge [sflag:s23], $0x80  }
0x9f: {  	[sflag:s23] =	ssyncset.done $0x0  }
0xa0: {  	[sflag:s23] =	ssyncadd.s32 $0xFFFFFF80  }
0xa1: {  	_ =	swait.ge [sflag:s23], $0x80  }
0xa2: {  	[sflag:s23] =	ssyncset.done $0x0  }
0xa3: {  	[sflag:s23] =	ssyncadd.s32 $0xFFFFFF80  }
0xa4: {  	_ =	swait.ge [sflag:s23], $0x80  }
0xa5: {  	[sflag:s23] =	ssyncset.done $0x0  }
0xa6: {  	[sflag:s23] =	ssyncadd.s32 $0xFFFFFF80  }
0xa7: {  	_ =	swait.ge [sflag:s23], $0x80  }
0xa8: {  	[sflag:s23] =	ssyncset.done $0x0  }
0xa9: {  	[sflag:s23] =	ssyncadd.s32 $0xFFFFFF80  }
0xaa: {  	_ =	swait.ge [sflag:s23], $0x80  }
0xab: {  	[sflag:s23] =	ssyncset.done $0x0  }
0xac: {  	[sflag:s23] =	ssyncadd.s32 $0xFFFFFF80  }
0xad: {  	_ =	swait.ge [sflag:s23], $0x80  }
0xae: {  	[sflag:s23] =	ssyncset.done $0x0  }
0xaf: {  	[sflag:s23] =	ssyncadd.s32 $0xFFFFFF80  }
0xb0: {  	_ =	swait.ge [sflag:s23], $0x80  }
0xb1: {  	[sflag:s23] =	ssyncset.done $0x0  }
0xb2: {  	[sflag:s23] =	ssyncadd.s32 $0xFFFFFF80  }
0xb3: {  	_ =	swait.ge [sflag:s23], $0x80  }
0xb4: {  	[sflag:s23] =	ssyncset.done $0x0  }
0xb5: {  	[sflag:s23] =	ssyncadd.s32 $0xFFFFFF80  }
0xb6: {  	_ =	swait.ge [sflag:s23], $0x80  }
0xb7: {  	[sflag:s23] =	ssyncset.done $0x0  }
0xb8: {  	[sflag:s23] =	ssyncadd.s32 $0xFFFFFF80  }
0xb9: {  	_ =	swait.ge [sflag:s23], $0x80  }
0xba: {  	[sflag:s23] =	ssyncset.done $0x0  }
0xbb: {  	[sflag:s23] =	ssyncadd.s32 $0xFFFFFF80  }
0xbc: {  	_ =	swait.ge [sflag:s23], $0x80  }
0xbd: {  	[sflag:s23] =	ssyncset.done $0x0  }
0xbe: {  	[sflag:s23] =	ssyncadd.s32 $0xFFFFFF80  }
0xbf: {  	v1 =	vld [tilespmem:s22+$0x0]  }
0xc0: {  	v2 =	vld [tilespmem:s22+$0xFFFFFFFF];
	_ =	sdelay $0x4  }
0xc1: {  	vm0 =	vne.s32 v1, v2;
	vm1 =	vne.s32 v1, $0x0  }
0xc2: {  	vm1 =	vmand vm1, vm0  }
0xc3: {  	v2 =	vsel vm1, $0x1, v0  }
0xc4: {  	(xrf0) =	vadd.scan.msk.s32 $0xffff, v2  }
0xc5: {  	v2 =	vlaneseq.u32  }
0xc6: {  	v2 =	vmul.u32 $0xFFFFFFFF, v2  }
0xc7: {  	s24 =	simm.s32 $0x1000  }
0xc8: {  	v3 =	vadd.s32 s24, v0;
	v2 =	vadd.s32 $0xFFFFFFFF, v2  }
0xc9: {  	v5 =	vadd.s32 $0xFFFFFFFF, v0;
	v4 =	vmpcnt.ones.xlane vm1;
	v3 =	vadd.s32 v2, v3  }
0xca: {  	v5 =	vsel vm1, v5, v3;
	v6, _, _ =	vpop (xrf0)  }
0xcb: {  	s21 =	simm.s32 $0x3090;
	s23 =	simm.s32 $0xFF0;
	v3 =	vnsel vm0, $0x0, v1;
	v1 =	vadd.s32 v0, v4;
	v4 =	vadd.s32 v6, v5  }
.LBB2_1:
0xcc: {  	_ =	sdelay $0x2  }
0xcd: {  	p0 =	sne.s32 s23, $0x10  }
0xce: {  	[tilespmem:v4+s21+$0x0] =	vst.idx.msk $0xffff, v3;
	s22 =	sadd.s32 $0x10, s22;
	v4 =	vmov v1;
	s24 =	smov.u32 s23;
	s23 =	sadd.s32 $0xFFFFFFF0, s23  }
0xcf: {  	v3 =	vld [tilespmem:s22+$0x0]  }
0xd0: {  	v5 =	vld [tilespmem:s22+$0xFFFFFFFF];
	_ =	sdelay $0x4  }
0xd1: {  	vm1 =	vne.s32 v3, $0x0;
	vm0 =	vne.s32 v3, v5  }
0xd2: {  	vm1 =	vmand vm1, vm0;
	v3 =	vnsel vm0, $0x0, v3  }
0xd3: {  	v5 =	vsel vm1, $0x1, v0;
	v6 =	vmpcnt.ones.xlane vm1  }
0xd4: {  	(xrf0) =	vadd.scan.msk.s32 $0xffff, v5  }
0xd5: {  	v1 =	vadd.s32 v1, v6;
	_ =	sdelay $0x1  }
.Ltmp0:
0xd6: {  	(pc) =	sbr.rel @p0 .LBB2_1-.Ltmp0, $4  }
0xd7: {  	v7 =	vadd.s32 s24, v4  }
0xd8: {  	v4 =	vadd.s32 $0xFFFFFFFF, v4;
	v6 =	vadd.s32 v2, v7  }
0xd9: {  	v4 =	vsel vm1, v4, v6;
	v5, _, _ =	vpop (xrf0)  }
0xda: {  	v4 =	vadd.s32 v5, v4  }
0xdb: {  	_ =	sdelay $0x3  }
0xdc: {  	[tilespmem:v4+s21+$0x0] =	vst.idx.msk $0xffff, v3;
	s16 =	sadd.s32 s16, s4;
	s22 =	simm.s32 $0x3090;
	s23 =	rddreg [dreg:$0x10]  }
0xdd: {  	[spmem:s16] =	stream.linear.scatter [tilespmem:s22], [sflag:$0x2], $0x80, $0x38;
	[tilespmem:$0x4910] =	vst v63  }
0xde: {  	s24 =	simm.s32 $0x3110;
	s21 =	rddreg [dreg:$0x11];
	s16 =	sadd.s32 s23, s4  }
0xdf: {  	[spmem:s16] =	stream.linear.scatter [tilespmem:s24], [sflag:$0x2], $0x80, $0x38;
	[tilespmem:$0x4910] =	vst v63  }
0xe0: {  	s22 =	simm.s32 $0x3190;
	s23 =	rddreg [dreg:$0x12];
	s16 =	sadd.s32 s21, s4  }
0xe1: {  	[spmem:s16] =	stream.linear.scatter [tilespmem:s22], [sflag:$0x2], $0x80, $0x38;
	[tilespmem:$0x4910] =	vst v63  }
0xe2: {  	s24 =	simm.s32 $0x3210;
	s21 =	rddreg [dreg:$0x13];
	s16 =	sadd.s32 s23, s4  }
0xe3: {  	[spmem:s16] =	stream.linear.scatter [tilespmem:s24], [sflag:$0x2], $0x80, $0x38;
	[tilespmem:$0x4910] =	vst v63  }
0xe4: {  	s22 =	simm.s32 $0x3290;
	s23 =	rddreg [dreg:$0x14];
	s16 =	sadd.s32 s21, s4  }
0xe5: {  	[spmem:s16] =	stream.linear.scatter [tilespmem:s22], [sflag:$0x2], $0x80, $0x38;
	[tilespmem:$0x4910] =	vst v63  }
0xe6: {  	s24 =	simm.s32 $0x3310;
	s21 =	rddreg [dreg:$0x15];
	s16 =	sadd.s32 s23, s4  }
0xe7: {  	[spmem:s16] =	stream.linear.scatter [tilespmem:s24], [sflag:$0x2], $0x80, $0x38;
	[tilespmem:$0x4910] =	vst v63  }
0xe8: {  	s22 =	simm.s32 $0x3390;
	s23 =	rddreg [dreg:$0x16];
	s16 =	sadd.s32 s21, s4  }
0xe9: {  	[spmem:s16] =	stream.linear.scatter [tilespmem:s22], [sflag:$0x2], $0x80, $0x38;
	[tilespmem:$0x4910] =	vst v63  }
0xea: {  	s24 =	simm.s32 $0x3410;
	s16 =	sadd.s32 s23, s4  }
0xeb: {  	[spmem:s16] =	stream.linear.scatter [tilespmem:s24], [sflag:$0x2], $0x80, $0x38;
	[tilespmem:$0x4910] =	vst v63  }
0xec: {  	s22 =	sadd.s32 s25, s4;
	s23 =	simm.s32 $0x3490  }
0xed: {  	[spmem:s22] =	stream.linear.scatter [tilespmem:s23], [sflag:$0x2], $0x80, $0x38;
	[tilespmem:$0x4910] =	vst v63  }
0xee: {  	s25 =	simm.s32 $0x3510;
	s24 =	sadd.s32 s26, s4  }
0xef: {  	[spmem:s24] =	stream.linear.scatter [tilespmem:s25], [sflag:$0x2], $0x80, $0x38;
	[tilespmem:$0x4910] =	vst v63  }
0xf0: {  	s26 =	sadd.s32 s28, s4;
	s28 =	simm.s32 $0x3590  }
0xf1: {  	[spmem:s26] =	stream.linear.scatter [tilespmem:s28], [sflag:$0x2], $0x80, $0x38;
	[tilespmem:$0x4910] =	vst v63  }
0xf2: {  	s22 =	sadd.s32 s29, s4;
	s23 =	simm.s32 $0x3610  }
0xf3: {  	[spmem:s22] =	stream.linear.scatter [tilespmem:s23], [sflag:$0x2], $0x80, $0x38;
	[tilespmem:$0x4910] =	vst v63  }
0xf4: {  	s24 =	sadd.s32 s30, s4;
	s25 =	simm.s32 $0x3690  }
0xf5: {  	[spmem:s24] =	stream.linear.scatter [tilespmem:s25], [sflag:$0x2], $0x80, $0x38;
	[tilespmem:$0x4910] =	vst v63  }
0xf6: {  	s26 =	sadd.s32 s31, s4;
	s28 =	simm.s32 $0x3710  }
0xf7: {  	[spmem:s26] =	stream.linear.scatter [tilespmem:s28], [sflag:$0x2], $0x80, $0x38;
	[tilespmem:$0x4910] =	vst v63  }
0xf8: {  	s0 =	sadd.s32 s0, s4;
	s29 =	simm.s32 $0x3790  }
0xf9: {  	[spmem:s0] =	stream.linear.scatter [tilespmem:s29], [sflag:$0x2], $0x80, $0x38;
	[tilespmem:$0x4910] =	vst v63  }
0xfa: {  	s30 =	sadd.s32 s1, s4;
	s31 =	simm.s32 $0x3810  }
0xfb: {  	[spmem:s30] =	stream.linear.scatter [tilespmem:s31], [sflag:$0x2], $0x80, $0x38;
	[tilespmem:$0x4910] =	vst v63  }
0xfc: {  	s1 =	sadd.s32 s2, s4;
	s2 =	simm.s32 $0x3890  }
0xfd: {  	[spmem:s1] =	stream.linear.scatter [tilespmem:s2], [sflag:$0x2], $0x80, $0x38;
	[tilespmem:$0x4910] =	vst v63  }
0xfe: {  	s3 =	sadd.s32 s3, s4;
	s16 =	simm.s32 $0x3910  }
0xff: {  	[spmem:s3] =	stream.linear.scatter [tilespmem:s16], [sflag:$0x2], $0x80, $0x38;
	[tilespmem:$0x4910] =	vst v63  }
0x100: {  	s21 =	sadd.s32 s5, s4;
	s22 =	simm.s32 $0x3990  }
0x101: {  	[spmem:s21] =	stream.linear.scatter [tilespmem:s22], [sflag:$0x2], $0x80, $0x38;
	[tilespmem:$0x4910] =	vst v63  }
0x102: {  	s23 =	sadd.s32 s8, s4;
	s24 =	simm.s32 $0x3A10  }
0x103: {  	[spmem:s23] =	stream.linear.scatter [tilespmem:s24], [sflag:$0x2], $0x80, $0x38;
	[tilespmem:$0x4910] =	vst v63  }
0x104: {  	s25 =	sadd.s32 s10, s4;
	s26 =	simm.s32 $0x3A90  }
0x105: {  	[spmem:s25] =	stream.linear.scatter [tilespmem:s26], [sflag:$0x2], $0x80, $0x38;
	[tilespmem:$0x4910] =	vst v63  }
0x106: {  	s28 =	sadd.s32 s11, s4;
	s29 =	simm.s32 $0x3B10  }
0x107: {  	[spmem:s28] =	stream.linear.scatter [tilespmem:s29], [sflag:$0x2], $0x80, $0x38;
	[tilespmem:$0x4910] =	vst v63  }
0x108: {  	s30 =	sadd.s32 s12, s4;
	s31 =	simm.s32 $0x3B90  }
0x109: {  	[spmem:s30] =	stream.linear.scatter [tilespmem:s31], [sflag:$0x2], $0x80, $0x38;
	[tilespmem:$0x4910] =	vst v63  }
0x10a: {  	s1 =	sadd.s32 s14, s4;
	s2 =	simm.s32 $0x3C10  }
0x10b: {  	[spmem:s1] =	stream.linear.scatter [tilespmem:s2], [sflag:$0x2], $0x80, $0x38;
	[tilespmem:$0x4910] =	vst v63  }
0x10c: {  	s5 =	simm.s32 $0x3C90;
	s3 =	sadd.s32 s6, s4  }
0x10d: {  	[spmem:s3] =	stream.linear.scatter [tilespmem:s5], [sflag:$0x2], $0x80, $0x38;
	[tilespmem:$0x4910] =	vst v63  }
0x10e: {  	s8 =	simm.s32 $0x3D10;
	s6 =	sadd.s32 s9, s4  }
0x10f: {  	[spmem:s6] =	stream.linear.scatter [tilespmem:s8], [sflag:$0x2], $0x80, $0x38;
	[tilespmem:$0x4910] =	vst v63  }
0x110: {  	s10 =	simm.s32 $0x3D90;
	s9 =	sadd.s32 s13, s4  }
0x111: {  	[spmem:s9] =	stream.linear.scatter [tilespmem:s10], [sflag:$0x2], $0x80, $0x38;
	[tilespmem:$0x4910] =	vst v63  }
0x112: {  	s11 =	sadd.s32 s15, s4;
	s12 =	simm.s32 $0x3E10  }
0x113: {  	[spmem:s11] =	stream.linear.scatter [tilespmem:s12], [sflag:$0x2], $0x80, $0x38;
	[tilespmem:$0x4910] =	vst v63  }
0x114: {  	s14 =	simm.s32 $0x3E90;
	s13 =	sadd.s32 s17, s4  }
0x115: {  	[spmem:s13] =	stream.linear.scatter [tilespmem:s14], [sflag:$0x2], $0x80, $0x38;
	[tilespmem:$0x4910] =	vst v63  }
0x116: {  	s15 =	sadd.s32 s18, s4;
	s16 =	simm.s32 $0x3F10  }
0x117: {  	[spmem:s15] =	stream.linear.scatter [tilespmem:s16], [sflag:$0x2], $0x80, $0x38;
	[tilespmem:$0x4910] =	vst v63  }
0x118: {  	s18 =	simm.s32 $0x3F90;
	s17 =	sadd.s32 s19, s4;
	s21 =	rddreg [dreg:$0xf]  }
0x119: {  	[spmem:s17] =	stream.linear.scatter [tilespmem:s18], [sflag:$0x2], $0x80, $0x38;
	[tilespmem:$0x4910] =	vst v63  }
0x11a: {  	s19 =	sadd.s32 s20, s4;
	s20 =	simm.s32 $0x4010;
	s3 =	rddreg [dreg:$0x5]  }
0x11b: {  	[spmem:s19] =	stream.linear.scatter [tilespmem:s20], [sflag:$0x2], $0x80, $0x38;
	[tilespmem:$0x4910] =	vst v63  }
0x11c: {  	s22 =	simm.s32 $0x4090;
	s23 =	simm.s32 $0x4;
	s0 =	sadd.s32 s21, s3;
	[tilespmem:$0x4090] =	vst v1  }
0x11d: {  	[spmem:s0] =	stream.linear.scatter [tilespmem:s22], [sflag:$0x4], $0x80, $0x38;
	[tilespmem:$0x4910] =	vst v63  }
0x11e: {  	_ =	swait.ge [sflag:s23], $0x80  }
0x11f: {  	[sflag:s23] =	ssyncset.done $0x0  }
0x120: {  	s24 =	simm.s32 $0x2;
	[sflag:s23] =	ssyncadd.s32 $0xFFFFFF80  }
0x121: {  	_ =	swait.ge [sflag:s24], $0x80  }
0x122: {  	[sflag:s24] =	ssyncset.done $0x0  }
0x123: {  	[sflag:s24] =	ssyncadd.s32 $0xFFFFFF80  }
0x124: {  	_ =	swait.ge [sflag:s24], $0x80  }
0x125: {  	[sflag:s24] =	ssyncset.done $0x0  }
0x126: {  	[sflag:s24] =	ssyncadd.s32 $0xFFFFFF80  }
0x127: {  	_ =	swait.ge [sflag:s24], $0x80  }
0x128: {  	[sflag:s24] =	ssyncset.done $0x0  }
0x129: {  	[sflag:s24] =	ssyncadd.s32 $0xFFFFFF80  }
0x12a: {  	_ =	swait.ge [sflag:s24], $0x80  }
0x12b: {  	[sflag:s24] =	ssyncset.done $0x0  }
0x12c: {  	[sflag:s24] =	ssyncadd.s32 $0xFFFFFF80  }
0x12d: {  	_ =	swait.ge [sflag:s24], $0x80  }
0x12e: {  	[sflag:s24] =	ssyncset.done $0x0  }
0x12f: {  	[sflag:s24] =	ssyncadd.s32 $0xFFFFFF80  }
0x130: {  	_ =	swait.ge [sflag:s24], $0x80  }
0x131: {  	[sflag:s24] =	ssyncset.done $0x0  }
0x132: {  	[sflag:s24] =	ssyncadd.s32 $0xFFFFFF80  }
0x133: {  	_ =	swait.ge [sflag:s24], $0x80  }
0x134: {  	[sflag:s24] =	ssyncset.done $0x0  }
0x135: {  	[sflag:s24] =	ssyncadd.s32 $0xFFFFFF80  }
0x136: {  	_ =	swait.ge [sflag:s24], $0x80  }
0x137: {  	[sflag:s24] =	ssyncset.done $0x0  }
0x138: {  	[sflag:s24] =	ssyncadd.s32 $0xFFFFFF80  }
0x139: {  	_ =	swait.ge [sflag:s24], $0x80  }
0x13a: {  	[sflag:s24] =	ssyncset.done $0x0  }
0x13b: {  	[sflag:s24] =	ssyncadd.s32 $0xFFFFFF80  }
0x13c: {  	_ =	swait.ge [sflag:s24], $0x80  }
0x13d: {  	[sflag:s24] =	ssyncset.done $0x0  }
0x13e: {  	[sflag:s24] =	ssyncadd.s32 $0xFFFFFF80  }
0x13f: {  	_ =	swait.ge [sflag:s24], $0x80  }
0x140: {  	[sflag:s24] =	ssyncset.done $0x0  }
0x141: {  	[sflag:s24] =	ssyncadd.s32 $0xFFFFFF80  }
0x142: {  	_ =	swait.ge [sflag:s24], $0x80  }
0x143: {  	[sflag:s24] =	ssyncset.done $0x0  }
0x144: {  	[sflag:s24] =	ssyncadd.s32 $0xFFFFFF80  }
0x145: {  	_ =	swait.ge [sflag:s24], $0x80  }
0x146: {  	[sflag:s24] =	ssyncset.done $0x0  }
0x147: {  	[sflag:s24] =	ssyncadd.s32 $0xFFFFFF80  }
0x148: {  	_ =	swait.ge [sflag:s24], $0x80  }
0x149: {  	[sflag:s24] =	ssyncset.done $0x0  }
0x14a: {  	[sflag:s24] =	ssyncadd.s32 $0xFFFFFF80  }
0x14b: {  	_ =	swait.ge [sflag:s24], $0x80  }
0x14c: {  	[sflag:s24] =	ssyncset.done $0x0  }
0x14d: {  	[sflag:s24] =	ssyncadd.s32 $0xFFFFFF80  }
0x14e: {  	_ =	swait.ge [sflag:s24], $0x80  }
0x14f: {  	[sflag:s24] =	ssyncset.done $0x0  }
0x150: {  	[sflag:s24] =	ssyncadd.s32 $0xFFFFFF80  }
0x151: {  	_ =	swait.ge [sflag:s24], $0x80  }
0x152: {  	[sflag:s24] =	ssyncset.done $0x0  }
0x153: {  	[sflag:s24] =	ssyncadd.s32 $0xFFFFFF80  }
0x154: {  	_ =	swait.ge [sflag:s24], $0x80  }
0x155: {  	[sflag:s24] =	ssyncset.done $0x0  }
0x156: {  	[sflag:s24] =	ssyncadd.s32 $0xFFFFFF80  }
0x157: {  	_ =	swait.ge [sflag:s24], $0x80  }
0x158: {  	[sflag:s24] =	ssyncset.done $0x0  }
0x159: {  	[sflag:s24] =	ssyncadd.s32 $0xFFFFFF80  }
0x15a: {  	_ =	swait.ge [sflag:s24], $0x80  }
0x15b: {  	[sflag:s24] =	ssyncset.done $0x0  }
0x15c: {  	[sflag:s24] =	ssyncadd.s32 $0xFFFFFF80  }
0x15d: {  	_ =	swait.ge [sflag:s24], $0x80  }
0x15e: {  	[sflag:s24] =	ssyncset.done $0x0  }
0x15f: {  	[sflag:s24] =	ssyncadd.s32 $0xFFFFFF80  }
0x160: {  	_ =	swait.ge [sflag:s24], $0x80  }
0x161: {  	[sflag:s24] =	ssyncset.done $0x0  }
0x162: {  	[sflag:s24] =	ssyncadd.s32 $0xFFFFFF80  }
0x163: {  	_ =	swait.ge [sflag:s24], $0x80  }
0x164: {  	[sflag:s24] =	ssyncset.done $0x0  }
0x165: {  	[sflag:s24] =	ssyncadd.s32 $0xFFFFFF80  }
0x166: {  	_ =	swait.ge [sflag:s24], $0x80  }
0x167: {  	[sflag:s24] =	ssyncset.done $0x0  }
0x168: {  	[sflag:s24] =	ssyncadd.s32 $0xFFFFFF80  }
0x169: {  	_ =	swait.ge [sflag:s24], $0x80  }
0x16a: {  	[sflag:s24] =	ssyncset.done $0x0  }
0x16b: {  	[sflag:s24] =	ssyncadd.s32 $0xFFFFFF80  }
0x16c: {  	_ =	swait.ge [sflag:s24], $0x80  }
0x16d: {  	[sflag:s24] =	ssyncset.done $0x0  }
0x16e: {  	[sflag:s24] =	ssyncadd.s32 $0xFFFFFF80  }
0x16f: {  	_ =	swait.ge [sflag:s24], $0x80  }
0x170: {  	[sflag:s24] =	ssyncset.done $0x0  }
0x171: {  	[sflag:s24] =	ssyncadd.s32 $0xFFFFFF80  }
0x172: {  	_ =	swait.ge [sflag:s24], $0x80  }
0x173: {  	[sflag:s24] =	ssyncset.done $0x0  }
0x174: {  	[sflag:s24] =	ssyncadd.s32 $0xFFFFFF80  }
0x175: {  	_ =	swait.ge [sflag:s24], $0x80  }
0x176: {  	[sflag:s24] =	ssyncset.done $0x0  }
0x177: {  	[sflag:s24] =	ssyncadd.s32 $0xFFFFFF80  }
0x178: {  	_ =	swait.ge [sflag:s24], $0x80  }
0x179: {  	[sflag:s24] =	ssyncset.done $0x0  }
0x17a: {  	[sflag:s24] =	ssyncadd.s32 $0xFFFFFF80  }
0x17b: {  	_ =	swait.ge [sflag:s24], $0x80  }
0x17c: {  	[sflag:s24] =	ssyncset.done $0x0  }
0x17d: {  	[sflag:s24] =	ssyncadd.s32 $0xFFFFFF80  }
0x17e: {  	_ =	swait.ge [sflag:s24], $0x80  }
0x17f: {  	[sflag:s24] =	ssyncset.done $0x0  }
0x180: {  	s28 =	rddreg [dreg:$0xb];
	[sflag:s24] =	ssyncadd.s32 $0xFFFFFF80  }
0x181: {  	s26 =	rddreg [dreg:$0x1];
	[bflag:$0x0] =	sbarrier.arrive $0xFFFF  }
0x182: {  	s25 =	sadd.s32 s7, s4;
	s29 =	rddreg [dreg:$0xa]  }
0x183: {  	s0 =	sshrl.u32 s25, $0x3;
	s1 =	sadd.s32 s26, s28;
	s2 =	sor.u32 $0x1C03, s29  }
0x184: {  	[hbm:s1], [sflag:s2] =	dma.local [spmem:s0], $0x80  }
0x185: {  	s0 =	rddreg [dreg:$0x7]  }
0x186: {  	s1 =	rddreg [dreg:$0x8];
	s0 =	sadd.s32 s0, s4  }
0x187: {  	s1 =	sadd.s32 s26, s1;
	s0 =	sshrl.u32 s0, $0x3  }
0x188: {  	[hbm:s1], [sflag:s2] =	dma.local [spmem:s0], $0x80  }
0x189: {  	s0 =	rddreg [dreg:$0x9]  }
0x18a: {  	s1 =	rddreg [dreg:$0xc];
	s0 =	sadd.s32 s0, s4  }
0x18b: {  	s1 =	sadd.s32 s26, s1;
	s0 =	sshrl.u32 s0, $0x3  }
0x18c: {  	[hbm:s1], [sflag:s2] =	dma.local [spmem:s0], $0x80  }
0x18d: {  	s30 =	stileid.u32;
	s0 =	rddreg [dreg:$0xd]  }
0x18e: {  	p0 =	sne.s32 s30, $0x0;
	s1 =	rddreg [dreg:$0xe];
	s0 =	sadd.s32 s0, s4  }
0x18f: {  	v0 =	vlaneseq.u32 @!p0;
	s1 =	sadd.s32 s26, s1;
	s0 =	sshrl.u32 s0, $0x3  }
0x190: {  	v0 =	vmul.u32 @!p0 $0x81, v0;
	[hbm:s1], [sflag:s2] =	dma.local [spmem:s0], $0x80  }
0x191: {  	s0 =	simm.s32 @!p0 $0x4110;
	s1 =	simm.s32 @!p0 $0x4  }
0x192: {  	[tilespmem:s0], [sflag:$0x4] =	stream.linear.gather @!p0 [spmem:s3], $0x800, $0x38;
	[tilespmem:$0x4910] =	vst v63  }
0x193: {  	_ =	swait.ge @!p0 [sflag:s1], $0x800  }
0x194: {  	[sflag:s1] =	ssyncset.done @!p0 $0x0  }
0x195: {  	[sflag:s1] =	ssyncadd.s32 @!p0 $0xFFFFF800  }
0x196: {  	v0 =	vld.idx.msk @!p0 [tilespmem:v0+s0+$0x0], $0xffff;
	_ =	sdelay $0x4  }
0x197: {  	s2 =	simm.s32 @!p0 $0x4090;
	s0 =	simm.s32 @!p0 $0x0;
	s3 =	rddreg [dreg:$0x2];
	[tilespmem:$0x4090] =	vst @!p0 v0  }
0x198: {  	[hbm4b:s3+s0] =	stream.linear.scatter @!p0 [tilespmem:s2], [sflag:$0x4], $0x80, $0x38;
	[tilespmem:$0x4910] =	vst v63  }
0x199: {  	_ =	swait.ge @!p0 [sflag:s1], $0x80  }
0x19a: {  	[sflag:s1] =	ssyncset.done @!p0 $0x0  }
0x19b: {  	s31 =	simm.s32 $0x3;
	[sflag:s1] =	ssyncadd.s32 @!p0 $0xFFFFFF80  }
0x19c: {  	_ =	swait.ge [sflag:s31], $0x80  }
0x19d: {  	[sflag:s31] =	ssyncset.done $0x0  }
0x19e: {  	[sflag:s31] =	ssyncadd.s32 $0xFFFFFF80  }
0x19f: {  	_ =	swait.ge [sflag:s31], $0x80  }
0x1a0: {  	[sflag:s31] =	ssyncset.done $0x0  }
0x1a1: {  	[sflag:s31] =	ssyncadd.s32 $0xFFFFFF80  }
0x1a2: {  	_ =	swait.ge [sflag:s31], $0x80  }
0x1a3: {  	[sflag:s31] =	ssyncset.done $0x0  }
0x1a4: {  	[sflag:s31] =	ssyncadd.s32 $0xFFFFFF80  }
0x1a5: {  	_ =	swait.ge [sflag:s31], $0x80  }
0x1a6: {  	[sflag:s31] =	ssyncset.done $0x0  }
0x1a7: {  	[sflag:s31] =	ssyncadd.s32 $0xFFFFFF80  }
0x1a8: {  	_ =	sfence.sel $0x180000  }
0x1a9: {  	[bflag:$0x0] =	sbarrier.arrive $0xFFFF  }
0x1aa: {  	_ =	strace $0x90000047  }
0x1ab: {  	[bflag:$0x2] =	sbarrier.arrive $0xFFFF  }
0x1ac: {  	s0 =	rddreg [dreg:$0x6]  }
0x1ad: {  	s0 =	sadd.s32 @!p0 $0x100000, s0  }
0x1ae: {  	[sflag:s0] =	ssyncadd.tile.s32 @!p0 $0x1;
	_ =	shalt  }
.Lfunc_end2:
_tile_overlayer_lowered:
.L_overlay_start_2:
0x1af: {  	(tag) =	ssettag $0x2  }
0x1b0: {  	s0 =	rddreg [dreg:$0x0];
	s2 =	stileid.u32  }
0x1b1: {  	s1 =	rddreg [dreg:$0x1];
	p0 =	sne.s32 s2, $0x0  }
0x1b2: {  	s3 =	rddreg [dreg:$0x2];
	[bflag:$0x3] =	sbarrier.arrive $0xFFFF;
	s2 =	simm.s32 @!p0 $0x1C04  }
0x1b3: {  	[timem:s3], [sflag:s2] =	dma.local @!p0 [hbm:s0], s1  }
0x1b4: {  	s0 =	simm.s32 @!p0 $0x4  }
0x1b5: {  	_ =	swait.ge @!p0 [sflag:s0], s1  }
0x1b6: {  	s1 =	ssub.s32 @!p0 $0x0, s1;
	[sflag:s0] =	ssyncset.done @!p0 $0x0  }
0x1b7: {  	[sflag:s0] =	ssyncadd.s32 @!p0 s1  }
0x1b8: {  	[bflag:$0x3] =	sbarrier.arrive $0xFFFF  }
0x1b9: {  	_ =	shalt  }

</sc_bundles>
